<compile_context>
chip_gen: v7x
topology: tpu7x:2x2x1
jax: 0.10.2.dev20260603
libtpu: 0.0.44.dev20260713+nightly
codegen_flags: <defaults>
</compile_context>

<pallas_src>
import functools

import jax
import jax.numpy as jnp
from jax import lax
from jax.experimental import pallas as pl
from jax.experimental.pallas import tpu as pltpu
from jax.experimental.pallas import tpu_sc as plsc

NW = 32
E_PER_W = 10000
CHUNKS = 125
C = 80
W = 64
GROUPS = C // 16
NBUF = 5


def _body(chem, dis, src, dst, out, src_v, dst_v,
          cb0, cb1, cb2, cb3, cb4, db0, db1, db2, db3, db4, out_v,
          sem0, sem1, sem2, sem3, sem4):
    cbufs = (cb0, cb1, cb2, cb3, cb4)
    dbufs = (db0, db1, db2, db3, db4)
    sems = (sem0, sem1, sem2, sem3, sem4)

    wid = lax.axis_index("s") * 2 + lax.axis_index("c")
    pltpu.sync_copy(src.at[wid], src_v)
    pltpu.sync_copy(dst.at[wid], dst_v)

    lanes = lax.iota(jnp.int32, 16)
    himask = jnp.full((16,), -65536, jnp.int32)

    H = C // 2

    def issue(c, b):
        for h in range(2):
            pltpu.async_copy(
                chem.at[src_v.at[pl.ds(c * C + h * H, H)]],
                cbufs[b].at[pl.ds(h * H, H)], sems[b])
            pltpu.async_copy(
                dis.at[dst_v.at[pl.ds(c * C + h * H, H)]],
                dbufs[b].at[pl.ds(h * H, H)], sems[b])

    def drain(b):
        for h in range(2):
            pltpu.make_async_copy(
                chem.at[src_v.at[pl.ds(0, H)]],
                cbufs[b].at[pl.ds(h * H, H)], sems[b]).wait()
            pltpu.make_async_copy(
                dis.at[dst_v.at[pl.ds(0, H)]],
                dbufs[b].at[pl.ds(h * H, H)], sems[b]).wait()

    def compute(c, b):
        def group(g, _):
            rows = g * 16 + lanes

            def wstep(w8, accs):
                acc0, acc1 = accs
                base = jnp.full((16,), 0, jnp.int32) + w8 * 8
                for j in range(8):
                    col = base + j
                    cw = plsc.load_gather(cbufs[b], [rows, col])
                    dw = plsc.load_gather(dbufs[b], [rows, col])
                    clo = plsc.bitcast(lax.shift_left(cw, 16), jnp.float32)
                    dlo = plsc.bitcast(lax.shift_left(dw, 16), jnp.float32)
                    chi = plsc.bitcast(lax.bitwise_and(cw, himask), jnp.float32)
                    dhi = plsc.bitcast(lax.bitwise_and(dw, himask), jnp.float32)
                    acc0 = acc0 + clo * dlo
                    acc1 = acc1 + chi * dhi
                return acc0, acc1

            zero = jnp.zeros((16,), jnp.float32)
            acc0, acc1 = lax.fori_loop(0, W // 8, wstep, (zero, zero))
            out_v[pl.ds(c * C + g * 16, 16)] = acc0 + acc1
            return 0

        lax.fori_loop(0, GROUPS, group, 0)

    for b in range(NBUF):
        issue(b, b)

    def step(k, _):
        for b in range(NBUF):
            c = k * NBUF + b
            drain(b)
            compute(c, b)

            @pl.when(c + NBUF < CHUNKS)
            def _():
                issue(c + NBUF, b)

        return 0

    lax.fori_loop(0, CHUNKS // NBUF, step, 0)
    pltpu.sync_copy(out_v, out.at[wid])


@jax.jit
def _run(chem_packed, dis_packed, src, dst):
    kfn = functools.partial(
        pl.kernel,
        mesh=plsc.VectorSubcoreMesh(core_axis_name="c", subcore_axis_name="s"),
        compiler_params=pltpu.CompilerParams(
            needs_layout_passes=False, use_tc_tiling_on_sc=False),
        out_type=jax.ShapeDtypeStruct((NW, E_PER_W), jnp.float32),
        scratch_types=[
            pltpu.VMEM((E_PER_W,), jnp.int32),
            pltpu.VMEM((E_PER_W,), jnp.int32),
        ] + [pltpu.VMEM((C, W), jnp.int32)] * (2 * NBUF) + [
            pltpu.VMEM((E_PER_W,), jnp.float32),
        ] + [pltpu.SemaphoreType.DMA] * NBUF,
    )(_body)
    return kfn(chem_packed, dis_packed, src, dst)


def _pack_body(x_ref, o_ref):
    r = lax.bitcast_convert_type(x_ref[...], jnp.uint32)
    r = r + jnp.uint32(0x7FFF) + ((r >> 16) & jnp.uint32(1))
    w = (r[:, :64] >> 16) | (r[:, 64:] & jnp.uint32(0xFFFF0000))
    o_ref[...] = lax.bitcast_convert_type(w, jnp.int32)


def _pack(table):
    n = table.shape[0]
    blk = 10000
    return pl.pallas_call(
        _pack_body,
        grid=(n // blk,),
        in_specs=[pl.BlockSpec((blk, 128), lambda i: (i, 0))],
        out_specs=pl.BlockSpec((blk, 64), lambda i: (i, 0)),
        out_shape=jax.ShapeDtypeStruct((n, 64), jnp.int32),
    )(table)


def kernel(chemical, disease, edge_label_index):
    idx = edge_label_index.astype(jnp.int32)
    src = idx[0].reshape(NW, E_PER_W)
    dst = idx[1].reshape(NW, E_PER_W)
    out = _run(_pack(chemical), _pack(disease), src, dst)
    return out.reshape(NW * E_PER_W)

# --- scband reference (transcript-rebuilt; emitter-appended) ---
"""Pipeline reference for scband-link-predictor-4741643895139 (READ-ONLY COPY).

The authoritative reference and input builder live on the scoring server;
editing this copy changes nothing except your own understanding.
"""

import jax, jax.numpy as jnp
import numpy as np

def setup_inputs(seed: int = 0) -> dict:
    key = jax.random.key(seed)
    k1, k2, k3 = jax.random.split(key, 3)
    chemical = jax.random.normal(k1, (50000, 128), dtype=jnp.float32)
    disease = jax.random.normal(k2, (50000, 128), dtype=jnp.float32)
    edge_label_index = jax.random.randint(k3, (2, 320000), 0, 50000, dtype=jnp.int64)
    return {"chemical": chemical, "disease": disease, "edge_label_index": edge_label_index}

def reference(chemical, disease, edge_label_index):
    # x_dict['chemical'] -> chemical, x_dict['disease'] -> disease
    chem_src = jnp.take(chemical, edge_label_index[0], axis=0)
    dis_dst = jnp.take(disease, edge_label_index[1], axis=0)
    pred = (chem_src * dis_dst).sum(axis=-1)
    return pred

if __name__ == "__main__":
    import jax
    _d = setup_inputs()
    print(jax.jit(kernel)(*tuple(_d.values())))

</pallas_src>

<mosaic_0001>
#map = affine_map<(d0, d1) -> (0, 0)>
module attributes {stable_mosaic.version = 14 : i64} {
  func.func @_body(%arg0: i32, %arg1: i32, %arg2: memref<50000x64xi32, #tpu.memory_space<hbm>>, %arg3: memref<50000x64xi32, #tpu.memory_space<hbm>>, %arg4: memref<32x10000xi32, #tpu.memory_space<hbm>>, %arg5: memref<32x10000xi32, #tpu.memory_space<hbm>>, %arg6: memref<32x10000xf32, #tpu.memory_space<hbm>>, %arg7: memref<10000xi32, #tpu.memory_space<vmem>>, %arg8: memref<10000xi32, #tpu.memory_space<vmem>>, %arg9: memref<80x64xi32, #tpu.memory_space<vmem>>, %arg10: memref<80x64xi32, #tpu.memory_space<vmem>>, %arg11: memref<80x64xi32, #tpu.memory_space<vmem>>, %arg12: memref<80x64xi32, #tpu.memory_space<vmem>>, %arg13: memref<80x64xi32, #tpu.memory_space<vmem>>, %arg14: memref<80x64xi32, #tpu.memory_space<vmem>>, %arg15: memref<80x64xi32, #tpu.memory_space<vmem>>, %arg16: memref<80x64xi32, #tpu.memory_space<vmem>>, %arg17: memref<80x64xi32, #tpu.memory_space<vmem>>, %arg18: memref<80x64xi32, #tpu.memory_space<vmem>>, %arg19: memref<10000xf32, #tpu.memory_space<vmem>>, %arg20: memref<!tpu.dma_semaphore, #tpu.memory_space<semaphore_mem>>, %arg21: memref<!tpu.dma_semaphore, #tpu.memory_space<semaphore_mem>>, %arg22: memref<!tpu.dma_semaphore, #tpu.memory_space<semaphore_mem>>, %arg23: memref<!tpu.dma_semaphore, #tpu.memory_space<semaphore_mem>>, %arg24: memref<!tpu.dma_semaphore, #tpu.memory_space<semaphore_mem>>) attributes {dimension_semantics = [#tpu.dimension_semantics<core_parallel>, #tpu.dimension_semantics<subcore_parallel>], iteration_bounds = array<i64: 2, 16>, scalar_prefetch = 0 : i64, scratch_operands = 18 : i64, tpu.core_type = #tpu.core_type<sc_vector_subcore>, window_params = [{transform_indices = #map}, {transform_indices = #map}, {transform_indices = #map}, {transform_indices = #map}, {transform_indices = #map}]} {
    %mul3A = arith.constant 2 : i32
    %mul3A_0 = arith.muli %arg1, %mul3A : i32
    %add3A = arith.addi %mul3A_0, %arg0 : i32
    "tpu.region"() ({
      %run_scoped3A = tpu.sem_alloc : memref<!tpu.dma_semaphore, #tpu.memory_space<semaphore_mem>>
      %dma_start3A_167 = arith.constant 0 : i32
      %dma_start3A_168 = tpu.memref_slice %arg4[%add3A, %dma_start3A_167] : memref<32x10000xi32, #tpu.memory_space<hbm>> -> memref<1x10000xi32, #tpu.memory_space<hbm>>
      %dma_start3A_169 = tpu.memref_squeeze %dma_start3A_168 : memref<1x10000xi32, #tpu.memory_space<hbm>> -> memref<10000xi32, #tpu.memory_space<hbm>>
      %dma_start3A_170 = arith.constant 0 : i32
      %dma_start3A_171 = tpu.memref_slice %arg4[%add3A, %dma_start3A_170] : memref<32x10000xi32, #tpu.memory_space<hbm>> -> memref<1x10000xi32, #tpu.memory_space<hbm>>
      %dma_start3A_172 = tpu.memref_squeeze %dma_start3A_171 : memref<1x10000xi32, #tpu.memory_space<hbm>> -> memref<10000xi32, #tpu.memory_space<hbm>>
      tpu.enqueue_dma source(%dma_start3A_172 : memref<10000xi32, #tpu.memory_space<hbm>>) target(%arg7 : memref<10000xi32, #tpu.memory_space<vmem>>) target_semaphore(%run_scoped3A : memref<!tpu.dma_semaphore, #tpu.memory_space<semaphore_mem>>)
      %dma_wait3A = arith.constant 0 : i32
      %dma_wait3A_173 = tpu.memref_slice %arg4[%add3A, %dma_wait3A] : memref<32x10000xi32, #tpu.memory_space<hbm>> -> memref<1x10000xi32, #tpu.memory_space<hbm>>
      %dma_wait3A_174 = tpu.memref_squeeze %dma_wait3A_173 : memref<1x10000xi32, #tpu.memory_space<hbm>> -> memref<10000xi32, #tpu.memory_space<hbm>>
      %dma_wait3A_175 = arith.constant 0 : i32
      %dma_wait3A_176 = tpu.memref_slice %arg4[%add3A, %dma_wait3A_175] : memref<32x10000xi32, #tpu.memory_space<hbm>> -> memref<1x10000xi32, #tpu.memory_space<hbm>>
      %dma_wait3A_177 = tpu.memref_squeeze %dma_wait3A_176 : memref<1x10000xi32, #tpu.memory_space<hbm>> -> memref<10000xi32, #tpu.memory_space<hbm>>
      tpu.wait_dma2 semaphore(%run_scoped3A : memref<!tpu.dma_semaphore, #tpu.memory_space<semaphore_mem>>) src(%dma_wait3A_177 : memref<10000xi32, #tpu.memory_space<hbm>>) dst(%arg7 : memref<10000xi32, #tpu.memory_space<vmem>>)
      tpu.yield
    }) : () -> ()
    "tpu.region"() ({
      %run_scoped3A = tpu.sem_alloc : memref<!tpu.dma_semaphore, #tpu.memory_space<semaphore_mem>>
      %dma_start3A_167 = arith.constant 0 : i32
      %dma_start3A_168 = tpu.memref_slice %arg5[%add3A, %dma_start3A_167] : memref<32x10000xi32, #tpu.memory_space<hbm>> -> memref<1x10000xi32, #tpu.memory_space<hbm>>
      %dma_start3A_169 = tpu.memref_squeeze %dma_start3A_168 : memref<1x10000xi32, #tpu.memory_space<hbm>> -> memref<10000xi32, #tpu.memory_space<hbm>>
      %dma_start3A_170 = arith.constant 0 : i32
      %dma_start3A_171 = tpu.memref_slice %arg5[%add3A, %dma_start3A_170] : memref<32x10000xi32, #tpu.memory_space<hbm>> -> memref<1x10000xi32, #tpu.memory_space<hbm>>
      %dma_start3A_172 = tpu.memref_squeeze %dma_start3A_171 : memref<1x10000xi32, #tpu.memory_space<hbm>> -> memref<10000xi32, #tpu.memory_space<hbm>>
      tpu.enqueue_dma source(%dma_start3A_172 : memref<10000xi32, #tpu.memory_space<hbm>>) target(%arg8 : memref<10000xi32, #tpu.memory_space<vmem>>) target_semaphore(%run_scoped3A : memref<!tpu.dma_semaphore, #tpu.memory_space<semaphore_mem>>)
      %dma_wait3A = arith.constant 0 : i32
      %dma_wait3A_173 = tpu.memref_slice %arg5[%add3A, %dma_wait3A] : memref<32x10000xi32, #tpu.memory_space<hbm>> -> memref<1x10000xi32, #tpu.memory_space<hbm>>
      %dma_wait3A_174 = tpu.memref_squeeze %dma_wait3A_173 : memref<1x10000xi32, #tpu.memory_space<hbm>> -> memref<10000xi32, #tpu.memory_space<hbm>>
      %dma_wait3A_175 = arith.constant 0 : i32
      %dma_wait3A_176 = tpu.memref_slice %arg5[%add3A, %dma_wait3A_175] : memref<32x10000xi32, #tpu.memory_space<hbm>> -> memref<1x10000xi32, #tpu.memory_space<hbm>>
      %dma_wait3A_177 = tpu.memref_squeeze %dma_wait3A_176 : memref<1x10000xi32, #tpu.memory_space<hbm>> -> memref<10000xi32, #tpu.memory_space<hbm>>
      tpu.wait_dma2 semaphore(%run_scoped3A : memref<!tpu.dma_semaphore, #tpu.memory_space<semaphore_mem>>) src(%dma_wait3A_177 : memref<10000xi32, #tpu.memory_space<hbm>>) dst(%arg8 : memref<10000xi32, #tpu.memory_space<vmem>>)
      tpu.yield
    }) : () -> ()
    %iota3A = tpu.iota {dimensions = array<i32: 0>} : vector<16xi32>
    %broadcast_in_dim3A = arith.constant -65536 : i32
    %broadcast_in_dim3A_1 = vector.broadcast %broadcast_in_dim3A : i32 to vector<16xi32>
    %dma_start3A = arith.constant 0 : i32
    %dma_start3A_2 = arith.constant 0 : i32
    %dma_start3A_3 = tpu.memref_slice %arg9[%dma_start3A, %dma_start3A_2] : memref<80x64xi32, #tpu.memory_space<vmem>> -> memref<40x64xi32, #tpu.memory_space<vmem>>
    %dma_start3A_4 = arith.constant 0 : i32
    %dma_start3A_5 = tpu.memref_slice %arg7[%dma_start3A_4] : memref<10000xi32, #tpu.memory_space<vmem>> -> memref<40xi32, #tpu.memory_space<vmem>>
    %dma_start3A_6 = arith.constant 0 : i32
    %dma_start3A_7 = arith.constant 0 : i32
    %dma_start3A_8 = tpu.memref_slice %arg2[%dma_start3A_6, %dma_start3A_7] : memref<50000x64xi32, #tpu.memory_space<hbm>> -> memref<50000x64xi32, #tpu.memory_space<hbm>>
    tpu.enqueue_indirect_dma source(%dma_start3A_8 : memref<50000x64xi32, #tpu.memory_space<hbm>>) target(%dma_start3A_3 : memref<40x64xi32, #tpu.memory_space<vmem>>) offsets(%dma_start3A_5 : memref<40xi32, #tpu.memory_space<vmem>>) semaphore(%arg20 : memref<!tpu.dma_semaphore, #tpu.memory_space<semaphore_mem>>)
    %dma_start3A_9 = arith.constant 0 : i32
    %dma_start3A_10 = arith.constant 0 : i32
    %dma_start3A_11 = tpu.memref_slice %arg14[%dma_start3A_9, %dma_start3A_10] : memref<80x64xi32, #tpu.memory_space<vmem>> -> memref<40x64xi32, #tpu.memory_space<vmem>>
    %dma_start3A_12 = arith.constant 0 : i32
    %dma_start3A_13 = tpu.memref_slice %arg8[%dma_start3A_12] : memref<10000xi32, #tpu.memory_space<vmem>> -> memref<40xi32, #tpu.memory_space<vmem>>
    %dma_start3A_14 = arith.constant 0 : i32
    %dma_start3A_15 = arith.constant 0 : i32
    %dma_start3A_16 = tpu.memref_slice %arg3[%dma_start3A_14, %dma_start3A_15] : memref<50000x64xi32, #tpu.memory_space<hbm>> -> memref<50000x64xi32, #tpu.memory_space<hbm>>
    tpu.enqueue_indirect_dma source(%dma_start3A_16 : memref<50000x64xi32, #tpu.memory_space<hbm>>) target(%dma_start3A_11 : memref<40x64xi32, #tpu.memory_space<vmem>>) offsets(%dma_start3A_13 : memref<40xi32, #tpu.memory_space<vmem>>) semaphore(%arg20 : memref<!tpu.dma_semaphore, #tpu.memory_space<semaphore_mem>>)
    %dma_start3A_17 = arith.constant 40 : i32
    %dma_start3A_18 = arith.constant 0 : i32
    %dma_start3A_19 = tpu.memref_slice %arg9[%dma_start3A_17, %dma_start3A_18] : memref<80x64xi32, #tpu.memory_space<vmem>> -> memref<40x64xi32, #tpu.memory_space<vmem>>
    %dma_start3A_20 = arith.constant 40 : i32
    %dma_start3A_21 = tpu.memref_slice %arg7[%dma_start3A_20] : memref<10000xi32, #tpu.memory_space<vmem>> -> memref<40xi32, #tpu.memory_space<vmem>>
    %dma_start3A_22 = arith.constant 0 : i32
    %dma_start3A_23 = arith.constant 0 : i32
    %dma_start3A_24 = tpu.memref_slice %arg2[%dma_start3A_22, %dma_start3A_23] : memref<50000x64xi32, #tpu.memory_space<hbm>> -> memref<50000x64xi32, #tpu.memory_space<hbm>>
    tpu.enqueue_indirect_dma source(%dma_start3A_24 : memref<50000x64xi32, #tpu.memory_space<hbm>>) target(%dma_start3A_19 : memref<40x64xi32, #tpu.memory_space<vmem>>) offsets(%dma_start3A_21 : memref<40xi32, #tpu.memory_space<vmem>>) semaphore(%arg20 : memref<!tpu.dma_semaphore, #tpu.memory_space<semaphore_mem>>)
    %dma_start3A_25 = arith.constant 40 : i32
    %dma_start3A_26 = arith.constant 0 : i32
    %dma_start3A_27 = tpu.memref_slice %arg14[%dma_start3A_25, %dma_start3A_26] : memref<80x64xi32, #tpu.memory_space<vmem>> -> memref<40x64xi32, #tpu.memory_space<vmem>>
    %dma_start3A_28 = arith.constant 40 : i32
    %dma_start3A_29 = tpu.memref_slice %arg8[%dma_start3A_28] : memref<10000xi32, #tpu.memory_space<vmem>> -> memref<40xi32, #tpu.memory_space<vmem>>
    %dma_start3A_30 = arith.constant 0 : i32
    %dma_start3A_31 = arith.constant 0 : i32
    %dma_start3A_32 = tpu.memref_slice %arg3[%dma_start3A_30, %dma_start3A_31] : memref<50000x64xi32, #tpu.memory_space<hbm>> -> memref<50000x64xi32, #tpu.memory_space<hbm>>
    tpu.enqueue_indirect_dma source(%dma_start3A_32 : memref<50000x64xi32, #tpu.memory_space<hbm>>) target(%dma_start3A_27 : memref<40x64xi32, #tpu.memory_space<vmem>>) offsets(%dma_start3A_29 : memref<40xi32, #tpu.memory_space<vmem>>) semaphore(%arg20 : memref<!tpu.dma_semaphore, #tpu.memory_space<semaphore_mem>>)
    %dma_start3A_33 = arith.constant 0 : i32
    %dma_start3A_34 = arith.constant 0 : i32
    %dma_start3A_35 = tpu.memref_slice %arg10[%dma_start3A_33, %dma_start3A_34] : memref<80x64xi32, #tpu.memory_space<vmem>> -> memref<40x64xi32, #tpu.memory_space<vmem>>
    %dma_start3A_36 = arith.constant 80 : i32
    %dma_start3A_37 = tpu.memref_slice %arg7[%dma_start3A_36] : memref<10000xi32, #tpu.memory_space<vmem>> -> memref<40xi32, #tpu.memory_space<vmem>>
    %dma_start3A_38 = arith.constant 0 : i32
    %dma_start3A_39 = arith.constant 0 : i32
    %dma_start3A_40 = tpu.memref_slice %arg2[%dma_start3A_38, %dma_start3A_39] : memref<50000x64xi32, #tpu.memory_space<hbm>> -> memref<50000x64xi32, #tpu.memory_space<hbm>>
    tpu.enqueue_indirect_dma source(%dma_start3A_40 : memref<50000x64xi32, #tpu.memory_space<hbm>>) target(%dma_start3A_35 : memref<40x64xi32, #tpu.memory_space<vmem>>) offsets(%dma_start3A_37 : memref<40xi32, #tpu.memory_space<vmem>>) semaphore(%arg21 : memref<!tpu.dma_semaphore, #tpu.memory_space<semaphore_mem>>)
    %dma_start3A_41 = arith.constant 0 : i32
    %dma_start3A_42 = arith.constant 0 : i32
    %dma_start3A_43 = tpu.memref_slice %arg15[%dma_start3A_41, %dma_start3A_42] : memref<80x64xi32, #tpu.memory_space<vmem>> -> memref<40x64xi32, #tpu.memory_space<vmem>>
    %dma_start3A_44 = arith.constant 80 : i32
    %dma_start3A_45 = tpu.memref_slice %arg8[%dma_start3A_44] : memref<10000xi32, #tpu.memory_space<vmem>> -> memref<40xi32, #tpu.memory_space<vmem>>
    %dma_start3A_46 = arith.constant 0 : i32
    %dma_start3A_47 = arith.constant 0 : i32
    %dma_start3A_48 = tpu.memref_slice %arg3[%dma_start3A_46, %dma_start3A_47] : memref<50000x64xi32, #tpu.memory_space<hbm>> -> memref<50000x64xi32, #tpu.memory_space<hbm>>
    tpu.enqueue_indirect_dma source(%dma_start3A_48 : memref<50000x64xi32, #tpu.memory_space<hbm>>) target(%dma_start3A_43 : memref<40x64xi32, #tpu.memory_space<vmem>>) offsets(%dma_start3A_45 : memref<40xi32, #tpu.memory_space<vmem>>) semaphore(%arg21 : memref<!tpu.dma_semaphore, #tpu.memory_space<semaphore_mem>>)
    %dma_start3A_49 = arith.constant 40 : i32
    %dma_start3A_50 = arith.constant 0 : i32
    %dma_start3A_51 = tpu.memref_slice %arg10[%dma_start3A_49, %dma_start3A_50] : memref<80x64xi32, #tpu.memory_space<vmem>> -> memref<40x64xi32, #tpu.memory_space<vmem>>
    %dma_start3A_52 = arith.constant 120 : i32
    %dma_start3A_53 = tpu.memref_slice %arg7[%dma_start3A_52] : memref<10000xi32, #tpu.memory_space<vmem>> -> memref<40xi32, #tpu.memory_space<vmem>>
    %dma_start3A_54 = arith.constant 0 : i32
    %dma_start3A_55 = arith.constant 0 : i32
    %dma_start3A_56 = tpu.memref_slice %arg2[%dma_start3A_54, %dma_start3A_55] : memref<50000x64xi32, #tpu.memory_space<hbm>> -> memref<50000x64xi32, #tpu.memory_space<hbm>>
    tpu.enqueue_indirect_dma source(%dma_start3A_56 : memref<50000x64xi32, #tpu.memory_space<hbm>>) target(%dma_start3A_51 : memref<40x64xi32, #tpu.memory_space<vmem>>) offsets(%dma_start3A_53 : memref<40xi32, #tpu.memory_space<vmem>>) semaphore(%arg21 : memref<!tpu.dma_semaphore, #tpu.memory_space<semaphore_mem>>)
    %dma_start3A_57 = arith.constant 40 : i32
    %dma_start3A_58 = arith.constant 0 : i32
    %dma_start3A_59 = tpu.memref_slice %arg15[%dma_start3A_57, %dma_start3A_58] : memref<80x64xi32, #tpu.memory_space<vmem>> -> memref<40x64xi32, #tpu.memory_space<vmem>>
    %dma_start3A_60 = arith.constant 120 : i32
    %dma_start3A_61 = tpu.memref_slice %arg8[%dma_start3A_60] : memref<10000xi32, #tpu.memory_space<vmem>> -> memref<40xi32, #tpu.memory_space<vmem>>
    %dma_start3A_62 = arith.constant 0 : i32
    %dma_start3A_63 = arith.constant 0 : i32
    %dma_start3A_64 = tpu.memref_slice %arg3[%dma_start3A_62, %dma_start3A_63] : memref<50000x64xi32, #tpu.memory_space<hbm>> -> memref<50000x64xi32, #tpu.memory_space<hbm>>
    tpu.enqueue_indirect_dma source(%dma_start3A_64 : memref<50000x64xi32, #tpu.memory_space<hbm>>) target(%dma_start3A_59 : memref<40x64xi32, #tpu.memory_space<vmem>>) offsets(%dma_start3A_61 : memref<40xi32, #tpu.memory_space<vmem>>) semaphore(%arg21 : memref<!tpu.dma_semaphore, #tpu.memory_space<semaphore_mem>>)
    %dma_start3A_65 = arith.constant 0 : i32
    %dma_start3A_66 = arith.constant 0 : i32
    %dma_start3A_67 = tpu.memref_slice %arg11[%dma_start3A_65, %dma_start3A_66] : memref<80x64xi32, #tpu.memory_space<vmem>> -> memref<40x64xi32, #tpu.memory_space<vmem>>
    %dma_start3A_68 = arith.constant 160 : i32
    %dma_start3A_69 = tpu.memref_slice %arg7[%dma_start3A_68] : memref<10000xi32, #tpu.memory_space<vmem>> -> memref<40xi32, #tpu.memory_space<vmem>>
    %dma_start3A_70 = arith.constant 0 : i32
    %dma_start3A_71 = arith.constant 0 : i32
    %dma_start3A_72 = tpu.memref_slice %arg2[%dma_start3A_70, %dma_start3A_71] : memref<50000x64xi32, #tpu.memory_space<hbm>> -> memref<50000x64xi32, #tpu.memory_space<hbm>>
    tpu.enqueue_indirect_dma source(%dma_start3A_72 : memref<50000x64xi32, #tpu.memory_space<hbm>>) target(%dma_start3A_67 : memref<40x64xi32, #tpu.memory_space<vmem>>) offsets(%dma_start3A_69 : memref<40xi32, #tpu.memory_space<vmem>>) semaphore(%arg22 : memref<!tpu.dma_semaphore, #tpu.memory_space<semaphore_mem>>)
    %dma_start3A_73 = arith.constant 0 : i32
    %dma_start3A_74 = arith.constant 0 : i32
    %dma_start3A_75 = tpu.memref_slice %arg16[%dma_start3A_73, %dma_start3A_74] : memref<80x64xi32, #tpu.memory_space<vmem>> -> memref<40x64xi32, #tpu.memory_space<vmem>>
    %dma_start3A_76 = arith.constant 160 : i32
    %dma_start3A_77 = tpu.memref_slice %arg8[%dma_start3A_76] : memref<10000xi32, #tpu.memory_space<vmem>> -> memref<40xi32, #tpu.memory_space<vmem>>
    %dma_start3A_78 = arith.constant 0 : i32
    %dma_start3A_79 = arith.constant 0 : i32
    %dma_start3A_80 = tpu.memref_slice %arg3[%dma_start3A_78, %dma_start3A_79] : memref<50000x64xi32, #tpu.memory_space<hbm>> -> memref<50000x64xi32, #tpu.memory_space<hbm>>
    tpu.enqueue_indirect_dma source(%dma_start3A_80 : memref<50000x64xi32, #tpu.memory_space<hbm>>) target(%dma_start3A_75 : memref<40x64xi32, #tpu.memory_space<vmem>>) offsets(%dma_start3A_77 : memref<40xi32, #tpu.memory_space<vmem>>) semaphore(%arg22 : memref<!tpu.dma_semaphore, #tpu.memory_space<semaphore_mem>>)
    %dma_start3A_81 = arith.constant 40 : i32
    %dma_start3A_82 = arith.constant 0 : i32
    %dma_start3A_83 = tpu.memref_slice %arg11[%dma_start3A_81, %dma_start3A_82] : memref<80x64xi32, #tpu.memory_space<vmem>> -> memref<40x64xi32, #tpu.memory_space<vmem>>
    %dma_start3A_84 = arith.constant 200 : i32
    %dma_start3A_85 = tpu.memref_slice %arg7[%dma_start3A_84] : memref<10000xi32, #tpu.memory_space<vmem>> -> memref<40xi32, #tpu.memory_space<vmem>>
    %dma_start3A_86 = arith.constant 0 : i32
    %dma_start3A_87 = arith.constant 0 : i32
    %dma_start3A_88 = tpu.memref_slice %arg2[%dma_start3A_86, %dma_start3A_87] : memref<50000x64xi32, #tpu.memory_space<hbm>> -> memref<50000x64xi32, #tpu.memory_space<hbm>>
    tpu.enqueue_indirect_dma source(%dma_start3A_88 : memref<50000x64xi32, #tpu.memory_space<hbm>>) target(%dma_start3A_83 : memref<40x64xi32, #tpu.memory_space<vmem>>) offsets(%dma_start3A_85 : memref<40xi32, #tpu.memory_space<vmem>>) semaphore(%arg22 : memref<!tpu.dma_semaphore, #tpu.memory_space<semaphore_mem>>)
    %dma_start3A_89 = arith.constant 40 : i32
    %dma_start3A_90 = arith.constant 0 : i32
    %dma_start3A_91 = tpu.memref_slice %arg16[%dma_start3A_89, %dma_start3A_90] : memref<80x64xi32, #tpu.memory_space<vmem>> -> memref<40x64xi32, #tpu.memory_space<vmem>>
    %dma_start3A_92 = arith.constant 200 : i32
    %dma_start3A_93 = tpu.memref_slice %arg8[%dma_start3A_92] : memref<10000xi32, #tpu.memory_space<vmem>> -> memref<40xi32, #tpu.memory_space<vmem>>
    %dma_start3A_94 = arith.constant 0 : i32
    %dma_start3A_95 = arith.constant 0 : i32
    %dma_start3A_96 = tpu.memref_slice %arg3[%dma_start3A_94, %dma_start3A_95] : memref<50000x64xi32, #tpu.memory_space<hbm>> -> memref<50000x64xi32, #tpu.memory_space<hbm>>
    tpu.enqueue_indirect_dma source(%dma_start3A_96 : memref<50000x64xi32, #tpu.memory_space<hbm>>) target(%dma_start3A_91 : memref<40x64xi32, #tpu.memory_space<vmem>>) offsets(%dma_start3A_93 : memref<40xi32, #tpu.memory_space<vmem>>) semaphore(%arg22 : memref<!tpu.dma_semaphore, #tpu.memory_space<semaphore_mem>>)
    %dma_start3A_97 = arith.constant 0 : i32
    %dma_start3A_98 = arith.constant 0 : i32
    %dma_start3A_99 = tpu.memref_slice %arg12[%dma_start3A_97, %dma_start3A_98] : memref<80x64xi32, #tpu.memory_space<vmem>> -> memref<40x64xi32, #tpu.memory_space<vmem>>
    %dma_start3A_100 = arith.constant 240 : i32
    %dma_start3A_101 = tpu.memref_slice %arg7[%dma_start3A_100] : memref<10000xi32, #tpu.memory_space<vmem>> -> memref<40xi32, #tpu.memory_space<vmem>>
    %dma_start3A_102 = arith.constant 0 : i32
    %dma_start3A_103 = arith.constant 0 : i32
    %dma_start3A_104 = tpu.memref_slice %arg2[%dma_start3A_102, %dma_start3A_103] : memref<50000x64xi32, #tpu.memory_space<hbm>> -> memref<50000x64xi32, #tpu.memory_space<hbm>>
    tpu.enqueue_indirect_dma source(%dma_start3A_104 : memref<50000x64xi32, #tpu.memory_space<hbm>>) target(%dma_start3A_99 : memref<40x64xi32, #tpu.memory_space<vmem>>) offsets(%dma_start3A_101 : memref<40xi32, #tpu.memory_space<vmem>>) semaphore(%arg23 : memref<!tpu.dma_semaphore, #tpu.memory_space<semaphore_mem>>)
    %dma_start3A_105 = arith.constant 0 : i32
    %dma_start3A_106 = arith.constant 0 : i32
    %dma_start3A_107 = tpu.memref_slice %arg17[%dma_start3A_105, %dma_start3A_106] : memref<80x64xi32, #tpu.memory_space<vmem>> -> memref<40x64xi32, #tpu.memory_space<vmem>>
    %dma_start3A_108 = arith.constant 240 : i32
    %dma_start3A_109 = tpu.memref_slice %arg8[%dma_start3A_108] : memref<10000xi32, #tpu.memory_space<vmem>> -> memref<40xi32, #tpu.memory_space<vmem>>
    %dma_start3A_110 = arith.constant 0 : i32
    %dma_start3A_111 = arith.constant 0 : i32
    %dma_start3A_112 = tpu.memref_slice %arg3[%dma_start3A_110, %dma_start3A_111] : memref<50000x64xi32, #tpu.memory_space<hbm>> -> memref<50000x64xi32, #tpu.memory_space<hbm>>
    tpu.enqueue_indirect_dma source(%dma_start3A_112 : memref<50000x64xi32, #tpu.memory_space<hbm>>) target(%dma_start3A_107 : memref<40x64xi32, #tpu.memory_space<vmem>>) offsets(%dma_start3A_109 : memref<40xi32, #tpu.memory_space<vmem>>) semaphore(%arg23 : memref<!tpu.dma_semaphore, #tpu.memory_space<semaphore_mem>>)
    %dma_start3A_113 = arith.constant 40 : i32
    %dma_start3A_114 = arith.constant 0 : i32
    %dma_start3A_115 = tpu.memref_slice %arg12[%dma_start3A_113, %dma_start3A_114] : memref<80x64xi32, #tpu.memory_space<vmem>> -> memref<40x64xi32, #tpu.memory_space<vmem>>
    %dma_start3A_116 = arith.constant 280 : i32
    %dma_start3A_117 = tpu.memref_slice %arg7[%dma_start3A_116] : memref<10000xi32, #tpu.memory_space<vmem>> -> memref<40xi32, #tpu.memory_space<vmem>>
    %dma_start3A_118 = arith.constant 0 : i32
    %dma_start3A_119 = arith.constant 0 : i32
    %dma_start3A_120 = tpu.memref_slice %arg2[%dma_start3A_118, %dma_start3A_119] : memref<50000x64xi32, #tpu.memory_space<hbm>> -> memref<50000x64xi32, #tpu.memory_space<hbm>>
    tpu.enqueue_indirect_dma source(%dma_start3A_120 : memref<50000x64xi32, #tpu.memory_space<hbm>>) target(%dma_start3A_115 : memref<40x64xi32, #tpu.memory_space<vmem>>) offsets(%dma_start3A_117 : memref<40xi32, #tpu.memory_space<vmem>>) semaphore(%arg23 : memref<!tpu.dma_semaphore, #tpu.memory_space<semaphore_mem>>)
    %dma_start3A_121 = arith.constant 40 : i32
    %dma_start3A_122 = arith.constant 0 : i32
    %dma_start3A_123 = tpu.memref_slice %arg17[%dma_start3A_121, %dma_start3A_122] : memref<80x64xi32, #tpu.memory_space<vmem>> -> memref<40x64xi32, #tpu.memory_space<vmem>>
    %dma_start3A_124 = arith.constant 280 : i32
    %dma_start3A_125 = tpu.memref_slice %arg8[%dma_start3A_124] : memref<10000xi32, #tpu.memory_space<vmem>> -> memref<40xi32, #tpu.memory_space<vmem>>
    %dma_start3A_126 = arith.constant 0 : i32
    %dma_start3A_127 = arith.constant 0 : i32
    %dma_start3A_128 = tpu.memref_slice %arg3[%dma_start3A_126, %dma_start3A_127] : memref<50000x64xi32, #tpu.memory_space<hbm>> -> memref<50000x64xi32, #tpu.memory_space<hbm>>
    tpu.enqueue_indirect_dma source(%dma_start3A_128 : memref<50000x64xi32, #tpu.memory_space<hbm>>) target(%dma_start3A_123 : memref<40x64xi32, #tpu.memory_space<vmem>>) offsets(%dma_start3A_125 : memref<40xi32, #tpu.memory_space<vmem>>) semaphore(%arg23 : memref<!tpu.dma_semaphore, #tpu.memory_space<semaphore_mem>>)
    %dma_start3A_129 = arith.constant 0 : i32
    %dma_start3A_130 = arith.constant 0 : i32
    %dma_start3A_131 = tpu.memref_slice %arg13[%dma_start3A_129, %dma_start3A_130] : memref<80x64xi32, #tpu.memory_space<vmem>> -> memref<40x64xi32, #tpu.memory_space<vmem>>
    %dma_start3A_132 = arith.constant 320 : i32
    %dma_start3A_133 = tpu.memref_slice %arg7[%dma_start3A_132] : memref<10000xi32, #tpu.memory_space<vmem>> -> memref<40xi32, #tpu.memory_space<vmem>>
    %dma_start3A_134 = arith.constant 0 : i32
    %dma_start3A_135 = arith.constant 0 : i32
    %dma_start3A_136 = tpu.memref_slice %arg2[%dma_start3A_134, %dma_start3A_135] : memref<50000x64xi32, #tpu.memory_space<hbm>> -> memref<50000x64xi32, #tpu.memory_space<hbm>>
    tpu.enqueue_indirect_dma source(%dma_start3A_136 : memref<50000x64xi32, #tpu.memory_space<hbm>>) target(%dma_start3A_131 : memref<40x64xi32, #tpu.memory_space<vmem>>) offsets(%dma_start3A_133 : memref<40xi32, #tpu.memory_space<vmem>>) semaphore(%arg24 : memref<!tpu.dma_semaphore, #tpu.memory_space<semaphore_mem>>)
    %dma_start3A_137 = arith.constant 0 : i32
    %dma_start3A_138 = arith.constant 0 : i32
    %dma_start3A_139 = tpu.memref_slice %arg18[%dma_start3A_137, %dma_start3A_138] : memref<80x64xi32, #tpu.memory_space<vmem>> -> memref<40x64xi32, #tpu.memory_space<vmem>>
    %dma_start3A_140 = arith.constant 320 : i32
    %dma_start3A_141 = tpu.memref_slice %arg8[%dma_start3A_140] : memref<10000xi32, #tpu.memory_space<vmem>> -> memref<40xi32, #tpu.memory_space<vmem>>
    %dma_start3A_142 = arith.constant 0 : i32
    %dma_start3A_143 = arith.constant 0 : i32
    %dma_start3A_144 = tpu.memref_slice %arg3[%dma_start3A_142, %dma_start3A_143] : memref<50000x64xi32, #tpu.memory_space<hbm>> -> memref<50000x64xi32, #tpu.memory_space<hbm>>
    tpu.enqueue_indirect_dma source(%dma_start3A_144 : memref<50000x64xi32, #tpu.memory_space<hbm>>) target(%dma_start3A_139 : memref<40x64xi32, #tpu.memory_space<vmem>>) offsets(%dma_start3A_141 : memref<40xi32, #tpu.memory_space<vmem>>) semaphore(%arg24 : memref<!tpu.dma_semaphore, #tpu.memory_space<semaphore_mem>>)
    %dma_start3A_145 = arith.constant 40 : i32
    %dma_start3A_146 = arith.constant 0 : i32
    %dma_start3A_147 = tpu.memref_slice %arg13[%dma_start3A_145, %dma_start3A_146] : memref<80x64xi32, #tpu.memory_space<vmem>> -> memref<40x64xi32, #tpu.memory_space<vmem>>
    %dma_start3A_148 = arith.constant 360 : i32
    %dma_start3A_149 = tpu.memref_slice %arg7[%dma_start3A_148] : memref<10000xi32, #tpu.memory_space<vmem>> -> memref<40xi32, #tpu.memory_space<vmem>>
    %dma_start3A_150 = arith.constant 0 : i32
    %dma_start3A_151 = arith.constant 0 : i32
    %dma_start3A_152 = tpu.memref_slice %arg2[%dma_start3A_150, %dma_start3A_151] : memref<50000x64xi32, #tpu.memory_space<hbm>> -> memref<50000x64xi32, #tpu.memory_space<hbm>>
    tpu.enqueue_indirect_dma source(%dma_start3A_152 : memref<50000x64xi32, #tpu.memory_space<hbm>>) target(%dma_start3A_147 : memref<40x64xi32, #tpu.memory_space<vmem>>) offsets(%dma_start3A_149 : memref<40xi32, #tpu.memory_space<vmem>>) semaphore(%arg24 : memref<!tpu.dma_semaphore, #tpu.memory_space<semaphore_mem>>)
    %dma_start3A_153 = arith.constant 40 : i32
    %dma_start3A_154 = arith.constant 0 : i32
    %dma_start3A_155 = tpu.memref_slice %arg18[%dma_start3A_153, %dma_start3A_154] : memref<80x64xi32, #tpu.memory_space<vmem>> -> memref<40x64xi32, #tpu.memory_space<vmem>>
    %dma_start3A_156 = arith.constant 360 : i32
    %dma_start3A_157 = tpu.memref_slice %arg8[%dma_start3A_156] : memref<10000xi32, #tpu.memory_space<vmem>> -> memref<40xi32, #tpu.memory_space<vmem>>
    %dma_start3A_158 = arith.constant 0 : i32
    %dma_start3A_159 = arith.constant 0 : i32
    %dma_start3A_160 = tpu.memref_slice %arg3[%dma_start3A_158, %dma_start3A_159] : memref<50000x64xi32, #tpu.memory_space<hbm>> -> memref<50000x64xi32, #tpu.memory_space<hbm>>
    tpu.enqueue_indirect_dma source(%dma_start3A_160 : memref<50000x64xi32, #tpu.memory_space<hbm>>) target(%dma_start3A_155 : memref<40x64xi32, #tpu.memory_space<vmem>>) offsets(%dma_start3A_157 : memref<40xi32, #tpu.memory_space<vmem>>) semaphore(%arg24 : memref<!tpu.dma_semaphore, #tpu.memory_space<semaphore_mem>>)
    %scan3A = arith.constant 0 : i32
    %scan3A_161 = arith.constant 0 : i32
    %scan3A_162 = arith.constant 25 : i32
    %scan3A_163 = arith.addi %scan3A_161, %scan3A_162 : i32
    %scan3A_164 = arith.constant 1 : i32
    %scan3A_165 = scf.for %scan3A_167 = %scan3A_161 to %scan3A_163 step %scan3A_164 iter_args(%scan3A_168 = %scan3A) -> (i32)  : i32 {
      %mul3A_169 = arith.constant 5 : i32
      %mul3A_170 = arith.muli %scan3A_167, %mul3A_169 : i32
      %add3A_171 = arith.constant 0 : i32
      %add3A_172 = arith.addi %mul3A_170, %add3A_171 : i32
      %dma_wait3A = arith.constant 0 : i32
      %dma_wait3A_173 = arith.constant 0 : i32
      %dma_wait3A_174 = tpu.memref_slice %arg9[%dma_wait3A, %dma_wait3A_173] : memref<80x64xi32, #tpu.memory_space<vmem>> -> memref<40x64xi32, #tpu.memory_space<vmem>>
      %dma_wait3A_175 = arith.constant 0 : i32
      %dma_wait3A_176 = tpu.memref_slice %arg7[%dma_wait3A_175] : memref<10000xi32, #tpu.memory_space<vmem>> -> memref<40xi32, #tpu.memory_space<vmem>>
      %dma_wait3A_177 = arith.constant 0 : i32
      %dma_wait3A_178 = arith.constant 0 : i32
      %dma_wait3A_179 = tpu.memref_slice %arg2[%dma_wait3A_177, %dma_wait3A_178] : memref<50000x64xi32, #tpu.memory_space<hbm>> -> memref<50000x64xi32, #tpu.memory_space<hbm>>
      tpu.wait_indirect_dma semaphore(%arg20 : memref<!tpu.dma_semaphore, #tpu.memory_space<semaphore_mem>>) src(%dma_wait3A_179 : memref<50000x64xi32, #tpu.memory_space<hbm>>) dst(%dma_wait3A_174 : memref<40x64xi32, #tpu.memory_space<vmem>>)
      %dma_wait3A_180 = arith.constant 0 : i32
      %dma_wait3A_181 = arith.constant 0 : i32
      %dma_wait3A_182 = tpu.memref_slice %arg14[%dma_wait3A_180, %dma_wait3A_181] : memref<80x64xi32, #tpu.memory_space<vmem>> -> memref<40x64xi32, #tpu.memory_space<vmem>>
      %dma_wait3A_183 = arith.constant 0 : i32
      %dma_wait3A_184 = tpu.memref_slice %arg8[%dma_wait3A_183] : memref<10000xi32, #tpu.memory_space<vmem>> -> memref<40xi32, #tpu.memory_space<vmem>>
      %dma_wait3A_185 = arith.constant 0 : i32
      %dma_wait3A_186 = arith.constant 0 : i32
      %dma_wait3A_187 = tpu.memref_slice %arg3[%dma_wait3A_185, %dma_wait3A_186] : memref<50000x64xi32, #tpu.memory_space<hbm>> -> memref<50000x64xi32, #tpu.memory_space<hbm>>
      tpu.wait_indirect_dma semaphore(%arg20 : memref<!tpu.dma_semaphore, #tpu.memory_space<semaphore_mem>>) src(%dma_wait3A_187 : memref<50000x64xi32, #tpu.memory_space<hbm>>) dst(%dma_wait3A_182 : memref<40x64xi32, #tpu.memory_space<vmem>>)
      %dma_wait3A_188 = arith.constant 40 : i32
      %dma_wait3A_189 = arith.constant 0 : i32
      %dma_wait3A_190 = tpu.memref_slice %arg9[%dma_wait3A_188, %dma_wait3A_189] : memref<80x64xi32, #tpu.memory_space<vmem>> -> memref<40x64xi32, #tpu.memory_space<vmem>>
      %dma_wait3A_191 = arith.constant 0 : i32
      %dma_wait3A_192 = tpu.memref_slice %arg7[%dma_wait3A_191] : memref<10000xi32, #tpu.memory_space<vmem>> -> memref<40xi32, #tpu.memory_space<vmem>>
      %dma_wait3A_193 = arith.constant 0 : i32
      %dma_wait3A_194 = arith.constant 0 : i32
      %dma_wait3A_195 = tpu.memref_slice %arg2[%dma_wait3A_193, %dma_wait3A_194] : memref<50000x64xi32, #tpu.memory_space<hbm>> -> memref<50000x64xi32, #tpu.memory_space<hbm>>
      tpu.wait_indirect_dma semaphore(%arg20 : memref<!tpu.dma_semaphore, #tpu.memory_space<semaphore_mem>>) src(%dma_wait3A_195 : memref<50000x64xi32, #tpu.memory_space<hbm>>) dst(%dma_wait3A_190 : memref<40x64xi32, #tpu.memory_space<vmem>>)
      %dma_wait3A_196 = arith.constant 40 : i32
      %dma_wait3A_197 = arith.constant 0 : i32
      %dma_wait3A_198 = tpu.memref_slice %arg14[%dma_wait3A_196, %dma_wait3A_197] : memref<80x64xi32, #tpu.memory_space<vmem>> -> memref<40x64xi32, #tpu.memory_space<vmem>>
      %dma_wait3A_199 = arith.constant 0 : i32
      %dma_wait3A_200 = tpu.memref_slice %arg8[%dma_wait3A_199] : memref<10000xi32, #tpu.memory_space<vmem>> -> memref<40xi32, #tpu.memory_space<vmem>>
      %dma_wait3A_201 = arith.constant 0 : i32
      %dma_wait3A_202 = arith.constant 0 : i32
      %dma_wait3A_203 = tpu.memref_slice %arg3[%dma_wait3A_201, %dma_wait3A_202] : memref<50000x64xi32, #tpu.memory_space<hbm>> -> memref<50000x64xi32, #tpu.memory_space<hbm>>
      tpu.wait_indirect_dma semaphore(%arg20 : memref<!tpu.dma_semaphore, #tpu.memory_space<semaphore_mem>>) src(%dma_wait3A_203 : memref<50000x64xi32, #tpu.memory_space<hbm>>) dst(%dma_wait3A_198 : memref<40x64xi32, #tpu.memory_space<vmem>>)
      %scan3A_204 = arith.constant 0 : i32
      %scan3A_205 = arith.constant 0 : i32
      %scan3A_206 = arith.constant 5 : i32
      %scan3A_207 = arith.addi %scan3A_205, %scan3A_206 : i32
      %scan3A_208 = arith.constant 1 : i32
      %scan3A_209 = scf.for %scan3A_416 = %scan3A_205 to %scan3A_207 step %scan3A_208 iter_args(%scan3A_417 = %scan3A_204) -> (i32)  : i32 {
        %mul3A_418 = arith.constant 16 : i32
        %mul3A_419 = arith.muli %scan3A_416, %mul3A_418 : i32
        %add3A_420 = vector.broadcast %mul3A_419 : i32 to vector<16xi32>
        %add3A_421 = arith.addi %add3A_420, %iota3A : vector<16xi32>
        %broadcast_in_dim3A_422 = arith.constant 0.000000e+00 : f32
        %broadcast_in_dim3A_423 = vector.broadcast %broadcast_in_dim3A_422 : f32 to vector<16xf32>
        %scan3A_424 = arith.constant 0 : i32
        %scan3A_425 = arith.constant 8 : i32
        %scan3A_426 = arith.addi %scan3A_424, %scan3A_425 : i32
        %scan3A_427 = arith.constant 1 : i32
        %scan3A_428:2 = scf.for %scan3A_438 = %scan3A_424 to %scan3A_426 step %scan3A_427 iter_args(%scan3A_439 = %broadcast_in_dim3A_423, %scan3A_440 = %broadcast_in_dim3A_423) -> (vector<16xf32>, vector<16xf32>)  : i32 {
          %broadcast_in_dim3A_441 = arith.constant 0 : i32
          %broadcast_in_dim3A_442 = vector.broadcast %broadcast_in_dim3A_441 : i32 to vector<16xi32>
          %mul3A_443 = arith.constant 8 : i32
          %mul3A_444 = arith.muli %scan3A_438, %mul3A_443 : i32
          %add3A_445 = vector.broadcast %mul3A_444 : i32 to vector<16xi32>
          %add3A_446 = arith.addi %broadcast_in_dim3A_442, %add3A_445 : vector<16xi32>
          %add3A_447 = arith.constant 0 : i32
          %add3A_448 = vector.broadcast %add3A_447 : i32 to vector<16xi32>
          %add3A_449 = arith.addi %add3A_446, %add3A_448 : vector<16xi32>
          %gather3A = tpu.vector_load_idx %arg9[%add3A_421, %add3A_449] : memref<80x64xi32, #tpu.memory_space<vmem>>[vector<16xi32>, vector<16xi32>], vector<16xi32>,
          %gather3A_450 = tpu.vector_load_idx %arg14[%add3A_421, %add3A_449] : memref<80x64xi32, #tpu.memory_space<vmem>>[vector<16xi32>, vector<16xi32>], vector<16xi32>,
          %shift_left3A = arith.constant 16 : i32
          %shift_left3A_451 = vector.broadcast %shift_left3A : i32 to vector<16xi32>
          %shift_left3A_452 = arith.shli %gather3A, %shift_left3A_451 : vector<16xi32>
          %bitcast3A = vector.bitcast %shift_left3A_452 : vector<16xi32> to vector<16xf32>
          %shift_left3A_453 = arith.constant 16 : i32
          %shift_left3A_454 = vector.broadcast %shift_left3A_453 : i32 to vector<16xi32>
          %shift_left3A_455 = arith.shli %gather3A_450, %shift_left3A_454 : vector<16xi32>
          %bitcast3A_456 = vector.bitcast %shift_left3A_455 : vector<16xi32> to vector<16xf32>
          %and3A = arith.andi %gather3A, %broadcast_in_dim3A_1 : vector<16xi32>
          %bitcast3A_457 = vector.bitcast %and3A : vector<16xi32> to vector<16xf32>
          %and3A_458 = arith.andi %gather3A_450, %broadcast_in_dim3A_1 : vector<16xi32>
          %bitcast3A_459 = vector.bitcast %and3A_458 : vector<16xi32> to vector<16xf32>
          %mul3A_460 = arith.mulf %bitcast3A, %bitcast3A_456 : vector<16xf32>
          %add3A_461 = arith.addf %scan3A_439, %mul3A_460 : vector<16xf32>
          %mul3A_462 = arith.mulf %bitcast3A_457, %bitcast3A_459 : vector<16xf32>
          %add3A_463 = arith.addf %scan3A_440, %mul3A_462 : vector<16xf32>
          %add3A_464 = arith.constant 1 : i32
          %add3A_465 = vector.broadcast %add3A_464 : i32 to vector<16xi32>
          %add3A_466 = arith.addi %add3A_446, %add3A_465 : vector<16xi32>
          %gather3A_467 = tpu.vector_load_idx %arg9[%add3A_421, %add3A_466] : memref<80x64xi32, #tpu.memory_space<vmem>>[vector<16xi32>, vector<16xi32>], vector<16xi32>,
          %gather3A_468 = tpu.vector_load_idx %arg14[%add3A_421, %add3A_466] : memref<80x64xi32, #tpu.memory_space<vmem>>[vector<16xi32>, vector<16xi32>], vector<16xi32>,
          %shift_left3A_469 = arith.constant 16 : i32
          %shift_left3A_470 = vector.broadcast %shift_left3A_469 : i32 to vector<16xi32>
          %shift_left3A_471 = arith.shli %gather3A_467, %shift_left3A_470 : vector<16xi32>
          %bitcast3A_472 = vector.bitcast %shift_left3A_471 : vector<16xi32> to vector<16xf32>
          %shift_left3A_473 = arith.constant 16 : i32
          %shift_left3A_474 = vector.broadcast %shift_left3A_473 : i32 to vector<16xi32>
          %shift_left3A_475 = arith.shli %gather3A_468, %shift_left3A_474 : vector<16xi32>
          %bitcast3A_476 = vector.bitcast %shift_left3A_475 : vector<16xi32> to vector<16xf32>
          %and3A_477 = arith.andi %gather3A_467, %broadcast_in_dim3A_1 : vector<16xi32>
          %bitcast3A_478 = vector.bitcast %and3A_477 : vector<16xi32> to vector<16xf32>
          %and3A_479 = arith.andi %gather3A_468, %broadcast_in_dim3A_1 : vector<16xi32>
          %bitcast3A_480 = vector.bitcast %and3A_479 : vector<16xi32> to vector<16xf32>
          %mul3A_481 = arith.mulf %bitcast3A_472, %bitcast3A_476 : vector<16xf32>
          %add3A_482 = arith.addf %add3A_461, %mul3A_481 : vector<16xf32>
          %mul3A_483 = arith.mulf %bitcast3A_478, %bitcast3A_480 : vector<16xf32>
          %add3A_484 = arith.addf %add3A_463, %mul3A_483 : vector<16xf32>
          %add3A_485 = arith.constant 2 : i32
          %add3A_486 = vector.broadcast %add3A_485 : i32 to vector<16xi32>
          %add3A_487 = arith.addi %add3A_446, %add3A_486 : vector<16xi32>
          %gather3A_488 = tpu.vector_load_idx %arg9[%add3A_421, %add3A_487] : memref<80x64xi32, #tpu.memory_space<vmem>>[vector<16xi32>, vector<16xi32>], vector<16xi32>,
          %gather3A_489 = tpu.vector_load_idx %arg14[%add3A_421, %add3A_487] : memref<80x64xi32, #tpu.memory_space<vmem>>[vector<16xi32>, vector<16xi32>], vector<16xi32>,
          %shift_left3A_490 = arith.constant 16 : i32
          %shift_left3A_491 = vector.broadcast %shift_left3A_490 : i32 to vector<16xi32>
          %shift_left3A_492 = arith.shli %gather3A_488, %shift_left3A_491 : vector<16xi32>
          %bitcast3A_493 = vector.bitcast %shift_left3A_492 : vector<16xi32> to vector<16xf32>
          %shift_left3A_494 = arith.constant 16 : i32
          %shift_left3A_495 = vector.broadcast %shift_left3A_494 : i32 to vector<16xi32>
          %shift_left3A_496 = arith.shli %gather3A_489, %shift_left3A_495 : vector<16xi32>
          %bitcast3A_497 = vector.bitcast %shift_left3A_496 : vector<16xi32> to vector<16xf32>
          %and3A_498 = arith.andi %gather3A_488, %broadcast_in_dim3A_1 : vector<16xi32>
          %bitcast3A_499 = vector.bitcast %and3A_498 : vector<16xi32> to vector<16xf32>
          %and3A_500 = arith.andi %gather3A_489, %broadcast_in_dim3A_1 : vector<16xi32>
          %bitcast3A_501 = vector.bitcast %and3A_500 : vector<16xi32> to vector<16xf32>
          %mul3A_502 = arith.mulf %bitcast3A_493, %bitcast3A_497 : vector<16xf32>
          %add3A_503 = arith.addf %add3A_482, %mul3A_502 : vector<16xf32>
          %mul3A_504 = arith.mulf %bitcast3A_499, %bitcast3A_501 : vector<16xf32>
          %add3A_505 = arith.addf %add3A_484, %mul3A_504 : vector<16xf32>
          %add3A_506 = arith.constant 3 : i32
          %add3A_507 = vector.broadcast %add3A_506 : i32 to vector<16xi32>
          %add3A_508 = arith.addi %add3A_446, %add3A_507 : vector<16xi32>
          %gather3A_509 = tpu.vector_load_idx %arg9[%add3A_421, %add3A_508] : memref<80x64xi32, #tpu.memory_space<vmem>>[vector<16xi32>, vector<16xi32>], vector<16xi32>,
          %gather3A_510 = tpu.vector_load_idx %arg14[%add3A_421, %add3A_508] : memref<80x64xi32, #tpu.memory_space<vmem>>[vector<16xi32>, vector<16xi32>], vector<16xi32>,
          %shift_left3A_511 = arith.constant 16 : i32
          %shift_left3A_512 = vector.broadcast %shift_left3A_511 : i32 to vector<16xi32>
          %shift_left3A_513 = arith.shli %gather3A_509, %shift_left3A_512 : vector<16xi32>
          %bitcast3A_514 = vector.bitcast %shift_left3A_513 : vector<16xi32> to vector<16xf32>
          %shift_left3A_515 = arith.constant 16 : i32
          %shift_left3A_516 = vector.broadcast %shift_left3A_515 : i32 to vector<16xi32>
          %shift_left3A_517 = arith.shli %gather3A_510, %shift_left3A_516 : vector<16xi32>
          %bitcast3A_518 = vector.bitcast %shift_left3A_517 : vector<16xi32> to vector<16xf32>
          %and3A_519 = arith.andi %gather3A_509, %broadcast_in_dim3A_1 : vector<16xi32>
          %bitcast3A_520 = vector.bitcast %and3A_519 : vector<16xi32> to vector<16xf32>
          %and3A_521 = arith.andi %gather3A_510, %broadcast_in_dim3A_1 : vector<16xi32>
          %bitcast3A_522 = vector.bitcast %and3A_521 : vector<16xi32> to vector<16xf32>
          %mul3A_523 = arith.mulf %bitcast3A_514, %bitcast3A_518 : vector<16xf32>
          %add3A_524 = arith.addf %add3A_503, %mul3A_523 : vector<16xf32>
          %mul3A_525 = arith.mulf %bitcast3A_520, %bitcast3A_522 : vector<16xf32>
          %add3A_526 = arith.addf %add3A_505, %mul3A_525 : vector<16xf32>
          %add3A_527 = arith.constant 4 : i32
          %add3A_528 = vector.broadcast %add3A_527 : i32 to vector<16xi32>
          %add3A_529 = arith.addi %add3A_446, %add3A_528 : vector<16xi32>
          %gather3A_530 = tpu.vector_load_idx %arg9[%add3A_421, %add3A_529] : memref<80x64xi32, #tpu.memory_space<vmem>>[vector<16xi32>, vector<16xi32>], vector<16xi32>,
          %gather3A_531 = tpu.vector_load_idx %arg14[%add3A_421, %add3A_529] : memref<80x64xi32, #tpu.memory_space<vmem>>[vector<16xi32>, vector<16xi32>], vector<16xi32>,
          %shift_left3A_532 = arith.constant 16 : i32
          %shift_left3A_533 = vector.broadcast %shift_left3A_532 : i32 to vector<16xi32>
          %shift_left3A_534 = arith.shli %gather3A_530, %shift_left3A_533 : vector<16xi32>
          %bitcast3A_535 = vector.bitcast %shift_left3A_534 : vector<16xi32> to vector<16xf32>
          %shift_left3A_536 = arith.constant 16 : i32
          %shift_left3A_537 = vector.broadcast %shift_left3A_536 : i32 to vector<16xi32>
          %shift_left3A_538 = arith.shli %gather3A_531, %shift_left3A_537 : vector<16xi32>
          %bitcast3A_539 = vector.bitcast %shift_left3A_538 : vector<16xi32> to vector<16xf32>
          %and3A_540 = arith.andi %gather3A_530, %broadcast_in_dim3A_1 : vector<16xi32>
          %bitcast3A_541 = vector.bitcast %and3A_540 : vector<16xi32> to vector<16xf32>
          %and3A_542 = arith.andi %gather3A_531, %broadcast_in_dim3A_1 : vector<16xi32>
          %bitcast3A_543 = vector.bitcast %and3A_542 : vector<16xi32> to vector<16xf32>
          %mul3A_544 = arith.mulf %bitcast3A_535, %bitcast3A_539 : vector<16xf32>
          %add3A_545 = arith.addf %add3A_524, %mul3A_544 : vector<16xf32>
          %mul3A_546 = arith.mulf %bitcast3A_541, %bitcast3A_543 : vector<16xf32>
          %add3A_547 = arith.addf %add3A_526, %mul3A_546 : vector<16xf32>
          %add3A_548 = arith.constant 5 : i32
          %add3A_549 = vector.broadcast %add3A_548 : i32 to vector<16xi32>
          %add3A_550 = arith.addi %add3A_446, %add3A_549 : vector<16xi32>
          %gather3A_551 = tpu.vector_load_idx %arg9[%add3A_421, %add3A_550] : memref<80x64xi32, #tpu.memory_space<vmem>>[vector<16xi32>, vector<16xi32>], vector<16xi32>,
          %gather3A_552 = tpu.vector_load_idx %arg14[%add3A_421, %add3A_550] : memref<80x64xi32, #tpu.memory_space<vmem>>[vector<16xi32>, vector<16xi32>], vector<16xi32>,
          %shift_left3A_553 = arith.constant 16 : i32
          %shift_left3A_554 = vector.broadcast %shift_left3A_553 : i32 to vector<16xi32>
          %shift_left3A_555 = arith.shli %gather3A_551, %shift_left3A_554 : vector<16xi32>
          %bitcast3A_556 = vector.bitcast %shift_left3A_555 : vector<16xi32> to vector<16xf32>
          %shift_left3A_557 = arith.constant 16 : i32
          %shift_left3A_558 = vector.broadcast %shift_left3A_557 : i32 to vector<16xi32>
          %shift_left3A_559 = arith.shli %gather3A_552, %shift_left3A_558 : vector<16xi32>
          %bitcast3A_560 = vector.bitcast %shift_left3A_559 : vector<16xi32> to vector<16xf32>
          %and3A_561 = arith.andi %gather3A_551, %broadcast_in_dim3A_1 : vector<16xi32>
          %bitcast3A_562 = vector.bitcast %and3A_561 : vector<16xi32> to vector<16xf32>
          %and3A_563 = arith.andi %gather3A_552, %broadcast_in_dim3A_1 : vector<16xi32>
          %bitcast3A_564 = vector.bitcast %and3A_563 : vector<16xi32> to vector<16xf32>
          %mul3A_565 = arith.mulf %bitcast3A_556, %bitcast3A_560 : vector<16xf32>
          %add3A_566 = arith.addf %add3A_545, %mul3A_565 : vector<16xf32>
          %mul3A_567 = arith.mulf %bitcast3A_562, %bitcast3A_564 : vector<16xf32>
          %add3A_568 = arith.addf %add3A_547, %mul3A_567 : vector<16xf32>
          %add3A_569 = arith.constant 6 : i32
          %add3A_570 = vector.broadcast %add3A_569 : i32 to vector<16xi32>
          %add3A_571 = arith.addi %add3A_446, %add3A_570 : vector<16xi32>
          %gather3A_572 = tpu.vector_load_idx %arg9[%add3A_421, %add3A_571] : memref<80x64xi32, #tpu.memory_space<vmem>>[vector<16xi32>, vector<16xi32>], vector<16xi32>,
          %gather3A_573 = tpu.vector_load_idx %arg14[%add3A_421, %add3A_571] : memref<80x64xi32, #tpu.memory_space<vmem>>[vector<16xi32>, vector<16xi32>], vector<16xi32>,
          %shift_left3A_574 = arith.constant 16 : i32
          %shift_left3A_575 = vector.broadcast %shift_left3A_574 : i32 to vector<16xi32>
          %shift_left3A_576 = arith.shli %gather3A_572, %shift_left3A_575 : vector<16xi32>
          %bitcast3A_577 = vector.bitcast %shift_left3A_576 : vector<16xi32> to vector<16xf32>
          %shift_left3A_578 = arith.constant 16 : i32
          %shift_left3A_579 = vector.broadcast %shift_left3A_578 : i32 to vector<16xi32>
          %shift_left3A_580 = arith.shli %gather3A_573, %shift_left3A_579 : vector<16xi32>
          %bitcast3A_581 = vector.bitcast %shift_left3A_580 : vector<16xi32> to vector<16xf32>
          %and3A_582 = arith.andi %gather3A_572, %broadcast_in_dim3A_1 : vector<16xi32>
          %bitcast3A_583 = vector.bitcast %and3A_582 : vector<16xi32> to vector<16xf32>
          %and3A_584 = arith.andi %gather3A_573, %broadcast_in_dim3A_1 : vector<16xi32>
          %bitcast3A_585 = vector.bitcast %and3A_584 : vector<16xi32> to vector<16xf32>
          %mul3A_586 = arith.mulf %bitcast3A_577, %bitcast3A_581 : vector<16xf32>
          %add3A_587 = arith.addf %add3A_566, %mul3A_586 : vector<16xf32>
          %mul3A_588 = arith.mulf %bitcast3A_583, %bitcast3A_585 : vector<16xf32>
          %add3A_589 = arith.addf %add3A_568, %mul3A_588 : vector<16xf32>
          %add3A_590 = arith.constant 7 : i32
          %add3A_591 = vector.broadcast %add3A_590 : i32 to vector<16xi32>
          %add3A_592 = arith.addi %add3A_446, %add3A_591 : vector<16xi32>
          %gather3A_593 = tpu.vector_load_idx %arg9[%add3A_421, %add3A_592] : memref<80x64xi32, #tpu.memory_space<vmem>>[vector<16xi32>, vector<16xi32>], vector<16xi32>,
          %gather3A_594 = tpu.vector_load_idx %arg14[%add3A_421, %add3A_592] : memref<80x64xi32, #tpu.memory_space<vmem>>[vector<16xi32>, vector<16xi32>], vector<16xi32>,
          %shift_left3A_595 = arith.constant 16 : i32
          %shift_left3A_596 = vector.broadcast %shift_left3A_595 : i32 to vector<16xi32>
          %shift_left3A_597 = arith.shli %gather3A_593, %shift_left3A_596 : vector<16xi32>
          %bitcast3A_598 = vector.bitcast %shift_left3A_597 : vector<16xi32> to vector<16xf32>
          %shift_left3A_599 = arith.constant 16 : i32
          %shift_left3A_600 = vector.broadcast %shift_left3A_599 : i32 to vector<16xi32>
          %shift_left3A_601 = arith.shli %gather3A_594, %shift_left3A_600 : vector<16xi32>
          %bitcast3A_602 = vector.bitcast %shift_left3A_601 : vector<16xi32> to vector<16xf32>
          %and3A_603 = arith.andi %gather3A_593, %broadcast_in_dim3A_1 : vector<16xi32>
          %bitcast3A_604 = vector.bitcast %and3A_603 : vector<16xi32> to vector<16xf32>
          %and3A_605 = arith.andi %gather3A_594, %broadcast_in_dim3A_1 : vector<16xi32>
          %bitcast3A_606 = vector.bitcast %and3A_605 : vector<16xi32> to vector<16xf32>
          %mul3A_607 = arith.mulf %bitcast3A_598, %bitcast3A_602 : vector<16xf32>
          %add3A_608 = arith.addf %add3A_587, %mul3A_607 : vector<16xf32>
          %mul3A_609 = arith.mulf %bitcast3A_604, %bitcast3A_606 : vector<16xf32>
          %add3A_610 = arith.addf %add3A_589, %mul3A_609 : vector<16xf32>
          scf.yield %add3A_608, %add3A_610 : vector<16xf32>, vector<16xf32>
        }
        %scan3A_429 = arith.constant 8 : i32
        %add3A_430 = arith.addf %scan3A_428#0, %scan3A_428#1 : vector<16xf32>
        %mul3A_431 = arith.constant 80 : i32
        %mul3A_432 = arith.muli %add3A_172, %mul3A_431 : i32
        %mul3A_433 = arith.constant 16 : i32
        %mul3A_434 = arith.muli %scan3A_416, %mul3A_433 : i32
        %add3A_435 = arith.addi %mul3A_432, %mul3A_434 : i32
        %swap3A = arith.index_cast %add3A_435 : i32 to index
        %swap3A_436 = tpu.vector_load %arg19[%swap3A] {strides = array<i32>} : memref<10000xf32, #tpu.memory_space<vmem>>, vector<16xf32>,
        tpu.vector_store %arg19[%swap3A], %add3A_430 {strides = array<i32>} : memref<10000xf32, #tpu.memory_space<vmem>>, vector<16xf32>,
        %scan3A_437 = arith.constant 0 : i32
        scf.yield %scan3A_437 : i32
      }
      %scan3A_210 = arith.constant 5 : i32
      %add3A_211 = arith.constant 5 : i32
      %add3A_212 = arith.addi %add3A_172, %add3A_211 : i32
      %lt3A = arith.constant 125 : i32
      %lt3A_213 = arith.cmpi slt, %add3A_212, %lt3A : i32
      %convert_element_type3A = arith.extui %lt3A_213 : i1 to i32
      %cond3A = arith.constant 0 : i32
      %cond3A_214 = arith.cmpi ne, %convert_element_type3A, %cond3A : i32
      scf.if %cond3A_214 {
        %add3A_416 = arith.constant 5 : i32
        %add3A_417 = arith.addi %add3A_172, %add3A_416 : i32
        %mul3A_418 = arith.constant 80 : i32
        %mul3A_419 = arith.muli %add3A_417, %mul3A_418 : i32
        %add3A_420 = arith.constant 0 : i32
        %add3A_421 = arith.addi %mul3A_419, %add3A_420 : i32
        %dma_start3A_422 = arith.constant 0 : i32
        %dma_start3A_423 = arith.constant 0 : i32
        %dma_start3A_424 = tpu.memref_slice %arg9[%dma_start3A_422, %dma_start3A_423] : memref<80x64xi32, #tpu.memory_space<vmem>> -> memref<40x64xi32, #tpu.memory_space<vmem>>
        %dma_start3A_425 = tpu.memref_slice %arg7[%add3A_421] : memref<10000xi32, #tpu.memory_space<vmem>> -> memref<40xi32, #tpu.memory_space<vmem>>
        %dma_start3A_426 = arith.constant 0 : i32
        %dma_start3A_427 = arith.constant 0 : i32
        %dma_start3A_428 = tpu.memref_slice %arg2[%dma_start3A_426, %dma_start3A_427] : memref<50000x64xi32, #tpu.memory_space<hbm>> -> memref<50000x64xi32, #tpu.memory_space<hbm>>
        tpu.enqueue_indirect_dma source(%dma_start3A_428 : memref<50000x64xi32, #tpu.memory_space<hbm>>) target(%dma_start3A_424 : memref<40x64xi32, #tpu.memory_space<vmem>>) offsets(%dma_start3A_425 : memref<40xi32, #tpu.memory_space<vmem>>) semaphore(%arg20 : memref<!tpu.dma_semaphore, #tpu.memory_space<semaphore_mem>>)
        %mul3A_429 = arith.constant 80 : i32
        %mul3A_430 = arith.muli %add3A_417, %mul3A_429 : i32
        %add3A_431 = arith.constant 0 : i32
        %add3A_432 = arith.addi %mul3A_430, %add3A_431 : i32
        %dma_start3A_433 = arith.constant 0 : i32
        %dma_start3A_434 = arith.constant 0 : i32
        %dma_start3A_435 = tpu.memref_slice %arg14[%dma_start3A_433, %dma_start3A_434] : memref<80x64xi32, #tpu.memory_space<vmem>> -> memref<40x64xi32, #tpu.memory_space<vmem>>
        %dma_start3A_436 = tpu.memref_slice %arg8[%add3A_432] : memref<10000xi32, #tpu.memory_space<vmem>> -> memref<40xi32, #tpu.memory_space<vmem>>
        %dma_start3A_437 = arith.constant 0 : i32
        %dma_start3A_438 = arith.constant 0 : i32
        %dma_start3A_439 = tpu.memref_slice %arg3[%dma_start3A_437, %dma_start3A_438] : memref<50000x64xi32, #tpu.memory_space<hbm>> -> memref<50000x64xi32, #tpu.memory_space<hbm>>
        tpu.enqueue_indirect_dma source(%dma_start3A_439 : memref<50000x64xi32, #tpu.memory_space<hbm>>) target(%dma_start3A_435 : memref<40x64xi32, #tpu.memory_space<vmem>>) offsets(%dma_start3A_436 : memref<40xi32, #tpu.memory_space<vmem>>) semaphore(%arg20 : memref<!tpu.dma_semaphore, #tpu.memory_space<semaphore_mem>>)
        %mul3A_440 = arith.constant 80 : i32
        %mul3A_441 = arith.muli %add3A_417, %mul3A_440 : i32
        %add3A_442 = arith.constant 40 : i32
        %add3A_443 = arith.addi %mul3A_441, %add3A_442 : i32
        %dma_start3A_444 = arith.constant 40 : i32
        %dma_start3A_445 = arith.constant 0 : i32
        %dma_start3A_446 = tpu.memref_slice %arg9[%dma_start3A_444, %dma_start3A_445] : memref<80x64xi32, #tpu.memory_space<vmem>> -> memref<40x64xi32, #tpu.memory_space<vmem>>
        %dma_start3A_447 = tpu.memref_slice %arg7[%add3A_443] : memref<10000xi32, #tpu.memory_space<vmem>> -> memref<40xi32, #tpu.memory_space<vmem>>
        %dma_start3A_448 = arith.constant 0 : i32
        %dma_start3A_449 = arith.constant 0 : i32
        %dma_start3A_450 = tpu.memref_slice %arg2[%dma_start3A_448, %dma_start3A_449] : memref<50000x64xi32, #tpu.memory_space<hbm>> -> memref<50000x64xi32, #tpu.memory_space<hbm>>
        tpu.enqueue_indirect_dma source(%dma_start3A_450 : memref<50000x64xi32, #tpu.memory_space<hbm>>) target(%dma_start3A_446 : memref<40x64xi32, #tpu.memory_space<vmem>>) offsets(%dma_start3A_447 : memref<40xi32, #tpu.memory_space<vmem>>) semaphore(%arg20 : memref<!tpu.dma_semaphore, #tpu.memory_space<semaphore_mem>>)
        %mul3A_451 = arith.constant 80 : i32
        %mul3A_452 = arith.muli %add3A_417, %mul3A_451 : i32
        %add3A_453 = arith.constant 40 : i32
        %add3A_454 = arith.addi %mul3A_452, %add3A_453 : i32
        %dma_start3A_455 = arith.constant 40 : i32
        %dma_start3A_456 = arith.constant 0 : i32
        %dma_start3A_457 = tpu.memref_slice %arg14[%dma_start3A_455, %dma_start3A_456] : memref<80x64xi32, #tpu.memory_space<vmem>> -> memref<40x64xi32, #tpu.memory_space<vmem>>
        %dma_start3A_458 = tpu.memref_slice %arg8[%add3A_454] : memref<10000xi32, #tpu.memory_space<vmem>> -> memref<40xi32, #tpu.memory_space<vmem>>
        %dma_start3A_459 = arith.constant 0 : i32
        %dma_start3A_460 = arith.constant 0 : i32
        %dma_start3A_461 = tpu.memref_slice %arg3[%dma_start3A_459, %dma_start3A_460] : memref<50000x64xi32, #tpu.memory_space<hbm>> -> memref<50000x64xi32, #tpu.memory_space<hbm>>
        tpu.enqueue_indirect_dma source(%dma_start3A_461 : memref<50000x64xi32, #tpu.memory_space<hbm>>) target(%dma_start3A_457 : memref<40x64xi32, #tpu.memory_space<vmem>>) offsets(%dma_start3A_458 : memref<40xi32, #tpu.memory_space<vmem>>) semaphore(%arg20 : memref<!tpu.dma_semaphore, #tpu.memory_space<semaphore_mem>>)
      } else {
      }
      %mul3A_215 = arith.constant 5 : i32
      %mul3A_216 = arith.muli %scan3A_167, %mul3A_215 : i32
      %add3A_217 = arith.constant 1 : i32
      %add3A_218 = arith.addi %mul3A_216, %add3A_217 : i32
      %dma_wait3A_219 = arith.constant 0 : i32
      %dma_wait3A_220 = arith.constant 0 : i32
      %dma_wait3A_221 = tpu.memref_slice %arg10[%dma_wait3A_219, %dma_wait3A_220] : memref<80x64xi32, #tpu.memory_space<vmem>> -> memref<40x64xi32, #tpu.memory_space<vmem>>
      %dma_wait3A_222 = arith.constant 0 : i32
      %dma_wait3A_223 = tpu.memref_slice %arg7[%dma_wait3A_222] : memref<10000xi32, #tpu.memory_space<vmem>> -> memref<40xi32, #tpu.memory_space<vmem>>
      %dma_wait3A_224 = arith.constant 0 : i32
      %dma_wait3A_225 = arith.constant 0 : i32
      %dma_wait3A_226 = tpu.memref_slice %arg2[%dma_wait3A_224, %dma_wait3A_225] : memref<50000x64xi32, #tpu.memory_space<hbm>> -> memref<50000x64xi32, #tpu.memory_space<hbm>>
      tpu.wait_indirect_dma semaphore(%arg21 : memref<!tpu.dma_semaphore, #tpu.memory_space<semaphore_mem>>) src(%dma_wait3A_226 : memref<50000x64xi32, #tpu.memory_space<hbm>>) dst(%dma_wait3A_221 : memref<40x64xi32, #tpu.memory_space<vmem>>)
      %dma_wait3A_227 = arith.constant 0 : i32
      %dma_wait3A_228 = arith.constant 0 : i32
      %dma_wait3A_229 = tpu.memref_slice %arg15[%dma_wait3A_227, %dma_wait3A_228] : memref<80x64xi32, #tpu.memory_space<vmem>> -> memref<40x64xi32, #tpu.memory_space<vmem>>
      %dma_wait3A_230 = arith.constant 0 : i32
      %dma_wait3A_231 = tpu.memref_slice %arg8[%dma_wait3A_230] : memref<10000xi32, #tpu.memory_space<vmem>> -> memref<40xi32, #tpu.memory_space<vmem>>
      %dma_wait3A_232 = arith.constant 0 : i32
      %dma_wait3A_233 = arith.constant 0 : i32
      %dma_wait3A_234 = tpu.memref_slice %arg3[%dma_wait3A_232, %dma_wait3A_233] : memref<50000x64xi32, #tpu.memory_space<hbm>> -> memref<50000x64xi32, #tpu.memory_space<hbm>>
      tpu.wait_indirect_dma semaphore(%arg21 : memref<!tpu.dma_semaphore, #tpu.memory_space<semaphore_mem>>) src(%dma_wait3A_234 : memref<50000x64xi32, #tpu.memory_space<hbm>>) dst(%dma_wait3A_229 : memref<40x64xi32, #tpu.memory_space<vmem>>)
      %dma_wait3A_235 = arith.constant 40 : i32
      %dma_wait3A_236 = arith.constant 0 : i32
      %dma_wait3A_237 = tpu.memref_slice %arg10[%dma_wait3A_235, %dma_wait3A_236] : memref<80x64xi32, #tpu.memory_space<vmem>> -> memref<40x64xi32, #tpu.memory_space<vmem>>
      %dma_wait3A_238 = arith.constant 0 : i32
      %dma_wait3A_239 = tpu.memref_slice %arg7[%dma_wait3A_238] : memref<10000xi32, #tpu.memory_space<vmem>> -> memref<40xi32, #tpu.memory_space<vmem>>
      %dma_wait3A_240 = arith.constant 0 : i32
      %dma_wait3A_241 = arith.constant 0 : i32
      %dma_wait3A_242 = tpu.memref_slice %arg2[%dma_wait3A_240, %dma_wait3A_241] : memref<50000x64xi32, #tpu.memory_space<hbm>> -> memref<50000x64xi32, #tpu.memory_space<hbm>>
      tpu.wait_indirect_dma semaphore(%arg21 : memref<!tpu.dma_semaphore, #tpu.memory_space<semaphore_mem>>) src(%dma_wait3A_242 : memref<50000x64xi32, #tpu.memory_space<hbm>>) dst(%dma_wait3A_237 : memref<40x64xi32, #tpu.memory_space<vmem>>)
      %dma_wait3A_243 = arith.constant 40 : i32
      %dma_wait3A_244 = arith.constant 0 : i32
      %dma_wait3A_245 = tpu.memref_slice %arg15[%dma_wait3A_243, %dma_wait3A_244] : memref<80x64xi32, #tpu.memory_space<vmem>> -> memref<40x64xi32, #tpu.memory_space<vmem>>
      %dma_wait3A_246 = arith.constant 0 : i32
      %dma_wait3A_247 = tpu.memref_slice %arg8[%dma_wait3A_246] : memref<10000xi32, #tpu.memory_space<vmem>> -> memref<40xi32, #tpu.memory_space<vmem>>
      %dma_wait3A_248 = arith.constant 0 : i32
      %dma_wait3A_249 = arith.constant 0 : i32
      %dma_wait3A_250 = tpu.memref_slice %arg3[%dma_wait3A_248, %dma_wait3A_249] : memref<50000x64xi32, #tpu.memory_space<hbm>> -> memref<50000x64xi32, #tpu.memory_space<hbm>>
      tpu.wait_indirect_dma semaphore(%arg21 : memref<!tpu.dma_semaphore, #tpu.memory_space<semaphore_mem>>) src(%dma_wait3A_250 : memref<50000x64xi32, #tpu.memory_space<hbm>>) dst(%dma_wait3A_245 : memref<40x64xi32, #tpu.memory_space<vmem>>)
      %scan3A_251 = arith.constant 0 : i32
      %scan3A_252 = arith.constant 0 : i32
      %scan3A_253 = arith.constant 5 : i32
      %scan3A_254 = arith.addi %scan3A_252, %scan3A_253 : i32
      %scan3A_255 = arith.constant 1 : i32
      %scan3A_256 = scf.for %scan3A_416 = %scan3A_252 to %scan3A_254 step %scan3A_255 iter_args(%scan3A_417 = %scan3A_251) -> (i32)  : i32 {
        %mul3A_418 = arith.constant 16 : i32
        %mul3A_419 = arith.muli %scan3A_416, %mul3A_418 : i32
        %add3A_420 = vector.broadcast %mul3A_419 : i32 to vector<16xi32>
        %add3A_421 = arith.addi %add3A_420, %iota3A : vector<16xi32>
        %broadcast_in_dim3A_422 = arith.constant 0.000000e+00 : f32
        %broadcast_in_dim3A_423 = vector.broadcast %broadcast_in_dim3A_422 : f32 to vector<16xf32>
        %scan3A_424 = arith.constant 0 : i32
        %scan3A_425 = arith.constant 8 : i32
        %scan3A_426 = arith.addi %scan3A_424, %scan3A_425 : i32
        %scan3A_427 = arith.constant 1 : i32
        %scan3A_428:2 = scf.for %scan3A_438 = %scan3A_424 to %scan3A_426 step %scan3A_427 iter_args(%scan3A_439 = %broadcast_in_dim3A_423, %scan3A_440 = %broadcast_in_dim3A_423) -> (vector<16xf32>, vector<16xf32>)  : i32 {
          %broadcast_in_dim3A_441 = arith.constant 0 : i32
          %broadcast_in_dim3A_442 = vector.broadcast %broadcast_in_dim3A_441 : i32 to vector<16xi32>
          %mul3A_443 = arith.constant 8 : i32
          %mul3A_444 = arith.muli %scan3A_438, %mul3A_443 : i32
          %add3A_445 = vector.broadcast %mul3A_444 : i32 to vector<16xi32>
          %add3A_446 = arith.addi %broadcast_in_dim3A_442, %add3A_445 : vector<16xi32>
          %add3A_447 = arith.constant 0 : i32
          %add3A_448 = vector.broadcast %add3A_447 : i32 to vector<16xi32>
          %add3A_449 = arith.addi %add3A_446, %add3A_448 : vector<16xi32>
          %gather3A = tpu.vector_load_idx %arg10[%add3A_421, %add3A_449] : memref<80x64xi32, #tpu.memory_space<vmem>>[vector<16xi32>, vector<16xi32>], vector<16xi32>,
          %gather3A_450 = tpu.vector_load_idx %arg15[%add3A_421, %add3A_449] : memref<80x64xi32, #tpu.memory_space<vmem>>[vector<16xi32>, vector<16xi32>], vector<16xi32>,
          %shift_left3A = arith.constant 16 : i32
          %shift_left3A_451 = vector.broadcast %shift_left3A : i32 to vector<16xi32>
          %shift_left3A_452 = arith.shli %gather3A, %shift_left3A_451 : vector<16xi32>
          %bitcast3A = vector.bitcast %shift_left3A_452 : vector<16xi32> to vector<16xf32>
          %shift_left3A_453 = arith.constant 16 : i32
          %shift_left3A_454 = vector.broadcast %shift_left3A_453 : i32 to vector<16xi32>
          %shift_left3A_455 = arith.shli %gather3A_450, %shift_left3A_454 : vector<16xi32>
          %bitcast3A_456 = vector.bitcast %shift_left3A_455 : vector<16xi32> to vector<16xf32>
          %and3A = arith.andi %gather3A, %broadcast_in_dim3A_1 : vector<16xi32>
          %bitcast3A_457 = vector.bitcast %and3A : vector<16xi32> to vector<16xf32>
          %and3A_458 = arith.andi %gather3A_450, %broadcast_in_dim3A_1 : vector<16xi32>
          %bitcast3A_459 = vector.bitcast %and3A_458 : vector<16xi32> to vector<16xf32>
          %mul3A_460 = arith.mulf %bitcast3A, %bitcast3A_456 : vector<16xf32>
          %add3A_461 = arith.addf %scan3A_439, %mul3A_460 : vector<16xf32>
          %mul3A_462 = arith.mulf %bitcast3A_457, %bitcast3A_459 : vector<16xf32>
          %add3A_463 = arith.addf %scan3A_440, %mul3A_462 : vector<16xf32>
          %add3A_464 = arith.constant 1 : i32
          %add3A_465 = vector.broadcast %add3A_464 : i32 to vector<16xi32>
          %add3A_466 = arith.addi %add3A_446, %add3A_465 : vector<16xi32>
          %gather3A_467 = tpu.vector_load_idx %arg10[%add3A_421, %add3A_466] : memref<80x64xi32, #tpu.memory_space<vmem>>[vector<16xi32>, vector<16xi32>], vector<16xi32>,
          %gather3A_468 = tpu.vector_load_idx %arg15[%add3A_421, %add3A_466] : memref<80x64xi32, #tpu.memory_space<vmem>>[vector<16xi32>, vector<16xi32>], vector<16xi32>,
          %shift_left3A_469 = arith.constant 16 : i32
          %shift_left3A_470 = vector.broadcast %shift_left3A_469 : i32 to vector<16xi32>
          %shift_left3A_471 = arith.shli %gather3A_467, %shift_left3A_470 : vector<16xi32>
          %bitcast3A_472 = vector.bitcast %shift_left3A_471 : vector<16xi32> to vector<16xf32>
          %shift_left3A_473 = arith.constant 16 : i32
          %shift_left3A_474 = vector.broadcast %shift_left3A_473 : i32 to vector<16xi32>
          %shift_left3A_475 = arith.shli %gather3A_468, %shift_left3A_474 : vector<16xi32>
          %bitcast3A_476 = vector.bitcast %shift_left3A_475 : vector<16xi32> to vector<16xf32>
          %and3A_477 = arith.andi %gather3A_467, %broadcast_in_dim3A_1 : vector<16xi32>
          %bitcast3A_478 = vector.bitcast %and3A_477 : vector<16xi32> to vector<16xf32>
          %and3A_479 = arith.andi %gather3A_468, %broadcast_in_dim3A_1 : vector<16xi32>
          %bitcast3A_480 = vector.bitcast %and3A_479 : vector<16xi32> to vector<16xf32>
          %mul3A_481 = arith.mulf %bitcast3A_472, %bitcast3A_476 : vector<16xf32>
          %add3A_482 = arith.addf %add3A_461, %mul3A_481 : vector<16xf32>
          %mul3A_483 = arith.mulf %bitcast3A_478, %bitcast3A_480 : vector<16xf32>
          %add3A_484 = arith.addf %add3A_463, %mul3A_483 : vector<16xf32>
          %add3A_485 = arith.constant 2 : i32
          %add3A_486 = vector.broadcast %add3A_485 : i32 to vector<16xi32>
          %add3A_487 = arith.addi %add3A_446, %add3A_486 : vector<16xi32>
          %gather3A_488 = tpu.vector_load_idx %arg10[%add3A_421, %add3A_487] : memref<80x64xi32, #tpu.memory_space<vmem>>[vector<16xi32>, vector<16xi32>], vector<16xi32>,
          %gather3A_489 = tpu.vector_load_idx %arg15[%add3A_421, %add3A_487] : memref<80x64xi32, #tpu.memory_space<vmem>>[vector<16xi32>, vector<16xi32>], vector<16xi32>,
          %shift_left3A_490 = arith.constant 16 : i32
          %shift_left3A_491 = vector.broadcast %shift_left3A_490 : i32 to vector<16xi32>
          %shift_left3A_492 = arith.shli %gather3A_488, %shift_left3A_491 : vector<16xi32>
          %bitcast3A_493 = vector.bitcast %shift_left3A_492 : vector<16xi32> to vector<16xf32>
          %shift_left3A_494 = arith.constant 16 : i32
          %shift_left3A_495 = vector.broadcast %shift_left3A_494 : i32 to vector<16xi32>
          %shift_left3A_496 = arith.shli %gather3A_489, %shift_left3A_495 : vector<16xi32>
          %bitcast3A_497 = vector.bitcast %shift_left3A_496 : vector<16xi32> to vector<16xf32>
          %and3A_498 = arith.andi %gather3A_488, %broadcast_in_dim3A_1 : vector<16xi32>
          %bitcast3A_499 = vector.bitcast %and3A_498 : vector<16xi32> to vector<16xf32>
          %and3A_500 = arith.andi %gather3A_489, %broadcast_in_dim3A_1 : vector<16xi32>
          %bitcast3A_501 = vector.bitcast %and3A_500 : vector<16xi32> to vector<16xf32>
          %mul3A_502 = arith.mulf %bitcast3A_493, %bitcast3A_497 : vector<16xf32>
          %add3A_503 = arith.addf %add3A_482, %mul3A_502 : vector<16xf32>
          %mul3A_504 = arith.mulf %bitcast3A_499, %bitcast3A_501 : vector<16xf32>
          %add3A_505 = arith.addf %add3A_484, %mul3A_504 : vector<16xf32>
          %add3A_506 = arith.constant 3 : i32
          %add3A_507 = vector.broadcast %add3A_506 : i32 to vector<16xi32>
          %add3A_508 = arith.addi %add3A_446, %add3A_507 : vector<16xi32>
          %gather3A_509 = tpu.vector_load_idx %arg10[%add3A_421, %add3A_508] : memref<80x64xi32, #tpu.memory_space<vmem>>[vector<16xi32>, vector<16xi32>], vector<16xi32>,
          %gather3A_510 = tpu.vector_load_idx %arg15[%add3A_421, %add3A_508] : memref<80x64xi32, #tpu.memory_space<vmem>>[vector<16xi32>, vector<16xi32>], vector<16xi32>,
          %shift_left3A_511 = arith.constant 16 : i32
          %shift_left3A_512 = vector.broadcast %shift_left3A_511 : i32 to vector<16xi32>
          %shift_left3A_513 = arith.shli %gather3A_509, %shift_left3A_512 : vector<16xi32>
          %bitcast3A_514 = vector.bitcast %shift_left3A_513 : vector<16xi32> to vector<16xf32>
          %shift_left3A_515 = arith.constant 16 : i32
          %shift_left3A_516 = vector.broadcast %shift_left3A_515 : i32 to vector<16xi32>
          %shift_left3A_517 = arith.shli %gather3A_510, %shift_left3A_516 : vector<16xi32>
          %bitcast3A_518 = vector.bitcast %shift_left3A_517 : vector<16xi32> to vector<16xf32>
          %and3A_519 = arith.andi %gather3A_509, %broadcast_in_dim3A_1 : vector<16xi32>
          %bitcast3A_520 = vector.bitcast %and3A_519 : vector<16xi32> to vector<16xf32>
          %and3A_521 = arith.andi %gather3A_510, %broadcast_in_dim3A_1 : vector<16xi32>
          %bitcast3A_522 = vector.bitcast %and3A_521 : vector<16xi32> to vector<16xf32>
          %mul3A_523 = arith.mulf %bitcast3A_514, %bitcast3A_518 : vector<16xf32>
          %add3A_524 = arith.addf %add3A_503, %mul3A_523 : vector<16xf32>
          %mul3A_525 = arith.mulf %bitcast3A_520, %bitcast3A_522 : vector<16xf32>
          %add3A_526 = arith.addf %add3A_505, %mul3A_525 : vector<16xf32>
          %add3A_527 = arith.constant 4 : i32
          %add3A_528 = vector.broadcast %add3A_527 : i32 to vector<16xi32>
          %add3A_529 = arith.addi %add3A_446, %add3A_528 : vector<16xi32>
          %gather3A_530 = tpu.vector_load_idx %arg10[%add3A_421, %add3A_529] : memref<80x64xi32, #tpu.memory_space<vmem>>[vector<16xi32>, vector<16xi32>], vector<16xi32>,
          %gather3A_531 = tpu.vector_load_idx %arg15[%add3A_421, %add3A_529] : memref<80x64xi32, #tpu.memory_space<vmem>>[vector<16xi32>, vector<16xi32>], vector<16xi32>,
          %shift_left3A_532 = arith.constant 16 : i32
          %shift_left3A_533 = vector.broadcast %shift_left3A_532 : i32 to vector<16xi32>
          %shift_left3A_534 = arith.shli %gather3A_530, %shift_left3A_533 : vector<16xi32>
          %bitcast3A_535 = vector.bitcast %shift_left3A_534 : vector<16xi32> to vector<16xf32>
          %shift_left3A_536 = arith.constant 16 : i32
          %shift_left3A_537 = vector.broadcast %shift_left3A_536 : i32 to vector<16xi32>
          %shift_left3A_538 = arith.shli %gather3A_531, %shift_left3A_537 : vector<16xi32>
          %bitcast3A_539 = vector.bitcast %shift_left3A_538 : vector<16xi32> to vector<16xf32>
          %and3A_540 = arith.andi %gather3A_530, %broadcast_in_dim3A_1 : vector<16xi32>
          %bitcast3A_541 = vector.bitcast %and3A_540 : vector<16xi32> to vector<16xf32>
          %and3A_542 = arith.andi %gather3A_531, %broadcast_in_dim3A_1 : vector<16xi32>
          %bitcast3A_543 = vector.bitcast %and3A_542 : vector<16xi32> to vector<16xf32>
          %mul3A_544 = arith.mulf %bitcast3A_535, %bitcast3A_539 : vector<16xf32>
          %add3A_545 = arith.addf %add3A_524, %mul3A_544 : vector<16xf32>
          %mul3A_546 = arith.mulf %bitcast3A_541, %bitcast3A_543 : vector<16xf32>
          %add3A_547 = arith.addf %add3A_526, %mul3A_546 : vector<16xf32>
          %add3A_548 = arith.constant 5 : i32
          %add3A_549 = vector.broadcast %add3A_548 : i32 to vector<16xi32>
          %add3A_550 = arith.addi %add3A_446, %add3A_549 : vector<16xi32>
          %gather3A_551 = tpu.vector_load_idx %arg10[%add3A_421, %add3A_550] : memref<80x64xi32, #tpu.memory_space<vmem>>[vector<16xi32>, vector<16xi32>], vector<16xi32>,
          %gather3A_552 = tpu.vector_load_idx %arg15[%add3A_421, %add3A_550] : memref<80x64xi32, #tpu.memory_space<vmem>>[vector<16xi32>, vector<16xi32>], vector<16xi32>,
          %shift_left3A_553 = arith.constant 16 : i32
          %shift_left3A_554 = vector.broadcast %shift_left3A_553 : i32 to vector<16xi32>
          %shift_left3A_555 = arith.shli %gather3A_551, %shift_left3A_554 : vector<16xi32>
          %bitcast3A_556 = vector.bitcast %shift_left3A_555 : vector<16xi32> to vector<16xf32>
          %shift_left3A_557 = arith.constant 16 : i32
          %shift_left3A_558 = vector.broadcast %shift_left3A_557 : i32 to vector<16xi32>
          %shift_left3A_559 = arith.shli %gather3A_552, %shift_left3A_558 : vector<16xi32>
          %bitcast3A_560 = vector.bitcast %shift_left3A_559 : vector<16xi32> to vector<16xf32>
          %and3A_561 = arith.andi %gather3A_551, %broadcast_in_dim3A_1 : vector<16xi32>
          %bitcast3A_562 = vector.bitcast %and3A_561 : vector<16xi32> to vector<16xf32>
          %and3A_563 = arith.andi %gather3A_552, %broadcast_in_dim3A_1 : vector<16xi32>
          %bitcast3A_564 = vector.bitcast %and3A_563 : vector<16xi32> to vector<16xf32>
          %mul3A_565 = arith.mulf %bitcast3A_556, %bitcast3A_560 : vector<16xf32>
          %add3A_566 = arith.addf %add3A_545, %mul3A_565 : vector<16xf32>
          %mul3A_567 = arith.mulf %bitcast3A_562, %bitcast3A_564 : vector<16xf32>
          %add3A_568 = arith.addf %add3A_547, %mul3A_567 : vector<16xf32>
          %add3A_569 = arith.constant 6 : i32
          %add3A_570 = vector.broadcast %add3A_569 : i32 to vector<16xi32>
          %add3A_571 = arith.addi %add3A_446, %add3A_570 : vector<16xi32>
          %gather3A_572 = tpu.vector_load_idx %arg10[%add3A_421, %add3A_571] : memref<80x64xi32, #tpu.memory_space<vmem>>[vector<16xi32>, vector<16xi32>], vector<16xi32>,
          %gather3A_573 = tpu.vector_load_idx %arg15[%add3A_421, %add3A_571] : memref<80x64xi32, #tpu.memory_space<vmem>>[vector<16xi32>, vector<16xi32>], vector<16xi32>,
          %shift_left3A_574 = arith.constant 16 : i32
          %shift_left3A_575 = vector.broadcast %shift_left3A_574 : i32 to vector<16xi32>
          %shift_left3A_576 = arith.shli %gather3A_572, %shift_left3A_575 : vector<16xi32>
          %bitcast3A_577 = vector.bitcast %shift_left3A_576 : vector<16xi32> to vector<16xf32>
          %shift_left3A_578 = arith.constant 16 : i32
          %shift_left3A_579 = vector.broadcast %shift_left3A_578 : i32 to vector<16xi32>
          %shift_left3A_580 = arith.shli %gather3A_573, %shift_left3A_579 : vector<16xi32>
          %bitcast3A_581 = vector.bitcast %shift_left3A_580 : vector<16xi32> to vector<16xf32>
          %and3A_582 = arith.andi %gather3A_572, %broadcast_in_dim3A_1 : vector<16xi32>
          %bitcast3A_583 = vector.bitcast %and3A_582 : vector<16xi32> to vector<16xf32>
          %and3A_584 = arith.andi %gather3A_573, %broadcast_in_dim3A_1 : vector<16xi32>
          %bitcast3A_585 = vector.bitcast %and3A_584 : vector<16xi32> to vector<16xf32>
          %mul3A_586 = arith.mulf %bitcast3A_577, %bitcast3A_581 : vector<16xf32>
          %add3A_587 = arith.addf %add3A_566, %mul3A_586 : vector<16xf32>
          %mul3A_588 = arith.mulf %bitcast3A_583, %bitcast3A_585 : vector<16xf32>
          %add3A_589 = arith.addf %add3A_568, %mul3A_588 : vector<16xf32>
          %add3A_590 = arith.constant 7 : i32
          %add3A_591 = vector.broadcast %add3A_590 : i32 to vector<16xi32>
          %add3A_592 = arith.addi %add3A_446, %add3A_591 : vector<16xi32>
          %gather3A_593 = tpu.vector_load_idx %arg10[%add3A_421, %add3A_592] : memref<80x64xi32, #tpu.memory_space<vmem>>[vector<16xi32>, vector<16xi32>], vector<16xi32>,
          %gather3A_594 = tpu.vector_load_idx %arg15[%add3A_421, %add3A_592] : memref<80x64xi32, #tpu.memory_space<vmem>>[vector<16xi32>, vector<16xi32>], vector<16xi32>,
          %shift_left3A_595 = arith.constant 16 : i32
          %shift_left3A_596 = vector.broadcast %shift_left3A_595 : i32 to vector<16xi32>
          %shift_left3A_597 = arith.shli %gather3A_593, %shift_left3A_596 : vector<16xi32>
          %bitcast3A_598 = vector.bitcast %shift_left3A_597 : vector<16xi32> to vector<16xf32>
          %shift_left3A_599 = arith.constant 16 : i32
          %shift_left3A_600 = vector.broadcast %shift_left3A_599 : i32 to vector<16xi32>
          %shift_left3A_601 = arith.shli %gather3A_594, %shift_left3A_600 : vector<16xi32>
          %bitcast3A_602 = vector.bitcast %shift_left3A_601 : vector<16xi32> to vector<16xf32>
          %and3A_603 = arith.andi %gather3A_593, %broadcast_in_dim3A_1 : vector<16xi32>
          %bitcast3A_604 = vector.bitcast %and3A_603 : vector<16xi32> to vector<16xf32>
          %and3A_605 = arith.andi %gather3A_594, %broadcast_in_dim3A_1 : vector<16xi32>
          %bitcast3A_606 = vector.bitcast %and3A_605 : vector<16xi32> to vector<16xf32>
          %mul3A_607 = arith.mulf %bitcast3A_598, %bitcast3A_602 : vector<16xf32>
          %add3A_608 = arith.addf %add3A_587, %mul3A_607 : vector<16xf32>
          %mul3A_609 = arith.mulf %bitcast3A_604, %bitcast3A_606 : vector<16xf32>
          %add3A_610 = arith.addf %add3A_589, %mul3A_609 : vector<16xf32>
          scf.yield %add3A_608, %add3A_610 : vector<16xf32>, vector<16xf32>
        }
        %scan3A_429 = arith.constant 8 : i32
        %add3A_430 = arith.addf %scan3A_428#0, %scan3A_428#1 : vector<16xf32>
        %mul3A_431 = arith.constant 80 : i32
        %mul3A_432 = arith.muli %add3A_218, %mul3A_431 : i32
        %mul3A_433 = arith.constant 16 : i32
        %mul3A_434 = arith.muli %scan3A_416, %mul3A_433 : i32
        %add3A_435 = arith.addi %mul3A_432, %mul3A_434 : i32
        %swap3A = arith.index_cast %add3A_435 : i32 to index
        %swap3A_436 = tpu.vector_load %arg19[%swap3A] {strides = array<i32>} : memref<10000xf32, #tpu.memory_space<vmem>>, vector<16xf32>,
        tpu.vector_store %arg19[%swap3A], %add3A_430 {strides = array<i32>} : memref<10000xf32, #tpu.memory_space<vmem>>, vector<16xf32>,
        %scan3A_437 = arith.constant 0 : i32
        scf.yield %scan3A_437 : i32
      }
      %scan3A_257 = arith.constant 5 : i32
      %add3A_258 = arith.constant 5 : i32
      %add3A_259 = arith.addi %add3A_218, %add3A_258 : i32
      %lt3A_260 = arith.constant 125 : i32
      %lt3A_261 = arith.cmpi slt, %add3A_259, %lt3A_260 : i32
      %convert_element_type3A_262 = arith.extui %lt3A_261 : i1 to i32
      %cond3A_263 = arith.constant 0 : i32
      %cond3A_264 = arith.cmpi ne, %convert_element_type3A_262, %cond3A_263 : i32
      scf.if %cond3A_264 {
        %add3A_416 = arith.constant 5 : i32
        %add3A_417 = arith.addi %add3A_218, %add3A_416 : i32
        %mul3A_418 = arith.constant 80 : i32
        %mul3A_419 = arith.muli %add3A_417, %mul3A_418 : i32
        %add3A_420 = arith.constant 0 : i32
        %add3A_421 = arith.addi %mul3A_419, %add3A_420 : i32
        %dma_start3A_422 = arith.constant 0 : i32
        %dma_start3A_423 = arith.constant 0 : i32
        %dma_start3A_424 = tpu.memref_slice %arg10[%dma_start3A_422, %dma_start3A_423] : memref<80x64xi32, #tpu.memory_space<vmem>> -> memref<40x64xi32, #tpu.memory_space<vmem>>
        %dma_start3A_425 = tpu.memref_slice %arg7[%add3A_421] : memref<10000xi32, #tpu.memory_space<vmem>> -> memref<40xi32, #tpu.memory_space<vmem>>
        %dma_start3A_426 = arith.constant 0 : i32
        %dma_start3A_427 = arith.constant 0 : i32
        %dma_start3A_428 = tpu.memref_slice %arg2[%dma_start3A_426, %dma_start3A_427] : memref<50000x64xi32, #tpu.memory_space<hbm>> -> memref<50000x64xi32, #tpu.memory_space<hbm>>
        tpu.enqueue_indirect_dma source(%dma_start3A_428 : memref<50000x64xi32, #tpu.memory_space<hbm>>) target(%dma_start3A_424 : memref<40x64xi32, #tpu.memory_space<vmem>>) offsets(%dma_start3A_425 : memref<40xi32, #tpu.memory_space<vmem>>) semaphore(%arg21 : memref<!tpu.dma_semaphore, #tpu.memory_space<semaphore_mem>>)
        %mul3A_429 = arith.constant 80 : i32
        %mul3A_430 = arith.muli %add3A_417, %mul3A_429 : i32
        %add3A_431 = arith.constant 0 : i32
        %add3A_432 = arith.addi %mul3A_430, %add3A_431 : i32
        %dma_start3A_433 = arith.constant 0 : i32
        %dma_start3A_434 = arith.constant 0 : i32
        %dma_start3A_435 = tpu.memref_slice %arg15[%dma_start3A_433, %dma_start3A_434] : memref<80x64xi32, #tpu.memory_space<vmem>> -> memref<40x64xi32, #tpu.memory_space<vmem>>
        %dma_start3A_436 = tpu.memref_slice %arg8[%add3A_432] : memref<10000xi32, #tpu.memory_space<vmem>> -> memref<40xi32, #tpu.memory_space<vmem>>
        %dma_start3A_437 = arith.constant 0 : i32
        %dma_start3A_438 = arith.constant 0 : i32
        %dma_start3A_439 = tpu.memref_slice %arg3[%dma_start3A_437, %dma_start3A_438] : memref<50000x64xi32, #tpu.memory_space<hbm>> -> memref<50000x64xi32, #tpu.memory_space<hbm>>
        tpu.enqueue_indirect_dma source(%dma_start3A_439 : memref<50000x64xi32, #tpu.memory_space<hbm>>) target(%dma_start3A_435 : memref<40x64xi32, #tpu.memory_space<vmem>>) offsets(%dma_start3A_436 : memref<40xi32, #tpu.memory_space<vmem>>) semaphore(%arg21 : memref<!tpu.dma_semaphore, #tpu.memory_space<semaphore_mem>>)
        %mul3A_440 = arith.constant 80 : i32
        %mul3A_441 = arith.muli %add3A_417, %mul3A_440 : i32
        %add3A_442 = arith.constant 40 : i32
        %add3A_443 = arith.addi %mul3A_441, %add3A_442 : i32
        %dma_start3A_444 = arith.constant 40 : i32
        %dma_start3A_445 = arith.constant 0 : i32
        %dma_start3A_446 = tpu.memref_slice %arg10[%dma_start3A_444, %dma_start3A_445] : memref<80x64xi32, #tpu.memory_space<vmem>> -> memref<40x64xi32, #tpu.memory_space<vmem>>
        %dma_start3A_447 = tpu.memref_slice %arg7[%add3A_443] : memref<10000xi32, #tpu.memory_space<vmem>> -> memref<40xi32, #tpu.memory_space<vmem>>
        %dma_start3A_448 = arith.constant 0 : i32
        %dma_start3A_449 = arith.constant 0 : i32
        %dma_start3A_450 = tpu.memref_slice %arg2[%dma_start3A_448, %dma_start3A_449] : memref<50000x64xi32, #tpu.memory_space<hbm>> -> memref<50000x64xi32, #tpu.memory_space<hbm>>
        tpu.enqueue_indirect_dma source(%dma_start3A_450 : memref<50000x64xi32, #tpu.memory_space<hbm>>) target(%dma_start3A_446 : memref<40x64xi32, #tpu.memory_space<vmem>>) offsets(%dma_start3A_447 : memref<40xi32, #tpu.memory_space<vmem>>) semaphore(%arg21 : memref<!tpu.dma_semaphore, #tpu.memory_space<semaphore_mem>>)
        %mul3A_451 = arith.constant 80 : i32
        %mul3A_452 = arith.muli %add3A_417, %mul3A_451 : i32
        %add3A_453 = arith.constant 40 : i32
        %add3A_454 = arith.addi %mul3A_452, %add3A_453 : i32
        %dma_start3A_455 = arith.constant 40 : i32
        %dma_start3A_456 = arith.constant 0 : i32
        %dma_start3A_457 = tpu.memref_slice %arg15[%dma_start3A_455, %dma_start3A_456] : memref<80x64xi32, #tpu.memory_space<vmem>> -> memref<40x64xi32, #tpu.memory_space<vmem>>
        %dma_start3A_458 = tpu.memref_slice %arg8[%add3A_454] : memref<10000xi32, #tpu.memory_space<vmem>> -> memref<40xi32, #tpu.memory_space<vmem>>
        %dma_start3A_459 = arith.constant 0 : i32
        %dma_start3A_460 = arith.constant 0 : i32
        %dma_start3A_461 = tpu.memref_slice %arg3[%dma_start3A_459, %dma_start3A_460] : memref<50000x64xi32, #tpu.memory_space<hbm>> -> memref<50000x64xi32, #tpu.memory_space<hbm>>
        tpu.enqueue_indirect_dma source(%dma_start3A_461 : memref<50000x64xi32, #tpu.memory_space<hbm>>) target(%dma_start3A_457 : memref<40x64xi32, #tpu.memory_space<vmem>>) offsets(%dma_start3A_458 : memref<40xi32, #tpu.memory_space<vmem>>) semaphore(%arg21 : memref<!tpu.dma_semaphore, #tpu.memory_space<semaphore_mem>>)
      } else {
      }
      %mul3A_265 = arith.constant 5 : i32
      %mul3A_266 = arith.muli %scan3A_167, %mul3A_265 : i32
      %add3A_267 = arith.constant 2 : i32
      %add3A_268 = arith.addi %mul3A_266, %add3A_267 : i32
      %dma_wait3A_269 = arith.constant 0 : i32
      %dma_wait3A_270 = arith.constant 0 : i32
      %dma_wait3A_271 = tpu.memref_slice %arg11[%dma_wait3A_269, %dma_wait3A_270] : memref<80x64xi32, #tpu.memory_space<vmem>> -> memref<40x64xi32, #tpu.memory_space<vmem>>
      %dma_wait3A_272 = arith.constant 0 : i32
      %dma_wait3A_273 = tpu.memref_slice %arg7[%dma_wait3A_272] : memref<10000xi32, #tpu.memory_space<vmem>> -> memref<40xi32, #tpu.memory_space<vmem>>
      %dma_wait3A_274 = arith.constant 0 : i32
      %dma_wait3A_275 = arith.constant 0 : i32
      %dma_wait3A_276 = tpu.memref_slice %arg2[%dma_wait3A_274, %dma_wait3A_275] : memref<50000x64xi32, #tpu.memory_space<hbm>> -> memref<50000x64xi32, #tpu.memory_space<hbm>>
      tpu.wait_indirect_dma semaphore(%arg22 : memref<!tpu.dma_semaphore, #tpu.memory_space<semaphore_mem>>) src(%dma_wait3A_276 : memref<50000x64xi32, #tpu.memory_space<hbm>>) dst(%dma_wait3A_271 : memref<40x64xi32, #tpu.memory_space<vmem>>)
      %dma_wait3A_277 = arith.constant 0 : i32
      %dma_wait3A_278 = arith.constant 0 : i32
      %dma_wait3A_279 = tpu.memref_slice %arg16[%dma_wait3A_277, %dma_wait3A_278] : memref<80x64xi32, #tpu.memory_space<vmem>> -> memref<40x64xi32, #tpu.memory_space<vmem>>
      %dma_wait3A_280 = arith.constant 0 : i32
      %dma_wait3A_281 = tpu.memref_slice %arg8[%dma_wait3A_280] : memref<10000xi32, #tpu.memory_space<vmem>> -> memref<40xi32, #tpu.memory_space<vmem>>
      %dma_wait3A_282 = arith.constant 0 : i32
      %dma_wait3A_283 = arith.constant 0 : i32
      %dma_wait3A_284 = tpu.memref_slice %arg3[%dma_wait3A_282, %dma_wait3A_283] : memref<50000x64xi32, #tpu.memory_space<hbm>> -> memref<50000x64xi32, #tpu.memory_space<hbm>>
      tpu.wait_indirect_dma semaphore(%arg22 : memref<!tpu.dma_semaphore, #tpu.memory_space<semaphore_mem>>) src(%dma_wait3A_284 : memref<50000x64xi32, #tpu.memory_space<hbm>>) dst(%dma_wait3A_279 : memref<40x64xi32, #tpu.memory_space<vmem>>)
      %dma_wait3A_285 = arith.constant 40 : i32
      %dma_wait3A_286 = arith.constant 0 : i32
      %dma_wait3A_287 = tpu.memref_slice %arg11[%dma_wait3A_285, %dma_wait3A_286] : memref<80x64xi32, #tpu.memory_space<vmem>> -> memref<40x64xi32, #tpu.memory_space<vmem>>
      %dma_wait3A_288 = arith.constant 0 : i32
      %dma_wait3A_289 = tpu.memref_slice %arg7[%dma_wait3A_288] : memref<10000xi32, #tpu.memory_space<vmem>> -> memref<40xi32, #tpu.memory_space<vmem>>
      %dma_wait3A_290 = arith.constant 0 : i32
      %dma_wait3A_291 = arith.constant 0 : i32
      %dma_wait3A_292 = tpu.memref_slice %arg2[%dma_wait3A_290, %dma_wait3A_291] : memref<50000x64xi32, #tpu.memory_space<hbm>> -> memref<50000x64xi32, #tpu.memory_space<hbm>>
      tpu.wait_indirect_dma semaphore(%arg22 : memref<!tpu.dma_semaphore, #tpu.memory_space<semaphore_mem>>) src(%dma_wait3A_292 : memref<50000x64xi32, #tpu.memory_space<hbm>>) dst(%dma_wait3A_287 : memref<40x64xi32, #tpu.memory_space<vmem>>)
      %dma_wait3A_293 = arith.constant 40 : i32
      %dma_wait3A_294 = arith.constant 0 : i32
      %dma_wait3A_295 = tpu.memref_slice %arg16[%dma_wait3A_293, %dma_wait3A_294] : memref<80x64xi32, #tpu.memory_space<vmem>> -> memref<40x64xi32, #tpu.memory_space<vmem>>
      %dma_wait3A_296 = arith.constant 0 : i32
      %dma_wait3A_297 = tpu.memref_slice %arg8[%dma_wait3A_296] : memref<10000xi32, #tpu.memory_space<vmem>> -> memref<40xi32, #tpu.memory_space<vmem>>
      %dma_wait3A_298 = arith.constant 0 : i32
      %dma_wait3A_299 = arith.constant 0 : i32
      %dma_wait3A_300 = tpu.memref_slice %arg3[%dma_wait3A_298, %dma_wait3A_299] : memref<50000x64xi32, #tpu.memory_space<hbm>> -> memref<50000x64xi32, #tpu.memory_space<hbm>>
      tpu.wait_indirect_dma semaphore(%arg22 : memref<!tpu.dma_semaphore, #tpu.memory_space<semaphore_mem>>) src(%dma_wait3A_300 : memref<50000x64xi32, #tpu.memory_space<hbm>>) dst(%dma_wait3A_295 : memref<40x64xi32, #tpu.memory_space<vmem>>)
      %scan3A_301 = arith.constant 0 : i32
      %scan3A_302 = arith.constant 0 : i32
      %scan3A_303 = arith.constant 5 : i32
      %scan3A_304 = arith.addi %scan3A_302, %scan3A_303 : i32
      %scan3A_305 = arith.constant 1 : i32
      %scan3A_306 = scf.for %scan3A_416 = %scan3A_302 to %scan3A_304 step %scan3A_305 iter_args(%scan3A_417 = %scan3A_301) -> (i32)  : i32 {
        %mul3A_418 = arith.constant 16 : i32
        %mul3A_419 = arith.muli %scan3A_416, %mul3A_418 : i32
        %add3A_420 = vector.broadcast %mul3A_419 : i32 to vector<16xi32>
        %add3A_421 = arith.addi %add3A_420, %iota3A : vector<16xi32>
        %broadcast_in_dim3A_422 = arith.constant 0.000000e+00 : f32
        %broadcast_in_dim3A_423 = vector.broadcast %broadcast_in_dim3A_422 : f32 to vector<16xf32>
        %scan3A_424 = arith.constant 0 : i32
        %scan3A_425 = arith.constant 8 : i32
        %scan3A_426 = arith.addi %scan3A_424, %scan3A_425 : i32
        %scan3A_427 = arith.constant 1 : i32
        %scan3A_428:2 = scf.for %scan3A_438 = %scan3A_424 to %scan3A_426 step %scan3A_427 iter_args(%scan3A_439 = %broadcast_in_dim3A_423, %scan3A_440 = %broadcast_in_dim3A_423) -> (vector<16xf32>, vector<16xf32>)  : i32 {
          %broadcast_in_dim3A_441 = arith.constant 0 : i32
          %broadcast_in_dim3A_442 = vector.broadcast %broadcast_in_dim3A_441 : i32 to vector<16xi32>
          %mul3A_443 = arith.constant 8 : i32
          %mul3A_444 = arith.muli %scan3A_438, %mul3A_443 : i32
          %add3A_445 = vector.broadcast %mul3A_444 : i32 to vector<16xi32>
          %add3A_446 = arith.addi %broadcast_in_dim3A_442, %add3A_445 : vector<16xi32>
          %add3A_447 = arith.constant 0 : i32
          %add3A_448 = vector.broadcast %add3A_447 : i32 to vector<16xi32>
          %add3A_449 = arith.addi %add3A_446, %add3A_448 : vector<16xi32>
          %gather3A = tpu.vector_load_idx %arg11[%add3A_421, %add3A_449] : memref<80x64xi32, #tpu.memory_space<vmem>>[vector<16xi32>, vector<16xi32>], vector<16xi32>,
          %gather3A_450 = tpu.vector_load_idx %arg16[%add3A_421, %add3A_449] : memref<80x64xi32, #tpu.memory_space<vmem>>[vector<16xi32>, vector<16xi32>], vector<16xi32>,
          %shift_left3A = arith.constant 16 : i32
          %shift_left3A_451 = vector.broadcast %shift_left3A : i32 to vector<16xi32>
          %shift_left3A_452 = arith.shli %gather3A, %shift_left3A_451 : vector<16xi32>
          %bitcast3A = vector.bitcast %shift_left3A_452 : vector<16xi32> to vector<16xf32>
          %shift_left3A_453 = arith.constant 16 : i32
          %shift_left3A_454 = vector.broadcast %shift_left3A_453 : i32 to vector<16xi32>
          %shift_left3A_455 = arith.shli %gather3A_450, %shift_left3A_454 : vector<16xi32>
          %bitcast3A_456 = vector.bitcast %shift_left3A_455 : vector<16xi32> to vector<16xf32>
          %and3A = arith.andi %gather3A, %broadcast_in_dim3A_1 : vector<16xi32>
          %bitcast3A_457 = vector.bitcast %and3A : vector<16xi32> to vector<16xf32>
          %and3A_458 = arith.andi %gather3A_450, %broadcast_in_dim3A_1 : vector<16xi32>
          %bitcast3A_459 = vector.bitcast %and3A_458 : vector<16xi32> to vector<16xf32>
          %mul3A_460 = arith.mulf %bitcast3A, %bitcast3A_456 : vector<16xf32>
          %add3A_461 = arith.addf %scan3A_439, %mul3A_460 : vector<16xf32>
          %mul3A_462 = arith.mulf %bitcast3A_457, %bitcast3A_459 : vector<16xf32>
          %add3A_463 = arith.addf %scan3A_440, %mul3A_462 : vector<16xf32>
          %add3A_464 = arith.constant 1 : i32
          %add3A_465 = vector.broadcast %add3A_464 : i32 to vector<16xi32>
          %add3A_466 = arith.addi %add3A_446, %add3A_465 : vector<16xi32>
          %gather3A_467 = tpu.vector_load_idx %arg11[%add3A_421, %add3A_466] : memref<80x64xi32, #tpu.memory_space<vmem>>[vector<16xi32>, vector<16xi32>], vector<16xi32>,
          %gather3A_468 = tpu.vector_load_idx %arg16[%add3A_421, %add3A_466] : memref<80x64xi32, #tpu.memory_space<vmem>>[vector<16xi32>, vector<16xi32>], vector<16xi32>,
          %shift_left3A_469 = arith.constant 16 : i32
          %shift_left3A_470 = vector.broadcast %shift_left3A_469 : i32 to vector<16xi32>
          %shift_left3A_471 = arith.shli %gather3A_467, %shift_left3A_470 : vector<16xi32>
          %bitcast3A_472 = vector.bitcast %shift_left3A_471 : vector<16xi32> to vector<16xf32>
          %shift_left3A_473 = arith.constant 16 : i32
          %shift_left3A_474 = vector.broadcast %shift_left3A_473 : i32 to vector<16xi32>
          %shift_left3A_475 = arith.shli %gather3A_468, %shift_left3A_474 : vector<16xi32>
          %bitcast3A_476 = vector.bitcast %shift_left3A_475 : vector<16xi32> to vector<16xf32>
          %and3A_477 = arith.andi %gather3A_467, %broadcast_in_dim3A_1 : vector<16xi32>
          %bitcast3A_478 = vector.bitcast %and3A_477 : vector<16xi32> to vector<16xf32>
          %and3A_479 = arith.andi %gather3A_468, %broadcast_in_dim3A_1 : vector<16xi32>
          %bitcast3A_480 = vector.bitcast %and3A_479 : vector<16xi32> to vector<16xf32>
          %mul3A_481 = arith.mulf %bitcast3A_472, %bitcast3A_476 : vector<16xf32>
          %add3A_482 = arith.addf %add3A_461, %mul3A_481 : vector<16xf32>
          %mul3A_483 = arith.mulf %bitcast3A_478, %bitcast3A_480 : vector<16xf32>
          %add3A_484 = arith.addf %add3A_463, %mul3A_483 : vector<16xf32>
          %add3A_485 = arith.constant 2 : i32
          %add3A_486 = vector.broadcast %add3A_485 : i32 to vector<16xi32>
          %add3A_487 = arith.addi %add3A_446, %add3A_486 : vector<16xi32>
          %gather3A_488 = tpu.vector_load_idx %arg11[%add3A_421, %add3A_487] : memref<80x64xi32, #tpu.memory_space<vmem>>[vector<16xi32>, vector<16xi32>], vector<16xi32>,
          %gather3A_489 = tpu.vector_load_idx %arg16[%add3A_421, %add3A_487] : memref<80x64xi32, #tpu.memory_space<vmem>>[vector<16xi32>, vector<16xi32>], vector<16xi32>,
          %shift_left3A_490 = arith.constant 16 : i32
          %shift_left3A_491 = vector.broadcast %shift_left3A_490 : i32 to vector<16xi32>
          %shift_left3A_492 = arith.shli %gather3A_488, %shift_left3A_491 : vector<16xi32>
          %bitcast3A_493 = vector.bitcast %shift_left3A_492 : vector<16xi32> to vector<16xf32>
          %shift_left3A_494 = arith.constant 16 : i32
          %shift_left3A_495 = vector.broadcast %shift_left3A_494 : i32 to vector<16xi32>
          %shift_left3A_496 = arith.shli %gather3A_489, %shift_left3A_495 : vector<16xi32>
          %bitcast3A_497 = vector.bitcast %shift_left3A_496 : vector<16xi32> to vector<16xf32>
          %and3A_498 = arith.andi %gather3A_488, %broadcast_in_dim3A_1 : vector<16xi32>
          %bitcast3A_499 = vector.bitcast %and3A_498 : vector<16xi32> to vector<16xf32>
          %and3A_500 = arith.andi %gather3A_489, %broadcast_in_dim3A_1 : vector<16xi32>
          %bitcast3A_501 = vector.bitcast %and3A_500 : vector<16xi32> to vector<16xf32>
          %mul3A_502 = arith.mulf %bitcast3A_493, %bitcast3A_497 : vector<16xf32>
          %add3A_503 = arith.addf %add3A_482, %mul3A_502 : vector<16xf32>
          %mul3A_504 = arith.mulf %bitcast3A_499, %bitcast3A_501 : vector<16xf32>
          %add3A_505 = arith.addf %add3A_484, %mul3A_504 : vector<16xf32>
          %add3A_506 = arith.constant 3 : i32
          %add3A_507 = vector.broadcast %add3A_506 : i32 to vector<16xi32>
          %add3A_508 = arith.addi %add3A_446, %add3A_507 : vector<16xi32>
          %gather3A_509 = tpu.vector_load_idx %arg11[%add3A_421, %add3A_508] : memref<80x64xi32, #tpu.memory_space<vmem>>[vector<16xi32>, vector<16xi32>], vector<16xi32>,
          %gather3A_510 = tpu.vector_load_idx %arg16[%add3A_421, %add3A_508] : memref<80x64xi32, #tpu.memory_space<vmem>>[vector<16xi32>, vector<16xi32>], vector<16xi32>,
          %shift_left3A_511 = arith.constant 16 : i32
          %shift_left3A_512 = vector.broadcast %shift_left3A_511 : i32 to vector<16xi32>
          %shift_left3A_513 = arith.shli %gather3A_509, %shift_left3A_512 : vector<16xi32>
          %bitcast3A_514 = vector.bitcast %shift_left3A_513 : vector<16xi32> to vector<16xf32>
          %shift_left3A_515 = arith.constant 16 : i32
          %shift_left3A_516 = vector.broadcast %shift_left3A_515 : i32 to vector<16xi32>
          %shift_left3A_517 = arith.shli %gather3A_510, %shift_left3A_516 : vector<16xi32>
          %bitcast3A_518 = vector.bitcast %shift_left3A_517 : vector<16xi32> to vector<16xf32>
          %and3A_519 = arith.andi %gather3A_509, %broadcast_in_dim3A_1 : vector<16xi32>
          %bitcast3A_520 = vector.bitcast %and3A_519 : vector<16xi32> to vector<16xf32>
          %and3A_521 = arith.andi %gather3A_510, %broadcast_in_dim3A_1 : vector<16xi32>
          %bitcast3A_522 = vector.bitcast %and3A_521 : vector<16xi32> to vector<16xf32>
          %mul3A_523 = arith.mulf %bitcast3A_514, %bitcast3A_518 : vector<16xf32>
          %add3A_524 = arith.addf %add3A_503, %mul3A_523 : vector<16xf32>
          %mul3A_525 = arith.mulf %bitcast3A_520, %bitcast3A_522 : vector<16xf32>
          %add3A_526 = arith.addf %add3A_505, %mul3A_525 : vector<16xf32>
          %add3A_527 = arith.constant 4 : i32
          %add3A_528 = vector.broadcast %add3A_527 : i32 to vector<16xi32>
          %add3A_529 = arith.addi %add3A_446, %add3A_528 : vector<16xi32>
          %gather3A_530 = tpu.vector_load_idx %arg11[%add3A_421, %add3A_529] : memref<80x64xi32, #tpu.memory_space<vmem>>[vector<16xi32>, vector<16xi32>], vector<16xi32>,
          %gather3A_531 = tpu.vector_load_idx %arg16[%add3A_421, %add3A_529] : memref<80x64xi32, #tpu.memory_space<vmem>>[vector<16xi32>, vector<16xi32>], vector<16xi32>,
          %shift_left3A_532 = arith.constant 16 : i32
          %shift_left3A_533 = vector.broadcast %shift_left3A_532 : i32 to vector<16xi32>
          %shift_left3A_534 = arith.shli %gather3A_530, %shift_left3A_533 : vector<16xi32>
          %bitcast3A_535 = vector.bitcast %shift_left3A_534 : vector<16xi32> to vector<16xf32>
          %shift_left3A_536 = arith.constant 16 : i32
          %shift_left3A_537 = vector.broadcast %shift_left3A_536 : i32 to vector<16xi32>
          %shift_left3A_538 = arith.shli %gather3A_531, %shift_left3A_537 : vector<16xi32>
          %bitcast3A_539 = vector.bitcast %shift_left3A_538 : vector<16xi32> to vector<16xf32>
          %and3A_540 = arith.andi %gather3A_530, %broadcast_in_dim3A_1 : vector<16xi32>
          %bitcast3A_541 = vector.bitcast %and3A_540 : vector<16xi32> to vector<16xf32>
          %and3A_542 = arith.andi %gather3A_531, %broadcast_in_dim3A_1 : vector<16xi32>
          %bitcast3A_543 = vector.bitcast %and3A_542 : vector<16xi32> to vector<16xf32>
          %mul3A_544 = arith.mulf %bitcast3A_535, %bitcast3A_539 : vector<16xf32>
          %add3A_545 = arith.addf %add3A_524, %mul3A_544 : vector<16xf32>
          %mul3A_546 = arith.mulf %bitcast3A_541, %bitcast3A_543 : vector<16xf32>
          %add3A_547 = arith.addf %add3A_526, %mul3A_546 : vector<16xf32>
          %add3A_548 = arith.constant 5 : i32
          %add3A_549 = vector.broadcast %add3A_548 : i32 to vector<16xi32>
          %add3A_550 = arith.addi %add3A_446, %add3A_549 : vector<16xi32>
          %gather3A_551 = tpu.vector_load_idx %arg11[%add3A_421, %add3A_550] : memref<80x64xi32, #tpu.memory_space<vmem>>[vector<16xi32>, vector<16xi32>], vector<16xi32>,
          %gather3A_552 = tpu.vector_load_idx %arg16[%add3A_421, %add3A_550] : memref<80x64xi32, #tpu.memory_space<vmem>>[vector<16xi32>, vector<16xi32>], vector<16xi32>,
          %shift_left3A_553 = arith.constant 16 : i32
          %shift_left3A_554 = vector.broadcast %shift_left3A_553 : i32 to vector<16xi32>
          %shift_left3A_555 = arith.shli %gather3A_551, %shift_left3A_554 : vector<16xi32>
          %bitcast3A_556 = vector.bitcast %shift_left3A_555 : vector<16xi32> to vector<16xf32>
          %shift_left3A_557 = arith.constant 16 : i32
          %shift_left3A_558 = vector.broadcast %shift_left3A_557 : i32 to vector<16xi32>
          %shift_left3A_559 = arith.shli %gather3A_552, %shift_left3A_558 : vector<16xi32>
          %bitcast3A_560 = vector.bitcast %shift_left3A_559 : vector<16xi32> to vector<16xf32>
          %and3A_561 = arith.andi %gather3A_551, %broadcast_in_dim3A_1 : vector<16xi32>
          %bitcast3A_562 = vector.bitcast %and3A_561 : vector<16xi32> to vector<16xf32>
          %and3A_563 = arith.andi %gather3A_552, %broadcast_in_dim3A_1 : vector<16xi32>
          %bitcast3A_564 = vector.bitcast %and3A_563 : vector<16xi32> to vector<16xf32>
          %mul3A_565 = arith.mulf %bitcast3A_556, %bitcast3A_560 : vector<16xf32>
          %add3A_566 = arith.addf %add3A_545, %mul3A_565 : vector<16xf32>
          %mul3A_567 = arith.mulf %bitcast3A_562, %bitcast3A_564 : vector<16xf32>
          %add3A_568 = arith.addf %add3A_547, %mul3A_567 : vector<16xf32>
          %add3A_569 = arith.constant 6 : i32
          %add3A_570 = vector.broadcast %add3A_569 : i32 to vector<16xi32>
          %add3A_571 = arith.addi %add3A_446, %add3A_570 : vector<16xi32>
          %gather3A_572 = tpu.vector_load_idx %arg11[%add3A_421, %add3A_571] : memref<80x64xi32, #tpu.memory_space<vmem>>[vector<16xi32>, vector<16xi32>], vector<16xi32>,
          %gather3A_573 = tpu.vector_load_idx %arg16[%add3A_421, %add3A_571] : memref<80x64xi32, #tpu.memory_space<vmem>>[vector<16xi32>, vector<16xi32>], vector<16xi32>,
          %shift_left3A_574 = arith.constant 16 : i32
          %shift_left3A_575 = vector.broadcast %shift_left3A_574 : i32 to vector<16xi32>
          %shift_left3A_576 = arith.shli %gather3A_572, %shift_left3A_575 : vector<16xi32>
          %bitcast3A_577 = vector.bitcast %shift_left3A_576 : vector<16xi32> to vector<16xf32>
          %shift_left3A_578 = arith.constant 16 : i32
          %shift_left3A_579 = vector.broadcast %shift_left3A_578 : i32 to vector<16xi32>
          %shift_left3A_580 = arith.shli %gather3A_573, %shift_left3A_579 : vector<16xi32>
          %bitcast3A_581 = vector.bitcast %shift_left3A_580 : vector<16xi32> to vector<16xf32>
          %and3A_582 = arith.andi %gather3A_572, %broadcast_in_dim3A_1 : vector<16xi32>
          %bitcast3A_583 = vector.bitcast %and3A_582 : vector<16xi32> to vector<16xf32>
          %and3A_584 = arith.andi %gather3A_573, %broadcast_in_dim3A_1 : vector<16xi32>
          %bitcast3A_585 = vector.bitcast %and3A_584 : vector<16xi32> to vector<16xf32>
          %mul3A_586 = arith.mulf %bitcast3A_577, %bitcast3A_581 : vector<16xf32>
          %add3A_587 = arith.addf %add3A_566, %mul3A_586 : vector<16xf32>
          %mul3A_588 = arith.mulf %bitcast3A_583, %bitcast3A_585 : vector<16xf32>
          %add3A_589 = arith.addf %add3A_568, %mul3A_588 : vector<16xf32>
          %add3A_590 = arith.constant 7 : i32
          %add3A_591 = vector.broadcast %add3A_590 : i32 to vector<16xi32>
          %add3A_592 = arith.addi %add3A_446, %add3A_591 : vector<16xi32>
          %gather3A_593 = tpu.vector_load_idx %arg11[%add3A_421, %add3A_592] : memref<80x64xi32, #tpu.memory_space<vmem>>[vector<16xi32>, vector<16xi32>], vector<16xi32>,
          %gather3A_594 = tpu.vector_load_idx %arg16[%add3A_421, %add3A_592] : memref<80x64xi32, #tpu.memory_space<vmem>>[vector<16xi32>, vector<16xi32>], vector<16xi32>,
          %shift_left3A_595 = arith.constant 16 : i32
          %shift_left3A_596 = vector.broadcast %shift_left3A_595 : i32 to vector<16xi32>
          %shift_left3A_597 = arith.shli %gather3A_593, %shift_left3A_596 : vector<16xi32>
          %bitcast3A_598 = vector.bitcast %shift_left3A_597 : vector<16xi32> to vector<16xf32>
          %shift_left3A_599 = arith.constant 16 : i32
          %shift_left3A_600 = vector.broadcast %shift_left3A_599 : i32 to vector<16xi32>
          %shift_left3A_601 = arith.shli %gather3A_594, %shift_left3A_600 : vector<16xi32>
          %bitcast3A_602 = vector.bitcast %shift_left3A_601 : vector<16xi32> to vector<16xf32>
          %and3A_603 = arith.andi %gather3A_593, %broadcast_in_dim3A_1 : vector<16xi32>
          %bitcast3A_604 = vector.bitcast %and3A_603 : vector<16xi32> to vector<16xf32>
          %and3A_605 = arith.andi %gather3A_594, %broadcast_in_dim3A_1 : vector<16xi32>
          %bitcast3A_606 = vector.bitcast %and3A_605 : vector<16xi32> to vector<16xf32>
          %mul3A_607 = arith.mulf %bitcast3A_598, %bitcast3A_602 : vector<16xf32>
          %add3A_608 = arith.addf %add3A_587, %mul3A_607 : vector<16xf32>
          %mul3A_609 = arith.mulf %bitcast3A_604, %bitcast3A_606 : vector<16xf32>
          %add3A_610 = arith.addf %add3A_589, %mul3A_609 : vector<16xf32>
          scf.yield %add3A_608, %add3A_610 : vector<16xf32>, vector<16xf32>
        }
        %scan3A_429 = arith.constant 8 : i32
        %add3A_430 = arith.addf %scan3A_428#0, %scan3A_428#1 : vector<16xf32>
        %mul3A_431 = arith.constant 80 : i32
        %mul3A_432 = arith.muli %add3A_268, %mul3A_431 : i32
        %mul3A_433 = arith.constant 16 : i32
        %mul3A_434 = arith.muli %scan3A_416, %mul3A_433 : i32
        %add3A_435 = arith.addi %mul3A_432, %mul3A_434 : i32
        %swap3A = arith.index_cast %add3A_435 : i32 to index
        %swap3A_436 = tpu.vector_load %arg19[%swap3A] {strides = array<i32>} : memref<10000xf32, #tpu.memory_space<vmem>>, vector<16xf32>,
        tpu.vector_store %arg19[%swap3A], %add3A_430 {strides = array<i32>} : memref<10000xf32, #tpu.memory_space<vmem>>, vector<16xf32>,
        %scan3A_437 = arith.constant 0 : i32
        scf.yield %scan3A_437 : i32
      }
      %scan3A_307 = arith.constant 5 : i32
      %add3A_308 = arith.constant 5 : i32
      %add3A_309 = arith.addi %add3A_268, %add3A_308 : i32
      %lt3A_310 = arith.constant 125 : i32
      %lt3A_311 = arith.cmpi slt, %add3A_309, %lt3A_310 : i32
      %convert_element_type3A_312 = arith.extui %lt3A_311 : i1 to i32
      %cond3A_313 = arith.constant 0 : i32
      %cond3A_314 = arith.cmpi ne, %convert_element_type3A_312, %cond3A_313 : i32
      scf.if %cond3A_314 {
        %add3A_416 = arith.constant 5 : i32
        %add3A_417 = arith.addi %add3A_268, %add3A_416 : i32
        %mul3A_418 = arith.constant 80 : i32
        %mul3A_419 = arith.muli %add3A_417, %mul3A_418 : i32
        %add3A_420 = arith.constant 0 : i32
        %add3A_421 = arith.addi %mul3A_419, %add3A_420 : i32
        %dma_start3A_422 = arith.constant 0 : i32
        %dma_start3A_423 = arith.constant 0 : i32
        %dma_start3A_424 = tpu.memref_slice %arg11[%dma_start3A_422, %dma_start3A_423] : memref<80x64xi32, #tpu.memory_space<vmem>> -> memref<40x64xi32, #tpu.memory_space<vmem>>
        %dma_start3A_425 = tpu.memref_slice %arg7[%add3A_421] : memref<10000xi32, #tpu.memory_space<vmem>> -> memref<40xi32, #tpu.memory_space<vmem>>
        %dma_start3A_426 = arith.constant 0 : i32
        %dma_start3A_427 = arith.constant 0 : i32
        %dma_start3A_428 = tpu.memref_slice %arg2[%dma_start3A_426, %dma_start3A_427] : memref<50000x64xi32, #tpu.memory_space<hbm>> -> memref<50000x64xi32, #tpu.memory_space<hbm>>
        tpu.enqueue_indirect_dma source(%dma_start3A_428 : memref<50000x64xi32, #tpu.memory_space<hbm>>) target(%dma_start3A_424 : memref<40x64xi32, #tpu.memory_space<vmem>>) offsets(%dma_start3A_425 : memref<40xi32, #tpu.memory_space<vmem>>) semaphore(%arg22 : memref<!tpu.dma_semaphore, #tpu.memory_space<semaphore_mem>>)
        %mul3A_429 = arith.constant 80 : i32
        %mul3A_430 = arith.muli %add3A_417, %mul3A_429 : i32
        %add3A_431 = arith.constant 0 : i32
        %add3A_432 = arith.addi %mul3A_430, %add3A_431 : i32
        %dma_start3A_433 = arith.constant 0 : i32
        %dma_start3A_434 = arith.constant 0 : i32
        %dma_start3A_435 = tpu.memref_slice %arg16[%dma_start3A_433, %dma_start3A_434] : memref<80x64xi32, #tpu.memory_space<vmem>> -> memref<40x64xi32, #tpu.memory_space<vmem>>
        %dma_start3A_436 = tpu.memref_slice %arg8[%add3A_432] : memref<10000xi32, #tpu.memory_space<vmem>> -> memref<40xi32, #tpu.memory_space<vmem>>
        %dma_start3A_437 = arith.constant 0 : i32
        %dma_start3A_438 = arith.constant 0 : i32
        %dma_start3A_439 = tpu.memref_slice %arg3[%dma_start3A_437, %dma_start3A_438] : memref<50000x64xi32, #tpu.memory_space<hbm>> -> memref<50000x64xi32, #tpu.memory_space<hbm>>
        tpu.enqueue_indirect_dma source(%dma_start3A_439 : memref<50000x64xi32, #tpu.memory_space<hbm>>) target(%dma_start3A_435 : memref<40x64xi32, #tpu.memory_space<vmem>>) offsets(%dma_start3A_436 : memref<40xi32, #tpu.memory_space<vmem>>) semaphore(%arg22 : memref<!tpu.dma_semaphore, #tpu.memory_space<semaphore_mem>>)
        %mul3A_440 = arith.constant 80 : i32
        %mul3A_441 = arith.muli %add3A_417, %mul3A_440 : i32
        %add3A_442 = arith.constant 40 : i32
        %add3A_443 = arith.addi %mul3A_441, %add3A_442 : i32
        %dma_start3A_444 = arith.constant 40 : i32
        %dma_start3A_445 = arith.constant 0 : i32
        %dma_start3A_446 = tpu.memref_slice %arg11[%dma_start3A_444, %dma_start3A_445] : memref<80x64xi32, #tpu.memory_space<vmem>> -> memref<40x64xi32, #tpu.memory_space<vmem>>
        %dma_start3A_447 = tpu.memref_slice %arg7[%add3A_443] : memref<10000xi32, #tpu.memory_space<vmem>> -> memref<40xi32, #tpu.memory_space<vmem>>
        %dma_start3A_448 = arith.constant 0 : i32
        %dma_start3A_449 = arith.constant 0 : i32
        %dma_start3A_450 = tpu.memref_slice %arg2[%dma_start3A_448, %dma_start3A_449] : memref<50000x64xi32, #tpu.memory_space<hbm>> -> memref<50000x64xi32, #tpu.memory_space<hbm>>
        tpu.enqueue_indirect_dma source(%dma_start3A_450 : memref<50000x64xi32, #tpu.memory_space<hbm>>) target(%dma_start3A_446 : memref<40x64xi32, #tpu.memory_space<vmem>>) offsets(%dma_start3A_447 : memref<40xi32, #tpu.memory_space<vmem>>) semaphore(%arg22 : memref<!tpu.dma_semaphore, #tpu.memory_space<semaphore_mem>>)
        %mul3A_451 = arith.constant 80 : i32
        %mul3A_452 = arith.muli %add3A_417, %mul3A_451 : i32
        %add3A_453 = arith.constant 40 : i32
        %add3A_454 = arith.addi %mul3A_452, %add3A_453 : i32
        %dma_start3A_455 = arith.constant 40 : i32
        %dma_start3A_456 = arith.constant 0 : i32
        %dma_start3A_457 = tpu.memref_slice %arg16[%dma_start3A_455, %dma_start3A_456] : memref<80x64xi32, #tpu.memory_space<vmem>> -> memref<40x64xi32, #tpu.memory_space<vmem>>
        %dma_start3A_458 = tpu.memref_slice %arg8[%add3A_454] : memref<10000xi32, #tpu.memory_space<vmem>> -> memref<40xi32, #tpu.memory_space<vmem>>
        %dma_start3A_459 = arith.constant 0 : i32
        %dma_start3A_460 = arith.constant 0 : i32
        %dma_start3A_461 = tpu.memref_slice %arg3[%dma_start3A_459, %dma_start3A_460] : memref<50000x64xi32, #tpu.memory_space<hbm>> -> memref<50000x64xi32, #tpu.memory_space<hbm>>
        tpu.enqueue_indirect_dma source(%dma_start3A_461 : memref<50000x64xi32, #tpu.memory_space<hbm>>) target(%dma_start3A_457 : memref<40x64xi32, #tpu.memory_space<vmem>>) offsets(%dma_start3A_458 : memref<40xi32, #tpu.memory_space<vmem>>) semaphore(%arg22 : memref<!tpu.dma_semaphore, #tpu.memory_space<semaphore_mem>>)
      } else {
      }
      %mul3A_315 = arith.constant 5 : i32
      %mul3A_316 = arith.muli %scan3A_167, %mul3A_315 : i32
      %add3A_317 = arith.constant 3 : i32
      %add3A_318 = arith.addi %mul3A_316, %add3A_317 : i32
      %dma_wait3A_319 = arith.constant 0 : i32
      %dma_wait3A_320 = arith.constant 0 : i32
      %dma_wait3A_321 = tpu.memref_slice %arg12[%dma_wait3A_319, %dma_wait3A_320] : memref<80x64xi32, #tpu.memory_space<vmem>> -> memref<40x64xi32, #tpu.memory_space<vmem>>
      %dma_wait3A_322 = arith.constant 0 : i32
      %dma_wait3A_323 = tpu.memref_slice %arg7[%dma_wait3A_322] : memref<10000xi32, #tpu.memory_space<vmem>> -> memref<40xi32, #tpu.memory_space<vmem>>
      %dma_wait3A_324 = arith.constant 0 : i32
      %dma_wait3A_325 = arith.constant 0 : i32
      %dma_wait3A_326 = tpu.memref_slice %arg2[%dma_wait3A_324, %dma_wait3A_325] : memref<50000x64xi32, #tpu.memory_space<hbm>> -> memref<50000x64xi32, #tpu.memory_space<hbm>>
      tpu.wait_indirect_dma semaphore(%arg23 : memref<!tpu.dma_semaphore, #tpu.memory_space<semaphore_mem>>) src(%dma_wait3A_326 : memref<50000x64xi32, #tpu.memory_space<hbm>>) dst(%dma_wait3A_321 : memref<40x64xi32, #tpu.memory_space<vmem>>)
      %dma_wait3A_327 = arith.constant 0 : i32
      %dma_wait3A_328 = arith.constant 0 : i32
      %dma_wait3A_329 = tpu.memref_slice %arg17[%dma_wait3A_327, %dma_wait3A_328] : memref<80x64xi32, #tpu.memory_space<vmem>> -> memref<40x64xi32, #tpu.memory_space<vmem>>
      %dma_wait3A_330 = arith.constant 0 : i32
      %dma_wait3A_331 = tpu.memref_slice %arg8[%dma_wait3A_330] : memref<10000xi32, #tpu.memory_space<vmem>> -> memref<40xi32, #tpu.memory_space<vmem>>
      %dma_wait3A_332 = arith.constant 0 : i32
      %dma_wait3A_333 = arith.constant 0 : i32
      %dma_wait3A_334 = tpu.memref_slice %arg3[%dma_wait3A_332, %dma_wait3A_333] : memref<50000x64xi32, #tpu.memory_space<hbm>> -> memref<50000x64xi32, #tpu.memory_space<hbm>>
      tpu.wait_indirect_dma semaphore(%arg23 : memref<!tpu.dma_semaphore, #tpu.memory_space<semaphore_mem>>) src(%dma_wait3A_334 : memref<50000x64xi32, #tpu.memory_space<hbm>>) dst(%dma_wait3A_329 : memref<40x64xi32, #tpu.memory_space<vmem>>)
      %dma_wait3A_335 = arith.constant 40 : i32
      %dma_wait3A_336 = arith.constant 0 : i32
      %dma_wait3A_337 = tpu.memref_slice %arg12[%dma_wait3A_335, %dma_wait3A_336] : memref<80x64xi32, #tpu.memory_space<vmem>> -> memref<40x64xi32, #tpu.memory_space<vmem>>
      %dma_wait3A_338 = arith.constant 0 : i32
      %dma_wait3A_339 = tpu.memref_slice %arg7[%dma_wait3A_338] : memref<10000xi32, #tpu.memory_space<vmem>> -> memref<40xi32, #tpu.memory_space<vmem>>
      %dma_wait3A_340 = arith.constant 0 : i32
      %dma_wait3A_341 = arith.constant 0 : i32
      %dma_wait3A_342 = tpu.memref_slice %arg2[%dma_wait3A_340, %dma_wait3A_341] : memref<50000x64xi32, #tpu.memory_space<hbm>> -> memref<50000x64xi32, #tpu.memory_space<hbm>>
      tpu.wait_indirect_dma semaphore(%arg23 : memref<!tpu.dma_semaphore, #tpu.memory_space<semaphore_mem>>) src(%dma_wait3A_342 : memref<50000x64xi32, #tpu.memory_space<hbm>>) dst(%dma_wait3A_337 : memref<40x64xi32, #tpu.memory_space<vmem>>)
      %dma_wait3A_343 = arith.constant 40 : i32
      %dma_wait3A_344 = arith.constant 0 : i32
      %dma_wait3A_345 = tpu.memref_slice %arg17[%dma_wait3A_343, %dma_wait3A_344] : memref<80x64xi32, #tpu.memory_space<vmem>> -> memref<40x64xi32, #tpu.memory_space<vmem>>
      %dma_wait3A_346 = arith.constant 0 : i32
      %dma_wait3A_347 = tpu.memref_slice %arg8[%dma_wait3A_346] : memref<10000xi32, #tpu.memory_space<vmem>> -> memref<40xi32, #tpu.memory_space<vmem>>
      %dma_wait3A_348 = arith.constant 0 : i32
      %dma_wait3A_349 = arith.constant 0 : i32
      %dma_wait3A_350 = tpu.memref_slice %arg3[%dma_wait3A_348, %dma_wait3A_349] : memref<50000x64xi32, #tpu.memory_space<hbm>> -> memref<50000x64xi32, #tpu.memory_space<hbm>>
      tpu.wait_indirect_dma semaphore(%arg23 : memref<!tpu.dma_semaphore, #tpu.memory_space<semaphore_mem>>) src(%dma_wait3A_350 : memref<50000x64xi32, #tpu.memory_space<hbm>>) dst(%dma_wait3A_345 : memref<40x64xi32, #tpu.memory_space<vmem>>)
      %scan3A_351 = arith.constant 0 : i32
      %scan3A_352 = arith.constant 0 : i32
      %scan3A_353 = arith.constant 5 : i32
      %scan3A_354 = arith.addi %scan3A_352, %scan3A_353 : i32
      %scan3A_355 = arith.constant 1 : i32
      %scan3A_356 = scf.for %scan3A_416 = %scan3A_352 to %scan3A_354 step %scan3A_355 iter_args(%scan3A_417 = %scan3A_351) -> (i32)  : i32 {
        %mul3A_418 = arith.constant 16 : i32
        %mul3A_419 = arith.muli %scan3A_416, %mul3A_418 : i32
        %add3A_420 = vector.broadcast %mul3A_419 : i32 to vector<16xi32>
        %add3A_421 = arith.addi %add3A_420, %iota3A : vector<16xi32>
        %broadcast_in_dim3A_422 = arith.constant 0.000000e+00 : f32
        %broadcast_in_dim3A_423 = vector.broadcast %broadcast_in_dim3A_422 : f32 to vector<16xf32>
        %scan3A_424 = arith.constant 0 : i32
        %scan3A_425 = arith.constant 8 : i32
        %scan3A_426 = arith.addi %scan3A_424, %scan3A_425 : i32
        %scan3A_427 = arith.constant 1 : i32
        %scan3A_428:2 = scf.for %scan3A_438 = %scan3A_424 to %scan3A_426 step %scan3A_427 iter_args(%scan3A_439 = %broadcast_in_dim3A_423, %scan3A_440 = %broadcast_in_dim3A_423) -> (vector<16xf32>, vector<16xf32>)  : i32 {
          %broadcast_in_dim3A_441 = arith.constant 0 : i32
          %broadcast_in_dim3A_442 = vector.broadcast %broadcast_in_dim3A_441 : i32 to vector<16xi32>
          %mul3A_443 = arith.constant 8 : i32
          %mul3A_444 = arith.muli %scan3A_438, %mul3A_443 : i32
          %add3A_445 = vector.broadcast %mul3A_444 : i32 to vector<16xi32>
          %add3A_446 = arith.addi %broadcast_in_dim3A_442, %add3A_445 : vector<16xi32>
          %add3A_447 = arith.constant 0 : i32
          %add3A_448 = vector.broadcast %add3A_447 : i32 to vector<16xi32>
          %add3A_449 = arith.addi %add3A_446, %add3A_448 : vector<16xi32>
          %gather3A = tpu.vector_load_idx %arg12[%add3A_421, %add3A_449] : memref<80x64xi32, #tpu.memory_space<vmem>>[vector<16xi32>, vector<16xi32>], vector<16xi32>,
          %gather3A_450 = tpu.vector_load_idx %arg17[%add3A_421, %add3A_449] : memref<80x64xi32, #tpu.memory_space<vmem>>[vector<16xi32>, vector<16xi32>], vector<16xi32>,
          %shift_left3A = arith.constant 16 : i32
          %shift_left3A_451 = vector.broadcast %shift_left3A : i32 to vector<16xi32>
          %shift_left3A_452 = arith.shli %gather3A, %shift_left3A_451 : vector<16xi32>
          %bitcast3A = vector.bitcast %shift_left3A_452 : vector<16xi32> to vector<16xf32>
          %shift_left3A_453 = arith.constant 16 : i32
          %shift_left3A_454 = vector.broadcast %shift_left3A_453 : i32 to vector<16xi32>
          %shift_left3A_455 = arith.shli %gather3A_450, %shift_left3A_454 : vector<16xi32>
          %bitcast3A_456 = vector.bitcast %shift_left3A_455 : vector<16xi32> to vector<16xf32>
          %and3A = arith.andi %gather3A, %broadcast_in_dim3A_1 : vector<16xi32>
          %bitcast3A_457 = vector.bitcast %and3A : vector<16xi32> to vector<16xf32>
          %and3A_458 = arith.andi %gather3A_450, %broadcast_in_dim3A_1 : vector<16xi32>
          %bitcast3A_459 = vector.bitcast %and3A_458 : vector<16xi32> to vector<16xf32>
          %mul3A_460 = arith.mulf %bitcast3A, %bitcast3A_456 : vector<16xf32>
          %add3A_461 = arith.addf %scan3A_439, %mul3A_460 : vector<16xf32>
          %mul3A_462 = arith.mulf %bitcast3A_457, %bitcast3A_459 : vector<16xf32>
          %add3A_463 = arith.addf %scan3A_440, %mul3A_462 : vector<16xf32>
          %add3A_464 = arith.constant 1 : i32
          %add3A_465 = vector.broadcast %add3A_464 : i32 to vector<16xi32>
          %add3A_466 = arith.addi %add3A_446, %add3A_465 : vector<16xi32>
          %gather3A_467 = tpu.vector_load_idx %arg12[%add3A_421, %add3A_466] : memref<80x64xi32, #tpu.memory_space<vmem>>[vector<16xi32>, vector<16xi32>], vector<16xi32>,
          %gather3A_468 = tpu.vector_load_idx %arg17[%add3A_421, %add3A_466] : memref<80x64xi32, #tpu.memory_space<vmem>>[vector<16xi32>, vector<16xi32>], vector<16xi32>,
          %shift_left3A_469 = arith.constant 16 : i32
          %shift_left3A_470 = vector.broadcast %shift_left3A_469 : i32 to vector<16xi32>
          %shift_left3A_471 = arith.shli %gather3A_467, %shift_left3A_470 : vector<16xi32>
          %bitcast3A_472 = vector.bitcast %shift_left3A_471 : vector<16xi32> to vector<16xf32>
          %shift_left3A_473 = arith.constant 16 : i32
          %shift_left3A_474 = vector.broadcast %shift_left3A_473 : i32 to vector<16xi32>
          %shift_left3A_475 = arith.shli %gather3A_468, %shift_left3A_474 : vector<16xi32>
          %bitcast3A_476 = vector.bitcast %shift_left3A_475 : vector<16xi32> to vector<16xf32>
          %and3A_477 = arith.andi %gather3A_467, %broadcast_in_dim3A_1 : vector<16xi32>
          %bitcast3A_478 = vector.bitcast %and3A_477 : vector<16xi32> to vector<16xf32>
          %and3A_479 = arith.andi %gather3A_468, %broadcast_in_dim3A_1 : vector<16xi32>
          %bitcast3A_480 = vector.bitcast %and3A_479 : vector<16xi32> to vector<16xf32>
          %mul3A_481 = arith.mulf %bitcast3A_472, %bitcast3A_476 : vector<16xf32>
          %add3A_482 = arith.addf %add3A_461, %mul3A_481 : vector<16xf32>
          %mul3A_483 = arith.mulf %bitcast3A_478, %bitcast3A_480 : vector<16xf32>
          %add3A_484 = arith.addf %add3A_463, %mul3A_483 : vector<16xf32>
          %add3A_485 = arith.constant 2 : i32
          %add3A_486 = vector.broadcast %add3A_485 : i32 to vector<16xi32>
          %add3A_487 = arith.addi %add3A_446, %add3A_486 : vector<16xi32>
          %gather3A_488 = tpu.vector_load_idx %arg12[%add3A_421, %add3A_487] : memref<80x64xi32, #tpu.memory_space<vmem>>[vector<16xi32>, vector<16xi32>], vector<16xi32>,
          %gather3A_489 = tpu.vector_load_idx %arg17[%add3A_421, %add3A_487] : memref<80x64xi32, #tpu.memory_space<vmem>>[vector<16xi32>, vector<16xi32>], vector<16xi32>,
          %shift_left3A_490 = arith.constant 16 : i32
          %shift_left3A_491 = vector.broadcast %shift_left3A_490 : i32 to vector<16xi32>
          %shift_left3A_492 = arith.shli %gather3A_488, %shift_left3A_491 : vector<16xi32>
          %bitcast3A_493 = vector.bitcast %shift_left3A_492 : vector<16xi32> to vector<16xf32>
          %shift_left3A_494 = arith.constant 16 : i32
          %shift_left3A_495 = vector.broadcast %shift_left3A_494 : i32 to vector<16xi32>
          %shift_left3A_496 = arith.shli %gather3A_489, %shift_left3A_495 : vector<16xi32>
          %bitcast3A_497 = vector.bitcast %shift_left3A_496 : vector<16xi32> to vector<16xf32>
          %and3A_498 = arith.andi %gather3A_488, %broadcast_in_dim3A_1 : vector<16xi32>
          %bitcast3A_499 = vector.bitcast %and3A_498 : vector<16xi32> to vector<16xf32>
          %and3A_500 = arith.andi %gather3A_489, %broadcast_in_dim3A_1 : vector<16xi32>
          %bitcast3A_501 = vector.bitcast %and3A_500 : vector<16xi32> to vector<16xf32>
          %mul3A_502 = arith.mulf %bitcast3A_493, %bitcast3A_497 : vector<16xf32>
          %add3A_503 = arith.addf %add3A_482, %mul3A_502 : vector<16xf32>
          %mul3A_504 = arith.mulf %bitcast3A_499, %bitcast3A_501 : vector<16xf32>
          %add3A_505 = arith.addf %add3A_484, %mul3A_504 : vector<16xf32>
          %add3A_506 = arith.constant 3 : i32
          %add3A_507 = vector.broadcast %add3A_506 : i32 to vector<16xi32>
          %add3A_508 = arith.addi %add3A_446, %add3A_507 : vector<16xi32>
          %gather3A_509 = tpu.vector_load_idx %arg12[%add3A_421, %add3A_508] : memref<80x64xi32, #tpu.memory_space<vmem>>[vector<16xi32>, vector<16xi32>], vector<16xi32>,
          %gather3A_510 = tpu.vector_load_idx %arg17[%add3A_421, %add3A_508] : memref<80x64xi32, #tpu.memory_space<vmem>>[vector<16xi32>, vector<16xi32>], vector<16xi32>,
          %shift_left3A_511 = arith.constant 16 : i32
          %shift_left3A_512 = vector.broadcast %shift_left3A_511 : i32 to vector<16xi32>
          %shift_left3A_513 = arith.shli %gather3A_509, %shift_left3A_512 : vector<16xi32>
          %bitcast3A_514 = vector.bitcast %shift_left3A_513 : vector<16xi32> to vector<16xf32>
          %shift_left3A_515 = arith.constant 16 : i32
          %shift_left3A_516 = vector.broadcast %shift_left3A_515 : i32 to vector<16xi32>
          %shift_left3A_517 = arith.shli %gather3A_510, %shift_left3A_516 : vector<16xi32>
          %bitcast3A_518 = vector.bitcast %shift_left3A_517 : vector<16xi32> to vector<16xf32>
          %and3A_519 = arith.andi %gather3A_509, %broadcast_in_dim3A_1 : vector<16xi32>
          %bitcast3A_520 = vector.bitcast %and3A_519 : vector<16xi32> to vector<16xf32>
          %and3A_521 = arith.andi %gather3A_510, %broadcast_in_dim3A_1 : vector<16xi32>
          %bitcast3A_522 = vector.bitcast %and3A_521 : vector<16xi32> to vector<16xf32>
          %mul3A_523 = arith.mulf %bitcast3A_514, %bitcast3A_518 : vector<16xf32>
          %add3A_524 = arith.addf %add3A_503, %mul3A_523 : vector<16xf32>
          %mul3A_525 = arith.mulf %bitcast3A_520, %bitcast3A_522 : vector<16xf32>
          %add3A_526 = arith.addf %add3A_505, %mul3A_525 : vector<16xf32>
          %add3A_527 = arith.constant 4 : i32
          %add3A_528 = vector.broadcast %add3A_527 : i32 to vector<16xi32>
          %add3A_529 = arith.addi %add3A_446, %add3A_528 : vector<16xi32>
          %gather3A_530 = tpu.vector_load_idx %arg12[%add3A_421, %add3A_529] : memref<80x64xi32, #tpu.memory_space<vmem>>[vector<16xi32>, vector<16xi32>], vector<16xi32>,
          %gather3A_531 = tpu.vector_load_idx %arg17[%add3A_421, %add3A_529] : memref<80x64xi32, #tpu.memory_space<vmem>>[vector<16xi32>, vector<16xi32>], vector<16xi32>,
          %shift_left3A_532 = arith.constant 16 : i32
          %shift_left3A_533 = vector.broadcast %shift_left3A_532 : i32 to vector<16xi32>
          %shift_left3A_534 = arith.shli %gather3A_530, %shift_left3A_533 : vector<16xi32>
          %bitcast3A_535 = vector.bitcast %shift_left3A_534 : vector<16xi32> to vector<16xf32>
          %shift_left3A_536 = arith.constant 16 : i32
          %shift_left3A_537 = vector.broadcast %shift_left3A_536 : i32 to vector<16xi32>
          %shift_left3A_538 = arith.shli %gather3A_531, %shift_left3A_537 : vector<16xi32>
          %bitcast3A_539 = vector.bitcast %shift_left3A_538 : vector<16xi32> to vector<16xf32>
          %and3A_540 = arith.andi %gather3A_530, %broadcast_in_dim3A_1 : vector<16xi32>
          %bitcast3A_541 = vector.bitcast %and3A_540 : vector<16xi32> to vector<16xf32>
          %and3A_542 = arith.andi %gather3A_531, %broadcast_in_dim3A_1 : vector<16xi32>
          %bitcast3A_543 = vector.bitcast %and3A_542 : vector<16xi32> to vector<16xf32>
          %mul3A_544 = arith.mulf %bitcast3A_535, %bitcast3A_539 : vector<16xf32>
          %add3A_545 = arith.addf %add3A_524, %mul3A_544 : vector<16xf32>
          %mul3A_546 = arith.mulf %bitcast3A_541, %bitcast3A_543 : vector<16xf32>
          %add3A_547 = arith.addf %add3A_526, %mul3A_546 : vector<16xf32>
          %add3A_548 = arith.constant 5 : i32
          %add3A_549 = vector.broadcast %add3A_548 : i32 to vector<16xi32>
          %add3A_550 = arith.addi %add3A_446, %add3A_549 : vector<16xi32>
          %gather3A_551 = tpu.vector_load_idx %arg12[%add3A_421, %add3A_550] : memref<80x64xi32, #tpu.memory_space<vmem>>[vector<16xi32>, vector<16xi32>], vector<16xi32>,
          %gather3A_552 = tpu.vector_load_idx %arg17[%add3A_421, %add3A_550] : memref<80x64xi32, #tpu.memory_space<vmem>>[vector<16xi32>, vector<16xi32>], vector<16xi32>,
          %shift_left3A_553 = arith.constant 16 : i32
          %shift_left3A_554 = vector.broadcast %shift_left3A_553 : i32 to vector<16xi32>
          %shift_left3A_555 = arith.shli %gather3A_551, %shift_left3A_554 : vector<16xi32>
          %bitcast3A_556 = vector.bitcast %shift_left3A_555 : vector<16xi32> to vector<16xf32>
          %shift_left3A_557 = arith.constant 16 : i32
          %shift_left3A_558 = vector.broadcast %shift_left3A_557 : i32 to vector<16xi32>
          %shift_left3A_559 = arith.shli %gather3A_552, %shift_left3A_558 : vector<16xi32>
          %bitcast3A_560 = vector.bitcast %shift_left3A_559 : vector<16xi32> to vector<16xf32>
          %and3A_561 = arith.andi %gather3A_551, %broadcast_in_dim3A_1 : vector<16xi32>
          %bitcast3A_562 = vector.bitcast %and3A_561 : vector<16xi32> to vector<16xf32>
          %and3A_563 = arith.andi %gather3A_552, %broadcast_in_dim3A_1 : vector<16xi32>
          %bitcast3A_564 = vector.bitcast %and3A_563 : vector<16xi32> to vector<16xf32>
          %mul3A_565 = arith.mulf %bitcast3A_556, %bitcast3A_560 : vector<16xf32>
          %add3A_566 = arith.addf %add3A_545, %mul3A_565 : vector<16xf32>
          %mul3A_567 = arith.mulf %bitcast3A_562, %bitcast3A_564 : vector<16xf32>
          %add3A_568 = arith.addf %add3A_547, %mul3A_567 : vector<16xf32>
          %add3A_569 = arith.constant 6 : i32
          %add3A_570 = vector.broadcast %add3A_569 : i32 to vector<16xi32>
          %add3A_571 = arith.addi %add3A_446, %add3A_570 : vector<16xi32>
          %gather3A_572 = tpu.vector_load_idx %arg12[%add3A_421, %add3A_571] : memref<80x64xi32, #tpu.memory_space<vmem>>[vector<16xi32>, vector<16xi32>], vector<16xi32>,
          %gather3A_573 = tpu.vector_load_idx %arg17[%add3A_421, %add3A_571] : memref<80x64xi32, #tpu.memory_space<vmem>>[vector<16xi32>, vector<16xi32>], vector<16xi32>,
          %shift_left3A_574 = arith.constant 16 : i32
          %shift_left3A_575 = vector.broadcast %shift_left3A_574 : i32 to vector<16xi32>
          %shift_left3A_576 = arith.shli %gather3A_572, %shift_left3A_575 : vector<16xi32>
          %bitcast3A_577 = vector.bitcast %shift_left3A_576 : vector<16xi32> to vector<16xf32>
          %shift_left3A_578 = arith.constant 16 : i32
          %shift_left3A_579 = vector.broadcast %shift_left3A_578 : i32 to vector<16xi32>
          %shift_left3A_580 = arith.shli %gather3A_573, %shift_left3A_579 : vector<16xi32>
          %bitcast3A_581 = vector.bitcast %shift_left3A_580 : vector<16xi32> to vector<16xf32>
          %and3A_582 = arith.andi %gather3A_572, %broadcast_in_dim3A_1 : vector<16xi32>
          %bitcast3A_583 = vector.bitcast %and3A_582 : vector<16xi32> to vector<16xf32>
          %and3A_584 = arith.andi %gather3A_573, %broadcast_in_dim3A_1 : vector<16xi32>
          %bitcast3A_585 = vector.bitcast %and3A_584 : vector<16xi32> to vector<16xf32>
          %mul3A_586 = arith.mulf %bitcast3A_577, %bitcast3A_581 : vector<16xf32>
          %add3A_587 = arith.addf %add3A_566, %mul3A_586 : vector<16xf32>
          %mul3A_588 = arith.mulf %bitcast3A_583, %bitcast3A_585 : vector<16xf32>
          %add3A_589 = arith.addf %add3A_568, %mul3A_588 : vector<16xf32>
          %add3A_590 = arith.constant 7 : i32
          %add3A_591 = vector.broadcast %add3A_590 : i32 to vector<16xi32>
          %add3A_592 = arith.addi %add3A_446, %add3A_591 : vector<16xi32>
          %gather3A_593 = tpu.vector_load_idx %arg12[%add3A_421, %add3A_592] : memref<80x64xi32, #tpu.memory_space<vmem>>[vector<16xi32>, vector<16xi32>], vector<16xi32>,
          %gather3A_594 = tpu.vector_load_idx %arg17[%add3A_421, %add3A_592] : memref<80x64xi32, #tpu.memory_space<vmem>>[vector<16xi32>, vector<16xi32>], vector<16xi32>,
          %shift_left3A_595 = arith.constant 16 : i32
          %shift_left3A_596 = vector.broadcast %shift_left3A_595 : i32 to vector<16xi32>
          %shift_left3A_597 = arith.shli %gather3A_593, %shift_left3A_596 : vector<16xi32>
          %bitcast3A_598 = vector.bitcast %shift_left3A_597 : vector<16xi32> to vector<16xf32>
          %shift_left3A_599 = arith.constant 16 : i32
          %shift_left3A_600 = vector.broadcast %shift_left3A_599 : i32 to vector<16xi32>
          %shift_left3A_601 = arith.shli %gather3A_594, %shift_left3A_600 : vector<16xi32>
          %bitcast3A_602 = vector.bitcast %shift_left3A_601 : vector<16xi32> to vector<16xf32>
          %and3A_603 = arith.andi %gather3A_593, %broadcast_in_dim3A_1 : vector<16xi32>
          %bitcast3A_604 = vector.bitcast %and3A_603 : vector<16xi32> to vector<16xf32>
          %and3A_605 = arith.andi %gather3A_594, %broadcast_in_dim3A_1 : vector<16xi32>
          %bitcast3A_606 = vector.bitcast %and3A_605 : vector<16xi32> to vector<16xf32>
          %mul3A_607 = arith.mulf %bitcast3A_598, %bitcast3A_602 : vector<16xf32>
          %add3A_608 = arith.addf %add3A_587, %mul3A_607 : vector<16xf32>
          %mul3A_609 = arith.mulf %bitcast3A_604, %bitcast3A_606 : vector<16xf32>
          %add3A_610 = arith.addf %add3A_589, %mul3A_609 : vector<16xf32>
          scf.yield %add3A_608, %add3A_610 : vector<16xf32>, vector<16xf32>
        }
        %scan3A_429 = arith.constant 8 : i32
        %add3A_430 = arith.addf %scan3A_428#0, %scan3A_428#1 : vector<16xf32>
        %mul3A_431 = arith.constant 80 : i32
        %mul3A_432 = arith.muli %add3A_318, %mul3A_431 : i32
        %mul3A_433 = arith.constant 16 : i32
        %mul3A_434 = arith.muli %scan3A_416, %mul3A_433 : i32
        %add3A_435 = arith.addi %mul3A_432, %mul3A_434 : i32
        %swap3A = arith.index_cast %add3A_435 : i32 to index
        %swap3A_436 = tpu.vector_load %arg19[%swap3A] {strides = array<i32>} : memref<10000xf32, #tpu.memory_space<vmem>>, vector<16xf32>,
        tpu.vector_store %arg19[%swap3A], %add3A_430 {strides = array<i32>} : memref<10000xf32, #tpu.memory_space<vmem>>, vector<16xf32>,
        %scan3A_437 = arith.constant 0 : i32
        scf.yield %scan3A_437 : i32
      }
      %scan3A_357 = arith.constant 5 : i32
      %add3A_358 = arith.constant 5 : i32
      %add3A_359 = arith.addi %add3A_318, %add3A_358 : i32
      %lt3A_360 = arith.constant 125 : i32
      %lt3A_361 = arith.cmpi slt, %add3A_359, %lt3A_360 : i32
      %convert_element_type3A_362 = arith.extui %lt3A_361 : i1 to i32
      %cond3A_363 = arith.constant 0 : i32
      %cond3A_364 = arith.cmpi ne, %convert_element_type3A_362, %cond3A_363 : i32
      scf.if %cond3A_364 {
        %add3A_416 = arith.constant 5 : i32
        %add3A_417 = arith.addi %add3A_318, %add3A_416 : i32
        %mul3A_418 = arith.constant 80 : i32
        %mul3A_419 = arith.muli %add3A_417, %mul3A_418 : i32
        %add3A_420 = arith.constant 0 : i32
        %add3A_421 = arith.addi %mul3A_419, %add3A_420 : i32
        %dma_start3A_422 = arith.constant 0 : i32
        %dma_start3A_423 = arith.constant 0 : i32
        %dma_start3A_424 = tpu.memref_slice %arg12[%dma_start3A_422, %dma_start3A_423] : memref<80x64xi32, #tpu.memory_space<vmem>> -> memref<40x64xi32, #tpu.memory_space<vmem>>
        %dma_start3A_425 = tpu.memref_slice %arg7[%add3A_421] : memref<10000xi32, #tpu.memory_space<vmem>> -> memref<40xi32, #tpu.memory_space<vmem>>
        %dma_start3A_426 = arith.constant 0 : i32
        %dma_start3A_427 = arith.constant 0 : i32
        %dma_start3A_428 = tpu.memref_slice %arg2[%dma_start3A_426, %dma_start3A_427] : memref<50000x64xi32, #tpu.memory_space<hbm>> -> memref<50000x64xi32, #tpu.memory_space<hbm>>
        tpu.enqueue_indirect_dma source(%dma_start3A_428 : memref<50000x64xi32, #tpu.memory_space<hbm>>) target(%dma_start3A_424 : memref<40x64xi32, #tpu.memory_space<vmem>>) offsets(%dma_start3A_425 : memref<40xi32, #tpu.memory_space<vmem>>) semaphore(%arg23 : memref<!tpu.dma_semaphore, #tpu.memory_space<semaphore_mem>>)
        %mul3A_429 = arith.constant 80 : i32
        %mul3A_430 = arith.muli %add3A_417, %mul3A_429 : i32
        %add3A_431 = arith.constant 0 : i32
        %add3A_432 = arith.addi %mul3A_430, %add3A_431 : i32
        %dma_start3A_433 = arith.constant 0 : i32
        %dma_start3A_434 = arith.constant 0 : i32
        %dma_start3A_435 = tpu.memref_slice %arg17[%dma_start3A_433, %dma_start3A_434] : memref<80x64xi32, #tpu.memory_space<vmem>> -> memref<40x64xi32, #tpu.memory_space<vmem>>
        %dma_start3A_436 = tpu.memref_slice %arg8[%add3A_432] : memref<10000xi32, #tpu.memory_space<vmem>> -> memref<40xi32, #tpu.memory_space<vmem>>
        %dma_start3A_437 = arith.constant 0 : i32
        %dma_start3A_438 = arith.constant 0 : i32
        %dma_start3A_439 = tpu.memref_slice %arg3[%dma_start3A_437, %dma_start3A_438] : memref<50000x64xi32, #tpu.memory_space<hbm>> -> memref<50000x64xi32, #tpu.memory_space<hbm>>
        tpu.enqueue_indirect_dma source(%dma_start3A_439 : memref<50000x64xi32, #tpu.memory_space<hbm>>) target(%dma_start3A_435 : memref<40x64xi32, #tpu.memory_space<vmem>>) offsets(%dma_start3A_436 : memref<40xi32, #tpu.memory_space<vmem>>) semaphore(%arg23 : memref<!tpu.dma_semaphore, #tpu.memory_space<semaphore_mem>>)
        %mul3A_440 = arith.constant 80 : i32
        %mul3A_441 = arith.muli %add3A_417, %mul3A_440 : i32
        %add3A_442 = arith.constant 40 : i32
        %add3A_443 = arith.addi %mul3A_441, %add3A_442 : i32
        %dma_start3A_444 = arith.constant 40 : i32
        %dma_start3A_445 = arith.constant 0 : i32
        %dma_start3A_446 = tpu.memref_slice %arg12[%dma_start3A_444, %dma_start3A_445] : memref<80x64xi32, #tpu.memory_space<vmem>> -> memref<40x64xi32, #tpu.memory_space<vmem>>
        %dma_start3A_447 = tpu.memref_slice %arg7[%add3A_443] : memref<10000xi32, #tpu.memory_space<vmem>> -> memref<40xi32, #tpu.memory_space<vmem>>
        %dma_start3A_448 = arith.constant 0 : i32
        %dma_start3A_449 = arith.constant 0 : i32
        %dma_start3A_450 = tpu.memref_slice %arg2[%dma_start3A_448, %dma_start3A_449] : memref<50000x64xi32, #tpu.memory_space<hbm>> -> memref<50000x64xi32, #tpu.memory_space<hbm>>
        tpu.enqueue_indirect_dma source(%dma_start3A_450 : memref<50000x64xi32, #tpu.memory_space<hbm>>) target(%dma_start3A_446 : memref<40x64xi32, #tpu.memory_space<vmem>>) offsets(%dma_start3A_447 : memref<40xi32, #tpu.memory_space<vmem>>) semaphore(%arg23 : memref<!tpu.dma_semaphore, #tpu.memory_space<semaphore_mem>>)
        %mul3A_451 = arith.constant 80 : i32
        %mul3A_452 = arith.muli %add3A_417, %mul3A_451 : i32
        %add3A_453 = arith.constant 40 : i32
        %add3A_454 = arith.addi %mul3A_452, %add3A_453 : i32
        %dma_start3A_455 = arith.constant 40 : i32
        %dma_start3A_456 = arith.constant 0 : i32
        %dma_start3A_457 = tpu.memref_slice %arg17[%dma_start3A_455, %dma_start3A_456] : memref<80x64xi32, #tpu.memory_space<vmem>> -> memref<40x64xi32, #tpu.memory_space<vmem>>
        %dma_start3A_458 = tpu.memref_slice %arg8[%add3A_454] : memref<10000xi32, #tpu.memory_space<vmem>> -> memref<40xi32, #tpu.memory_space<vmem>>
        %dma_start3A_459 = arith.constant 0 : i32
        %dma_start3A_460 = arith.constant 0 : i32
        %dma_start3A_461 = tpu.memref_slice %arg3[%dma_start3A_459, %dma_start3A_460] : memref<50000x64xi32, #tpu.memory_space<hbm>> -> memref<50000x64xi32, #tpu.memory_space<hbm>>
        tpu.enqueue_indirect_dma source(%dma_start3A_461 : memref<50000x64xi32, #tpu.memory_space<hbm>>) target(%dma_start3A_457 : memref<40x64xi32, #tpu.memory_space<vmem>>) offsets(%dma_start3A_458 : memref<40xi32, #tpu.memory_space<vmem>>) semaphore(%arg23 : memref<!tpu.dma_semaphore, #tpu.memory_space<semaphore_mem>>)
      } else {
      }
      %mul3A_365 = arith.constant 5 : i32
      %mul3A_366 = arith.muli %scan3A_167, %mul3A_365 : i32
      %add3A_367 = arith.constant 4 : i32
      %add3A_368 = arith.addi %mul3A_366, %add3A_367 : i32
      %dma_wait3A_369 = arith.constant 0 : i32
      %dma_wait3A_370 = arith.constant 0 : i32
      %dma_wait3A_371 = tpu.memref_slice %arg13[%dma_wait3A_369, %dma_wait3A_370] : memref<80x64xi32, #tpu.memory_space<vmem>> -> memref<40x64xi32, #tpu.memory_space<vmem>>
      %dma_wait3A_372 = arith.constant 0 : i32
      %dma_wait3A_373 = tpu.memref_slice %arg7[%dma_wait3A_372] : memref<10000xi32, #tpu.memory_space<vmem>> -> memref<40xi32, #tpu.memory_space<vmem>>
      %dma_wait3A_374 = arith.constant 0 : i32
      %dma_wait3A_375 = arith.constant 0 : i32
      %dma_wait3A_376 = tpu.memref_slice %arg2[%dma_wait3A_374, %dma_wait3A_375] : memref<50000x64xi32, #tpu.memory_space<hbm>> -> memref<50000x64xi32, #tpu.memory_space<hbm>>
      tpu.wait_indirect_dma semaphore(%arg24 : memref<!tpu.dma_semaphore, #tpu.memory_space<semaphore_mem>>) src(%dma_wait3A_376 : memref<50000x64xi32, #tpu.memory_space<hbm>>) dst(%dma_wait3A_371 : memref<40x64xi32, #tpu.memory_space<vmem>>)
      %dma_wait3A_377 = arith.constant 0 : i32
      %dma_wait3A_378 = arith.constant 0 : i32
      %dma_wait3A_379 = tpu.memref_slice %arg18[%dma_wait3A_377, %dma_wait3A_378] : memref<80x64xi32, #tpu.memory_space<vmem>> -> memref<40x64xi32, #tpu.memory_space<vmem>>
      %dma_wait3A_380 = arith.constant 0 : i32
      %dma_wait3A_381 = tpu.memref_slice %arg8[%dma_wait3A_380] : memref<10000xi32, #tpu.memory_space<vmem>> -> memref<40xi32, #tpu.memory_space<vmem>>
      %dma_wait3A_382 = arith.constant 0 : i32
      %dma_wait3A_383 = arith.constant 0 : i32
      %dma_wait3A_384 = tpu.memref_slice %arg3[%dma_wait3A_382, %dma_wait3A_383] : memref<50000x64xi32, #tpu.memory_space<hbm>> -> memref<50000x64xi32, #tpu.memory_space<hbm>>
      tpu.wait_indirect_dma semaphore(%arg24 : memref<!tpu.dma_semaphore, #tpu.memory_space<semaphore_mem>>) src(%dma_wait3A_384 : memref<50000x64xi32, #tpu.memory_space<hbm>>) dst(%dma_wait3A_379 : memref<40x64xi32, #tpu.memory_space<vmem>>)
      %dma_wait3A_385 = arith.constant 40 : i32
      %dma_wait3A_386 = arith.constant 0 : i32
      %dma_wait3A_387 = tpu.memref_slice %arg13[%dma_wait3A_385, %dma_wait3A_386] : memref<80x64xi32, #tpu.memory_space<vmem>> -> memref<40x64xi32, #tpu.memory_space<vmem>>
      %dma_wait3A_388 = arith.constant 0 : i32
      %dma_wait3A_389 = tpu.memref_slice %arg7[%dma_wait3A_388] : memref<10000xi32, #tpu.memory_space<vmem>> -> memref<40xi32, #tpu.memory_space<vmem>>
      %dma_wait3A_390 = arith.constant 0 : i32
      %dma_wait3A_391 = arith.constant 0 : i32
      %dma_wait3A_392 = tpu.memref_slice %arg2[%dma_wait3A_390, %dma_wait3A_391] : memref<50000x64xi32, #tpu.memory_space<hbm>> -> memref<50000x64xi32, #tpu.memory_space<hbm>>
      tpu.wait_indirect_dma semaphore(%arg24 : memref<!tpu.dma_semaphore, #tpu.memory_space<semaphore_mem>>) src(%dma_wait3A_392 : memref<50000x64xi32, #tpu.memory_space<hbm>>) dst(%dma_wait3A_387 : memref<40x64xi32, #tpu.memory_space<vmem>>)
      %dma_wait3A_393 = arith.constant 40 : i32
      %dma_wait3A_394 = arith.constant 0 : i32
      %dma_wait3A_395 = tpu.memref_slice %arg18[%dma_wait3A_393, %dma_wait3A_394] : memref<80x64xi32, #tpu.memory_space<vmem>> -> memref<40x64xi32, #tpu.memory_space<vmem>>
      %dma_wait3A_396 = arith.constant 0 : i32
      %dma_wait3A_397 = tpu.memref_slice %arg8[%dma_wait3A_396] : memref<10000xi32, #tpu.memory_space<vmem>> -> memref<40xi32, #tpu.memory_space<vmem>>
      %dma_wait3A_398 = arith.constant 0 : i32
      %dma_wait3A_399 = arith.constant 0 : i32
      %dma_wait3A_400 = tpu.memref_slice %arg3[%dma_wait3A_398, %dma_wait3A_399] : memref<50000x64xi32, #tpu.memory_space<hbm>> -> memref<50000x64xi32, #tpu.memory_space<hbm>>
      tpu.wait_indirect_dma semaphore(%arg24 : memref<!tpu.dma_semaphore, #tpu.memory_space<semaphore_mem>>) src(%dma_wait3A_400 : memref<50000x64xi32, #tpu.memory_space<hbm>>) dst(%dma_wait3A_395 : memref<40x64xi32, #tpu.memory_space<vmem>>)
      %scan3A_401 = arith.constant 0 : i32
      %scan3A_402 = arith.constant 0 : i32
      %scan3A_403 = arith.constant 5 : i32
      %scan3A_404 = arith.addi %scan3A_402, %scan3A_403 : i32
      %scan3A_405 = arith.constant 1 : i32
      %scan3A_406 = scf.for %scan3A_416 = %scan3A_402 to %scan3A_404 step %scan3A_405 iter_args(%scan3A_417 = %scan3A_401) -> (i32)  : i32 {
        %mul3A_418 = arith.constant 16 : i32
        %mul3A_419 = arith.muli %scan3A_416, %mul3A_418 : i32
        %add3A_420 = vector.broadcast %mul3A_419 : i32 to vector<16xi32>
        %add3A_421 = arith.addi %add3A_420, %iota3A : vector<16xi32>
        %broadcast_in_dim3A_422 = arith.constant 0.000000e+00 : f32
        %broadcast_in_dim3A_423 = vector.broadcast %broadcast_in_dim3A_422 : f32 to vector<16xf32>
        %scan3A_424 = arith.constant 0 : i32
        %scan3A_425 = arith.constant 8 : i32
        %scan3A_426 = arith.addi %scan3A_424, %scan3A_425 : i32
        %scan3A_427 = arith.constant 1 : i32
        %scan3A_428:2 = scf.for %scan3A_438 = %scan3A_424 to %scan3A_426 step %scan3A_427 iter_args(%scan3A_439 = %broadcast_in_dim3A_423, %scan3A_440 = %broadcast_in_dim3A_423) -> (vector<16xf32>, vector<16xf32>)  : i32 {
          %broadcast_in_dim3A_441 = arith.constant 0 : i32
          %broadcast_in_dim3A_442 = vector.broadcast %broadcast_in_dim3A_441 : i32 to vector<16xi32>
          %mul3A_443 = arith.constant 8 : i32
          %mul3A_444 = arith.muli %scan3A_438, %mul3A_443 : i32
          %add3A_445 = vector.broadcast %mul3A_444 : i32 to vector<16xi32>
          %add3A_446 = arith.addi %broadcast_in_dim3A_442, %add3A_445 : vector<16xi32>
          %add3A_447 = arith.constant 0 : i32
          %add3A_448 = vector.broadcast %add3A_447 : i32 to vector<16xi32>
          %add3A_449 = arith.addi %add3A_446, %add3A_448 : vector<16xi32>
          %gather3A = tpu.vector_load_idx %arg13[%add3A_421, %add3A_449] : memref<80x64xi32, #tpu.memory_space<vmem>>[vector<16xi32>, vector<16xi32>], vector<16xi32>,
          %gather3A_450 = tpu.vector_load_idx %arg18[%add3A_421, %add3A_449] : memref<80x64xi32, #tpu.memory_space<vmem>>[vector<16xi32>, vector<16xi32>], vector<16xi32>,
          %shift_left3A = arith.constant 16 : i32
          %shift_left3A_451 = vector.broadcast %shift_left3A : i32 to vector<16xi32>
          %shift_left3A_452 = arith.shli %gather3A, %shift_left3A_451 : vector<16xi32>
          %bitcast3A = vector.bitcast %shift_left3A_452 : vector<16xi32> to vector<16xf32>
          %shift_left3A_453 = arith.constant 16 : i32
          %shift_left3A_454 = vector.broadcast %shift_left3A_453 : i32 to vector<16xi32>
          %shift_left3A_455 = arith.shli %gather3A_450, %shift_left3A_454 : vector<16xi32>
          %bitcast3A_456 = vector.bitcast %shift_left3A_455 : vector<16xi32> to vector<16xf32>
          %and3A = arith.andi %gather3A, %broadcast_in_dim3A_1 : vector<16xi32>
          %bitcast3A_457 = vector.bitcast %and3A : vector<16xi32> to vector<16xf32>
          %and3A_458 = arith.andi %gather3A_450, %broadcast_in_dim3A_1 : vector<16xi32>
          %bitcast3A_459 = vector.bitcast %and3A_458 : vector<16xi32> to vector<16xf32>
          %mul3A_460 = arith.mulf %bitcast3A, %bitcast3A_456 : vector<16xf32>
          %add3A_461 = arith.addf %scan3A_439, %mul3A_460 : vector<16xf32>
          %mul3A_462 = arith.mulf %bitcast3A_457, %bitcast3A_459 : vector<16xf32>
          %add3A_463 = arith.addf %scan3A_440, %mul3A_462 : vector<16xf32>
          %add3A_464 = arith.constant 1 : i32
          %add3A_465 = vector.broadcast %add3A_464 : i32 to vector<16xi32>
          %add3A_466 = arith.addi %add3A_446, %add3A_465 : vector<16xi32>
          %gather3A_467 = tpu.vector_load_idx %arg13[%add3A_421, %add3A_466] : memref<80x64xi32, #tpu.memory_space<vmem>>[vector<16xi32>, vector<16xi32>], vector<16xi32>,
          %gather3A_468 = tpu.vector_load_idx %arg18[%add3A_421, %add3A_466] : memref<80x64xi32, #tpu.memory_space<vmem>>[vector<16xi32>, vector<16xi32>], vector<16xi32>,
          %shift_left3A_469 = arith.constant 16 : i32
          %shift_left3A_470 = vector.broadcast %shift_left3A_469 : i32 to vector<16xi32>
          %shift_left3A_471 = arith.shli %gather3A_467, %shift_left3A_470 : vector<16xi32>
          %bitcast3A_472 = vector.bitcast %shift_left3A_471 : vector<16xi32> to vector<16xf32>
          %shift_left3A_473 = arith.constant 16 : i32
          %shift_left3A_474 = vector.broadcast %shift_left3A_473 : i32 to vector<16xi32>
          %shift_left3A_475 = arith.shli %gather3A_468, %shift_left3A_474 : vector<16xi32>
          %bitcast3A_476 = vector.bitcast %shift_left3A_475 : vector<16xi32> to vector<16xf32>
          %and3A_477 = arith.andi %gather3A_467, %broadcast_in_dim3A_1 : vector<16xi32>
          %bitcast3A_478 = vector.bitcast %and3A_477 : vector<16xi32> to vector<16xf32>
          %and3A_479 = arith.andi %gather3A_468, %broadcast_in_dim3A_1 : vector<16xi32>
          %bitcast3A_480 = vector.bitcast %and3A_479 : vector<16xi32> to vector<16xf32>
          %mul3A_481 = arith.mulf %bitcast3A_472, %bitcast3A_476 : vector<16xf32>
          %add3A_482 = arith.addf %add3A_461, %mul3A_481 : vector<16xf32>
          %mul3A_483 = arith.mulf %bitcast3A_478, %bitcast3A_480 : vector<16xf32>
          %add3A_484 = arith.addf %add3A_463, %mul3A_483 : vector<16xf32>
          %add3A_485 = arith.constant 2 : i32
          %add3A_486 = vector.broadcast %add3A_485 : i32 to vector<16xi32>
          %add3A_487 = arith.addi %add3A_446, %add3A_486 : vector<16xi32>
          %gather3A_488 = tpu.vector_load_idx %arg13[%add3A_421, %add3A_487] : memref<80x64xi32, #tpu.memory_space<vmem>>[vector<16xi32>, vector<16xi32>], vector<16xi32>,
          %gather3A_489 = tpu.vector_load_idx %arg18[%add3A_421, %add3A_487] : memref<80x64xi32, #tpu.memory_space<vmem>>[vector<16xi32>, vector<16xi32>], vector<16xi32>,
          %shift_left3A_490 = arith.constant 16 : i32
          %shift_left3A_491 = vector.broadcast %shift_left3A_490 : i32 to vector<16xi32>
          %shift_left3A_492 = arith.shli %gather3A_488, %shift_left3A_491 : vector<16xi32>
          %bitcast3A_493 = vector.bitcast %shift_left3A_492 : vector<16xi32> to vector<16xf32>
          %shift_left3A_494 = arith.constant 16 : i32
          %shift_left3A_495 = vector.broadcast %shift_left3A_494 : i32 to vector<16xi32>
          %shift_left3A_496 = arith.shli %gather3A_489, %shift_left3A_495 : vector<16xi32>
          %bitcast3A_497 = vector.bitcast %shift_left3A_496 : vector<16xi32> to vector<16xf32>
          %and3A_498 = arith.andi %gather3A_488, %broadcast_in_dim3A_1 : vector<16xi32>
          %bitcast3A_499 = vector.bitcast %and3A_498 : vector<16xi32> to vector<16xf32>
          %and3A_500 = arith.andi %gather3A_489, %broadcast_in_dim3A_1 : vector<16xi32>
          %bitcast3A_501 = vector.bitcast %and3A_500 : vector<16xi32> to vector<16xf32>
          %mul3A_502 = arith.mulf %bitcast3A_493, %bitcast3A_497 : vector<16xf32>
          %add3A_503 = arith.addf %add3A_482, %mul3A_502 : vector<16xf32>
          %mul3A_504 = arith.mulf %bitcast3A_499, %bitcast3A_501 : vector<16xf32>
          %add3A_505 = arith.addf %add3A_484, %mul3A_504 : vector<16xf32>
          %add3A_506 = arith.constant 3 : i32
          %add3A_507 = vector.broadcast %add3A_506 : i32 to vector<16xi32>
          %add3A_508 = arith.addi %add3A_446, %add3A_507 : vector<16xi32>
          %gather3A_509 = tpu.vector_load_idx %arg13[%add3A_421, %add3A_508] : memref<80x64xi32, #tpu.memory_space<vmem>>[vector<16xi32>, vector<16xi32>], vector<16xi32>,
          %gather3A_510 = tpu.vector_load_idx %arg18[%add3A_421, %add3A_508] : memref<80x64xi32, #tpu.memory_space<vmem>>[vector<16xi32>, vector<16xi32>], vector<16xi32>,
          %shift_left3A_511 = arith.constant 16 : i32
          %shift_left3A_512 = vector.broadcast %shift_left3A_511 : i32 to vector<16xi32>
          %shift_left3A_513 = arith.shli %gather3A_509, %shift_left3A_512 : vector<16xi32>
          %bitcast3A_514 = vector.bitcast %shift_left3A_513 : vector<16xi32> to vector<16xf32>
          %shift_left3A_515 = arith.constant 16 : i32
          %shift_left3A_516 = vector.broadcast %shift_left3A_515 : i32 to vector<16xi32>
          %shift_left3A_517 = arith.shli %gather3A_510, %shift_left3A_516 : vector<16xi32>
          %bitcast3A_518 = vector.bitcast %shift_left3A_517 : vector<16xi32> to vector<16xf32>
          %and3A_519 = arith.andi %gather3A_509, %broadcast_in_dim3A_1 : vector<16xi32>
          %bitcast3A_520 = vector.bitcast %and3A_519 : vector<16xi32> to vector<16xf32>
          %and3A_521 = arith.andi %gather3A_510, %broadcast_in_dim3A_1 : vector<16xi32>
          %bitcast3A_522 = vector.bitcast %and3A_521 : vector<16xi32> to vector<16xf32>
          %mul3A_523 = arith.mulf %bitcast3A_514, %bitcast3A_518 : vector<16xf32>
          %add3A_524 = arith.addf %add3A_503, %mul3A_523 : vector<16xf32>
          %mul3A_525 = arith.mulf %bitcast3A_520, %bitcast3A_522 : vector<16xf32>
          %add3A_526 = arith.addf %add3A_505, %mul3A_525 : vector<16xf32>
          %add3A_527 = arith.constant 4 : i32
          %add3A_528 = vector.broadcast %add3A_527 : i32 to vector<16xi32>
          %add3A_529 = arith.addi %add3A_446, %add3A_528 : vector<16xi32>
          %gather3A_530 = tpu.vector_load_idx %arg13[%add3A_421, %add3A_529] : memref<80x64xi32, #tpu.memory_space<vmem>>[vector<16xi32>, vector<16xi32>], vector<16xi32>,
          %gather3A_531 = tpu.vector_load_idx %arg18[%add3A_421, %add3A_529] : memref<80x64xi32, #tpu.memory_space<vmem>>[vector<16xi32>, vector<16xi32>], vector<16xi32>,
          %shift_left3A_532 = arith.constant 16 : i32
          %shift_left3A_533 = vector.broadcast %shift_left3A_532 : i32 to vector<16xi32>
          %shift_left3A_534 = arith.shli %gather3A_530, %shift_left3A_533 : vector<16xi32>
          %bitcast3A_535 = vector.bitcast %shift_left3A_534 : vector<16xi32> to vector<16xf32>
          %shift_left3A_536 = arith.constant 16 : i32
          %shift_left3A_537 = vector.broadcast %shift_left3A_536 : i32 to vector<16xi32>
          %shift_left3A_538 = arith.shli %gather3A_531, %shift_left3A_537 : vector<16xi32>
          %bitcast3A_539 = vector.bitcast %shift_left3A_538 : vector<16xi32> to vector<16xf32>
          %and3A_540 = arith.andi %gather3A_530, %broadcast_in_dim3A_1 : vector<16xi32>
          %bitcast3A_541 = vector.bitcast %and3A_540 : vector<16xi32> to vector<16xf32>
          %and3A_542 = arith.andi %gather3A_531, %broadcast_in_dim3A_1 : vector<16xi32>
          %bitcast3A_543 = vector.bitcast %and3A_542 : vector<16xi32> to vector<16xf32>
          %mul3A_544 = arith.mulf %bitcast3A_535, %bitcast3A_539 : vector<16xf32>
          %add3A_545 = arith.addf %add3A_524, %mul3A_544 : vector<16xf32>
          %mul3A_546 = arith.mulf %bitcast3A_541, %bitcast3A_543 : vector<16xf32>
          %add3A_547 = arith.addf %add3A_526, %mul3A_546 : vector<16xf32>
          %add3A_548 = arith.constant 5 : i32
          %add3A_549 = vector.broadcast %add3A_548 : i32 to vector<16xi32>
          %add3A_550 = arith.addi %add3A_446, %add3A_549 : vector<16xi32>
          %gather3A_551 = tpu.vector_load_idx %arg13[%add3A_421, %add3A_550] : memref<80x64xi32, #tpu.memory_space<vmem>>[vector<16xi32>, vector<16xi32>], vector<16xi32>,
          %gather3A_552 = tpu.vector_load_idx %arg18[%add3A_421, %add3A_550] : memref<80x64xi32, #tpu.memory_space<vmem>>[vector<16xi32>, vector<16xi32>], vector<16xi32>,
          %shift_left3A_553 = arith.constant 16 : i32
          %shift_left3A_554 = vector.broadcast %shift_left3A_553 : i32 to vector<16xi32>
          %shift_left3A_555 = arith.shli %gather3A_551, %shift_left3A_554 : vector<16xi32>
          %bitcast3A_556 = vector.bitcast %shift_left3A_555 : vector<16xi32> to vector<16xf32>
          %shift_left3A_557 = arith.constant 16 : i32
          %shift_left3A_558 = vector.broadcast %shift_left3A_557 : i32 to vector<16xi32>
          %shift_left3A_559 = arith.shli %gather3A_552, %shift_left3A_558 : vector<16xi32>
          %bitcast3A_560 = vector.bitcast %shift_left3A_559 : vector<16xi32> to vector<16xf32>
          %and3A_561 = arith.andi %gather3A_551, %broadcast_in_dim3A_1 : vector<16xi32>
          %bitcast3A_562 = vector.bitcast %and3A_561 : vector<16xi32> to vector<16xf32>
          %and3A_563 = arith.andi %gather3A_552, %broadcast_in_dim3A_1 : vector<16xi32>
          %bitcast3A_564 = vector.bitcast %and3A_563 : vector<16xi32> to vector<16xf32>
          %mul3A_565 = arith.mulf %bitcast3A_556, %bitcast3A_560 : vector<16xf32>
          %add3A_566 = arith.addf %add3A_545, %mul3A_565 : vector<16xf32>
          %mul3A_567 = arith.mulf %bitcast3A_562, %bitcast3A_564 : vector<16xf32>
          %add3A_568 = arith.addf %add3A_547, %mul3A_567 : vector<16xf32>
          %add3A_569 = arith.constant 6 : i32
          %add3A_570 = vector.broadcast %add3A_569 : i32 to vector<16xi32>
          %add3A_571 = arith.addi %add3A_446, %add3A_570 : vector<16xi32>
          %gather3A_572 = tpu.vector_load_idx %arg13[%add3A_421, %add3A_571] : memref<80x64xi32, #tpu.memory_space<vmem>>[vector<16xi32>, vector<16xi32>], vector<16xi32>,
          %gather3A_573 = tpu.vector_load_idx %arg18[%add3A_421, %add3A_571] : memref<80x64xi32, #tpu.memory_space<vmem>>[vector<16xi32>, vector<16xi32>], vector<16xi32>,
          %shift_left3A_574 = arith.constant 16 : i32
          %shift_left3A_575 = vector.broadcast %shift_left3A_574 : i32 to vector<16xi32>
          %shift_left3A_576 = arith.shli %gather3A_572, %shift_left3A_575 : vector<16xi32>
          %bitcast3A_577 = vector.bitcast %shift_left3A_576 : vector<16xi32> to vector<16xf32>
          %shift_left3A_578 = arith.constant 16 : i32
          %shift_left3A_579 = vector.broadcast %shift_left3A_578 : i32 to vector<16xi32>
          %shift_left3A_580 = arith.shli %gather3A_573, %shift_left3A_579 : vector<16xi32>
          %bitcast3A_581 = vector.bitcast %shift_left3A_580 : vector<16xi32> to vector<16xf32>
          %and3A_582 = arith.andi %gather3A_572, %broadcast_in_dim3A_1 : vector<16xi32>
          %bitcast3A_583 = vector.bitcast %and3A_582 : vector<16xi32> to vector<16xf32>
          %and3A_584 = arith.andi %gather3A_573, %broadcast_in_dim3A_1 : vector<16xi32>
          %bitcast3A_585 = vector.bitcast %and3A_584 : vector<16xi32> to vector<16xf32>
          %mul3A_586 = arith.mulf %bitcast3A_577, %bitcast3A_581 : vector<16xf32>
          %add3A_587 = arith.addf %add3A_566, %mul3A_586 : vector<16xf32>
          %mul3A_588 = arith.mulf %bitcast3A_583, %bitcast3A_585 : vector<16xf32>
          %add3A_589 = arith.addf %add3A_568, %mul3A_588 : vector<16xf32>
          %add3A_590 = arith.constant 7 : i32
          %add3A_591 = vector.broadcast %add3A_590 : i32 to vector<16xi32>
          %add3A_592 = arith.addi %add3A_446, %add3A_591 : vector<16xi32>
          %gather3A_593 = tpu.vector_load_idx %arg13[%add3A_421, %add3A_592] : memref<80x64xi32, #tpu.memory_space<vmem>>[vector<16xi32>, vector<16xi32>], vector<16xi32>,
          %gather3A_594 = tpu.vector_load_idx %arg18[%add3A_421, %add3A_592] : memref<80x64xi32, #tpu.memory_space<vmem>>[vector<16xi32>, vector<16xi32>], vector<16xi32>,
          %shift_left3A_595 = arith.constant 16 : i32
          %shift_left3A_596 = vector.broadcast %shift_left3A_595 : i32 to vector<16xi32>
          %shift_left3A_597 = arith.shli %gather3A_593, %shift_left3A_596 : vector<16xi32>
          %bitcast3A_598 = vector.bitcast %shift_left3A_597 : vector<16xi32> to vector<16xf32>
          %shift_left3A_599 = arith.constant 16 : i32
          %shift_left3A_600 = vector.broadcast %shift_left3A_599 : i32 to vector<16xi32>
          %shift_left3A_601 = arith.shli %gather3A_594, %shift_left3A_600 : vector<16xi32>
          %bitcast3A_602 = vector.bitcast %shift_left3A_601 : vector<16xi32> to vector<16xf32>
          %and3A_603 = arith.andi %gather3A_593, %broadcast_in_dim3A_1 : vector<16xi32>
          %bitcast3A_604 = vector.bitcast %and3A_603 : vector<16xi32> to vector<16xf32>
          %and3A_605 = arith.andi %gather3A_594, %broadcast_in_dim3A_1 : vector<16xi32>
          %bitcast3A_606 = vector.bitcast %and3A_605 : vector<16xi32> to vector<16xf32>
          %mul3A_607 = arith.mulf %bitcast3A_598, %bitcast3A_602 : vector<16xf32>
          %add3A_608 = arith.addf %add3A_587, %mul3A_607 : vector<16xf32>
          %mul3A_609 = arith.mulf %bitcast3A_604, %bitcast3A_606 : vector<16xf32>
          %add3A_610 = arith.addf %add3A_589, %mul3A_609 : vector<16xf32>
          scf.yield %add3A_608, %add3A_610 : vector<16xf32>, vector<16xf32>
        }
        %scan3A_429 = arith.constant 8 : i32
        %add3A_430 = arith.addf %scan3A_428#0, %scan3A_428#1 : vector<16xf32>
        %mul3A_431 = arith.constant 80 : i32
        %mul3A_432 = arith.muli %add3A_368, %mul3A_431 : i32
        %mul3A_433 = arith.constant 16 : i32
        %mul3A_434 = arith.muli %scan3A_416, %mul3A_433 : i32
        %add3A_435 = arith.addi %mul3A_432, %mul3A_434 : i32
        %swap3A = arith.index_cast %add3A_435 : i32 to index
        %swap3A_436 = tpu.vector_load %arg19[%swap3A] {strides = array<i32>} : memref<10000xf32, #tpu.memory_space<vmem>>, vector<16xf32>,
        tpu.vector_store %arg19[%swap3A], %add3A_430 {strides = array<i32>} : memref<10000xf32, #tpu.memory_space<vmem>>, vector<16xf32>,
        %scan3A_437 = arith.constant 0 : i32
        scf.yield %scan3A_437 : i32
      }
      %scan3A_407 = arith.constant 5 : i32
      %add3A_408 = arith.constant 5 : i32
      %add3A_409 = arith.addi %add3A_368, %add3A_408 : i32
      %lt3A_410 = arith.constant 125 : i32
      %lt3A_411 = arith.cmpi slt, %add3A_409, %lt3A_410 : i32
      %convert_element_type3A_412 = arith.extui %lt3A_411 : i1 to i32
      %cond3A_413 = arith.constant 0 : i32
      %cond3A_414 = arith.cmpi ne, %convert_element_type3A_412, %cond3A_413 : i32
      scf.if %cond3A_414 {
        %add3A_416 = arith.constant 5 : i32
        %add3A_417 = arith.addi %add3A_368, %add3A_416 : i32
        %mul3A_418 = arith.constant 80 : i32
        %mul3A_419 = arith.muli %add3A_417, %mul3A_418 : i32
        %add3A_420 = arith.constant 0 : i32
        %add3A_421 = arith.addi %mul3A_419, %add3A_420 : i32
        %dma_start3A_422 = arith.constant 0 : i32
        %dma_start3A_423 = arith.constant 0 : i32
        %dma_start3A_424 = tpu.memref_slice %arg13[%dma_start3A_422, %dma_start3A_423] : memref<80x64xi32, #tpu.memory_space<vmem>> -> memref<40x64xi32, #tpu.memory_space<vmem>>
        %dma_start3A_425 = tpu.memref_slice %arg7[%add3A_421] : memref<10000xi32, #tpu.memory_space<vmem>> -> memref<40xi32, #tpu.memory_space<vmem>>
        %dma_start3A_426 = arith.constant 0 : i32
        %dma_start3A_427 = arith.constant 0 : i32
        %dma_start3A_428 = tpu.memref_slice %arg2[%dma_start3A_426, %dma_start3A_427] : memref<50000x64xi32, #tpu.memory_space<hbm>> -> memref<50000x64xi32, #tpu.memory_space<hbm>>
        tpu.enqueue_indirect_dma source(%dma_start3A_428 : memref<50000x64xi32, #tpu.memory_space<hbm>>) target(%dma_start3A_424 : memref<40x64xi32, #tpu.memory_space<vmem>>) offsets(%dma_start3A_425 : memref<40xi32, #tpu.memory_space<vmem>>) semaphore(%arg24 : memref<!tpu.dma_semaphore, #tpu.memory_space<semaphore_mem>>)
        %mul3A_429 = arith.constant 80 : i32
        %mul3A_430 = arith.muli %add3A_417, %mul3A_429 : i32
        %add3A_431 = arith.constant 0 : i32
        %add3A_432 = arith.addi %mul3A_430, %add3A_431 : i32
        %dma_start3A_433 = arith.constant 0 : i32
        %dma_start3A_434 = arith.constant 0 : i32
        %dma_start3A_435 = tpu.memref_slice %arg18[%dma_start3A_433, %dma_start3A_434] : memref<80x64xi32, #tpu.memory_space<vmem>> -> memref<40x64xi32, #tpu.memory_space<vmem>>
        %dma_start3A_436 = tpu.memref_slice %arg8[%add3A_432] : memref<10000xi32, #tpu.memory_space<vmem>> -> memref<40xi32, #tpu.memory_space<vmem>>
        %dma_start3A_437 = arith.constant 0 : i32
        %dma_start3A_438 = arith.constant 0 : i32
        %dma_start3A_439 = tpu.memref_slice %arg3[%dma_start3A_437, %dma_start3A_438] : memref<50000x64xi32, #tpu.memory_space<hbm>> -> memref<50000x64xi32, #tpu.memory_space<hbm>>
        tpu.enqueue_indirect_dma source(%dma_start3A_439 : memref<50000x64xi32, #tpu.memory_space<hbm>>) target(%dma_start3A_435 : memref<40x64xi32, #tpu.memory_space<vmem>>) offsets(%dma_start3A_436 : memref<40xi32, #tpu.memory_space<vmem>>) semaphore(%arg24 : memref<!tpu.dma_semaphore, #tpu.memory_space<semaphore_mem>>)
        %mul3A_440 = arith.constant 80 : i32
        %mul3A_441 = arith.muli %add3A_417, %mul3A_440 : i32
        %add3A_442 = arith.constant 40 : i32
        %add3A_443 = arith.addi %mul3A_441, %add3A_442 : i32
        %dma_start3A_444 = arith.constant 40 : i32
        %dma_start3A_445 = arith.constant 0 : i32
        %dma_start3A_446 = tpu.memref_slice %arg13[%dma_start3A_444, %dma_start3A_445] : memref<80x64xi32, #tpu.memory_space<vmem>> -> memref<40x64xi32, #tpu.memory_space<vmem>>
        %dma_start3A_447 = tpu.memref_slice %arg7[%add3A_443] : memref<10000xi32, #tpu.memory_space<vmem>> -> memref<40xi32, #tpu.memory_space<vmem>>
        %dma_start3A_448 = arith.constant 0 : i32
        %dma_start3A_449 = arith.constant 0 : i32
        %dma_start3A_450 = tpu.memref_slice %arg2[%dma_start3A_448, %dma_start3A_449] : memref<50000x64xi32, #tpu.memory_space<hbm>> -> memref<50000x64xi32, #tpu.memory_space<hbm>>
        tpu.enqueue_indirect_dma source(%dma_start3A_450 : memref<50000x64xi32, #tpu.memory_space<hbm>>) target(%dma_start3A_446 : memref<40x64xi32, #tpu.memory_space<vmem>>) offsets(%dma_start3A_447 : memref<40xi32, #tpu.memory_space<vmem>>) semaphore(%arg24 : memref<!tpu.dma_semaphore, #tpu.memory_space<semaphore_mem>>)
        %mul3A_451 = arith.constant 80 : i32
        %mul3A_452 = arith.muli %add3A_417, %mul3A_451 : i32
        %add3A_453 = arith.constant 40 : i32
        %add3A_454 = arith.addi %mul3A_452, %add3A_453 : i32
        %dma_start3A_455 = arith.constant 40 : i32
        %dma_start3A_456 = arith.constant 0 : i32
        %dma_start3A_457 = tpu.memref_slice %arg18[%dma_start3A_455, %dma_start3A_456] : memref<80x64xi32, #tpu.memory_space<vmem>> -> memref<40x64xi32, #tpu.memory_space<vmem>>
        %dma_start3A_458 = tpu.memref_slice %arg8[%add3A_454] : memref<10000xi32, #tpu.memory_space<vmem>> -> memref<40xi32, #tpu.memory_space<vmem>>
        %dma_start3A_459 = arith.constant 0 : i32
        %dma_start3A_460 = arith.constant 0 : i32
        %dma_start3A_461 = tpu.memref_slice %arg3[%dma_start3A_459, %dma_start3A_460] : memref<50000x64xi32, #tpu.memory_space<hbm>> -> memref<50000x64xi32, #tpu.memory_space<hbm>>
        tpu.enqueue_indirect_dma source(%dma_start3A_461 : memref<50000x64xi32, #tpu.memory_space<hbm>>) target(%dma_start3A_457 : memref<40x64xi32, #tpu.memory_space<vmem>>) offsets(%dma_start3A_458 : memref<40xi32, #tpu.memory_space<vmem>>) semaphore(%arg24 : memref<!tpu.dma_semaphore, #tpu.memory_space<semaphore_mem>>)
      } else {
      }
      %scan3A_415 = arith.constant 0 : i32
      scf.yield %scan3A_415 : i32
    }
    %scan3A_166 = arith.constant 25 : i32
    "tpu.region"() ({
      %run_scoped3A = tpu.sem_alloc : memref<!tpu.dma_semaphore, #tpu.memory_space<semaphore_mem>>
      %dma_start3A_167 = arith.constant 0 : i32
      %dma_start3A_168 = tpu.memref_slice %arg6[%add3A, %dma_start3A_167] : memref<32x10000xf32, #tpu.memory_space<hbm>> -> memref<1x10000xf32, #tpu.memory_space<hbm>>
      %dma_start3A_169 = tpu.memref_squeeze %dma_start3A_168 : memref<1x10000xf32, #tpu.memory_space<hbm>> -> memref<10000xf32, #tpu.memory_space<hbm>>
      %dma_start3A_170 = arith.constant 0 : i32
      %dma_start3A_171 = tpu.memref_slice %arg6[%add3A, %dma_start3A_170] : memref<32x10000xf32, #tpu.memory_space<hbm>> -> memref<1x10000xf32, #tpu.memory_space<hbm>>
      %dma_start3A_172 = tpu.memref_squeeze %dma_start3A_171 : memref<1x10000xf32, #tpu.memory_space<hbm>> -> memref<10000xf32, #tpu.memory_space<hbm>>
      tpu.enqueue_dma source(%arg19 : memref<10000xf32, #tpu.memory_space<vmem>>) target(%dma_start3A_172 : memref<10000xf32, #tpu.memory_space<hbm>>) target_semaphore(%run_scoped3A : memref<!tpu.dma_semaphore, #tpu.memory_space<semaphore_mem>>)
      %dma_wait3A = arith.constant 0 : i32
      %dma_wait3A_173 = tpu.memref_slice %arg6[%add3A, %dma_wait3A] : memref<32x10000xf32, #tpu.memory_space<hbm>> -> memref<1x10000xf32, #tpu.memory_space<hbm>>
      %dma_wait3A_174 = tpu.memref_squeeze %dma_wait3A_173 : memref<1x10000xf32, #tpu.memory_space<hbm>> -> memref<10000xf32, #tpu.memory_space<hbm>>
      %dma_wait3A_175 = arith.constant 0 : i32
      %dma_wait3A_176 = tpu.memref_slice %arg6[%add3A, %dma_wait3A_175] : memref<32x10000xf32, #tpu.memory_space<hbm>> -> memref<1x10000xf32, #tpu.memory_space<hbm>>
      %dma_wait3A_177 = tpu.memref_squeeze %dma_wait3A_176 : memref<1x10000xf32, #tpu.memory_space<hbm>> -> memref<10000xf32, #tpu.memory_space<hbm>>
      tpu.wait_dma2 semaphore(%run_scoped3A : memref<!tpu.dma_semaphore, #tpu.memory_space<semaphore_mem>>) src(%arg19 : memref<10000xf32, #tpu.memory_space<vmem>>) dst(%dma_wait3A_177 : memref<10000xf32, #tpu.memory_space<hbm>>)
      tpu.yield
    }) : () -> ()
    return
  }
}

</mosaic_0001>

<sc_bundles>
// kernel: _run.3.cloned.1.call-start
scs
__scs_entry_jumppad:
0x0: {  	(pc) =	sbr.rel $0x88, $3  }
0x1: {  	(tag) =	ssettag $0x0;
	lr =	simm.s32 $0x1  }
0x2: {  	[smem:$0x3F9D] =	sst lr;
	_ =	strace $0xD0000000  }
0x3: {  	_ = 	snop  }
0x4: {  	_ = 	snop  }
0x5: {  	_ = 	snop  }
0x6: {  	_ = 	snop  }
0x7: {  	_ = 	snop  }
__scs_overlays_trampoline_lowered:
0x8: {  	[smem:$0x3FAC] =	sst s0  }
0x9: {  	[smem:$0x3FAD] =	sst s1  }
0xa: {  	[smem:$0x3FAE] =	sst s2  }
0xb: {  	[smem:$0x3FAF] =	sst s3  }
0xc: {  	[smem:$0x3FB0] =	sst s4  }
0xd: {  	[smem:$0x3FB1] =	sst s5  }
0xe: {  	[smem:$0x3FB2] =	sst s6  }
0xf: {  	[smem:$0x3FB3] =	sst s7  }
0x10: {  	[smem:$0x3FB4] =	sst s8  }
0x11: {  	[smem:$0x3FB5] =	sst s9;
	s0 =	simm.s32 @!p0 $0x0  }
0x12: {  	s1 =	sld [smem:$0x3F9B];
	s0 =	simm.s32 @p0 $0x1  }
0x13: {  	[smem:$0x3FB6] =	sst s0;
	s0 =	simm.s32 @!p1 $0x0  }
0x14: {  	s2 =	sld [smem:$0x3F9A];
	s0 =	simm.s32 @p1 $0x1  }
0x15: {  	[smem:$0x3FB7] =	sst s0;
	s0 =	simm.s32 @!p2 $0x0  }
0x16: {  	s3 =	sld [smem:$0x3FDB];
	s0 =	simm.s32 @p2 $0x1  }
0x17: {  	s4 =	simm.s32 $0x1BF5;
	[smem:$0x3FB9] =	sst s0  }
0x18: {  	s0 =	sld [smem:$0x3F9C];
	_ =	swait.ge [sflag:s4], $0x0  }
0x19: {  	s7 =	sld [smem:$0x3F9D]  }
0x1a: {  	s8 =	sadd.s32 $0xFFFFE003, lr  }
0x1b: {  	s9 =	sadd.s32 $0xFFFFFEF7, lr;
	s5 =	simm.s32 $0xFFFFFFFF;
	p2 =	slt.u32 s8, $0xFFFFF086  }
0x1c: {  	p1 =	slt.u32 s9, $0xF7A;
	s5 =	simm.s32 @!p2 $0x0  }
0x1d: {  	s5 =	simm.s32 @p1 $0x1;
	p0 =	seq.s32 s7, s2  }
0x1e: {  	s7 =	smul.u32 @!p0 $0xF7A, s2;
	p2 =	seq.s32 @!p0 s5, $0x0  }
0x1f: {  	s9 =	smul.u32 $0xF7A, s1;
	s8 =	simm.s32 @!p0 $0x1BF5;
	p2 =	por !p2, p0  }
0x20: {  	[sflag:s8] =	ssyncset.s32 @!p0 $0xFFFFF086;
	s6 =	sadd.s32 @!p0 s3, s7;
	s7 =	simm.s32 @!p0 $0x108  }
0x21: {  	s3 =	sadd.s32 s3, s9;
	s6 =	sadd.s32 @!p0 $0x88, s6;
	s7 =	simm.s32 @p2 $0x1082  }
0x22: {  	[simem:s7], [sflag:s8] =	dma.local @!p0 [hbm:s6], $0xF7A  }
0x23: {  	s9 =	sor.u32 $0xD0000000, s2;
	s6 =	simm.s32 $0x108;
	_ =	swait.ge @!p0 [sflag:s8], $0x0  }
0x24: {  	s3 =	sadd.s32 $0x88, s3;
	s6 =	simm.s32 @!p1 $0x1082;
	[sflag:s4] =	ssyncset.s32 $0xFFFFF086  }
0x25: {  	[simem:s6], [sflag:s4] =	dma.local [hbm:s3], $0xF7A  }
0x26: {  	[smem:$0x3F9D] =	sst s1;
	(tag) =	ssettag s2;
	_ =	strace s9  }
0x27: {  	s1 =	sld [smem:$0x3FAD]  }
0x28: {  	s2 =	sld [smem:$0x3FAE]  }
0x29: {  	s4 =	sld [smem:$0x3FB0]  }
0x2a: {  	p0 =	seq.s32 s5, $0x0;
	s5 =	sld [smem:$0x3FB1]  }
0x2b: {  	s6 =	sld [smem:$0x3FB2]  }
0x2c: {  	s7 =	sld [smem:$0x3FB3]  }
0x2d: {  	s3 =	simm.s32 $0x108;
	s8 =	sld [smem:$0x3FB4]  }
0x2e: {  	s3 =	simm.s32 @!p0 $0x1082;
	s9 =	sld [smem:$0x3FB5]  }
0x2f: {  	lr =	sadd.s32 s0, s3;
	s0 =	sld [smem:$0x3FAC]  }
0x30: {  	s3 =	sld [smem:$0x3FAF]  }
0x31: {  	[smem:$0x3FB8] =	sst s10  }
0x32: {  	s10 =	sld [smem:$0x3FB6];
	_ =	sdelay $0x3  }
0x33: {  	p0 =	seq.s32 s10, $0x1;
	s10 =	sld [smem:$0x3FB8];
	_ =	sdelay $0x3  }
0x34: {  	[smem:$0x3FB8] =	sst s10  }
0x35: {  	s10 =	sld [smem:$0x3FB7];
	_ =	sdelay $0x3  }
0x36: {  	p1 =	seq.s32 s10, $0x1;
	s10 =	sld [smem:$0x3FB8];
	_ =	sdelay $0x3  }
0x37: {  	[smem:$0x3FB8] =	sst s10  }
0x38: {  	s10 =	sld [smem:$0x3FB9]  }
0x39: {  	_ = 	snop;
	(pc) =	sbr.ind lr, $3  }
0x3a: {  	_ = 	snop  }
0x3b: {  	_ = 	snop  }
0x3c: {  	p2 =	seq.s32 s10, $0x1;
	s10 =	sld [smem:$0x3FB8]  }
0x3d: {  	_ =	shalt  }
0x3e: {  	_ =	shalt  }
0x3f: {  	_ =	shalt  }
0x40: {  	_ =	shalt  }
0x41: {  	_ =	shalt  }
0x42: {  	_ =	shalt  }
0x43: {  	_ =	shalt  }
0x44: {  	_ =	shalt  }
0x45: {  	_ =	shalt  }
0x46: {  	_ =	shalt  }
0x47: {  	_ =	shalt  }
0x48: {  	_ =	shalt  }
0x49: {  	_ =	shalt  }
0x4a: {  	_ =	shalt  }
0x4b: {  	_ =	shalt  }
0x4c: {  	_ =	shalt  }
0x4d: {  	_ =	shalt  }
0x4e: {  	_ =	shalt  }
0x4f: {  	_ =	shalt  }
0x50: {  	_ =	shalt  }
0x51: {  	_ =	shalt  }
0x52: {  	_ =	shalt  }
0x53: {  	_ =	shalt  }
0x54: {  	_ =	shalt  }
0x55: {  	_ =	shalt  }
0x56: {  	_ =	shalt  }
0x57: {  	_ =	shalt  }
0x58: {  	_ =	shalt  }
0x59: {  	_ =	shalt  }
0x5a: {  	_ =	shalt  }
0x5b: {  	_ =	shalt  }
0x5c: {  	_ =	shalt  }
0x5d: {  	_ =	shalt  }
0x5e: {  	_ =	shalt  }
0x5f: {  	_ =	shalt  }
0x60: {  	_ =	shalt  }
0x61: {  	_ =	shalt  }
0x62: {  	_ =	shalt  }
0x63: {  	_ =	shalt  }
0x64: {  	_ =	shalt  }
0x65: {  	_ =	shalt  }
0x66: {  	_ =	shalt  }
0x67: {  	_ =	shalt  }
0x68: {  	_ =	shalt  }
0x69: {  	_ =	shalt  }
0x6a: {  	_ =	shalt  }
0x6b: {  	_ =	shalt  }
0x6c: {  	_ =	shalt  }
0x6d: {  	_ =	shalt  }
0x6e: {  	_ =	shalt  }
0x6f: {  	_ =	shalt  }
0x70: {  	_ =	shalt  }
0x71: {  	_ =	shalt  }
0x72: {  	_ =	shalt  }
0x73: {  	_ =	shalt  }
0x74: {  	_ =	shalt  }
0x75: {  	_ =	shalt  }
0x76: {  	_ =	shalt  }
0x77: {  	_ =	shalt  }
0x78: {  	_ =	shalt  }
0x79: {  	_ =	shalt  }
0x7a: {  	_ =	shalt  }
0x7b: {  	_ =	shalt  }
0x7c: {  	_ =	shalt  }
0x7d: {  	_ =	shalt  }
0x7e: {  	_ =	shalt  }
0x7f: {  	_ =	shalt  }
0x80: {  	_ =	shalt  }
0x81: {  	_ =	shalt  }
0x82: {  	_ =	shalt  }
0x83: {  	_ =	shalt  }
0x84: {  	_ =	shalt  }
0x85: {  	_ =	shalt  }
0x86: {  	_ =	shalt  }
0x87: {  	_ =	shalt  }
.Lfunc_end0:
.L_simem_size_0:
called_computation_lowered:
.L_overlay_start_0:
0x88: {  	s2 =	sld [smem:$0x3FD9]  }
0x89: {  	s3 =	sld [smem:$0x3FFE];
	_ =	sdelay $0x1  }
0x8a: {  	s1 =	srdreg.scid  }
0x8b: {  	s0 =	sand.u32 $0x1, s1  }
0x8c: {  	s17 =	sshll.u32 s0, $0xA;
	s2 =	sadd.s32 s3, s2  }
0x8d: {  	s2 =	sadd.s32 s2, s17  }
0x8e: {  	[smem:$0x3FC4] =	sst s2  }
0x8f: {  	_ = 	snop  }
0x90: {  	s2 =	sld [smem:$0x3FD0];
	(tm) =	ssettm $0x1  }
0x91: {  	s18 =	sld [smem:$0x3FFB];
	_ =	sdelay $0x3  }
0x92: {  	_ =	strace s18  }
0x93: {  	s3 =	sld [smem:$0x3FFC];
	_ =	sdelay $0x3  }
0x94: {  	_ =	strace s3  }
0x95: {  	s3 =	sld [smem:$0x3FFD];
	_ =	sdelay $0x3  }
0x96: {  	_ =	strace s3  }
0x97: {  	_ =	strace $0x8FFFFFFF  }
0x98: {  	s19 =	sld [smem:$0x3FDB];
	_ =	sdelay $0x1  }
0x99: {  	s4 =	simm.s32 $_scs_section_size  }
0x9a: {  	s5 =	simm.s32 $_size__tile_overlayer_lowered;
	s6 =	simm.s32 $_tile_overlayer_lowered  }
0x9b: {  	s22 =	simm.s32 $0x1BFF;
	s21 =	sshll.u32 s6, $0x1;
	s3 =	sadd.s32 s4, s19  }
0x9c: {  	s7 =	simm.s32 $0x0;
	s20 =	sshll.u32 s5, $0x1;
	s5 =	sadd.s32 s21, s3  }
0x9d: {  	[timem:s7], [sflag:s22] =	dma.local [hbm:s5], s20  }
0x9e: {  	_ =	swait.ge [sflag:s22], s20  }
0x9f: {  	s4 =	ssub.s32 $0x0, s20;
	[sflag:s22] =	ssyncset.done $0x0  }
0xa0: {  	[sflag:s22] =	ssyncadd.s32 s4;
	_ =	sdelay $0x1  }
0xa1: {  	s23 =	simm.s32 $0x1B8B  }
0xa2: {  	_ =	swait.ge [sflag:s23], $0x1  }
0xa3: {  	[sflag:s23] =	ssyncset.done $0x0  }
0xa4: {  	s25 =	simm.s32 $0x1B8E;
	s24 =	sld [smem:$0x3FFE];
	[sflag:s23] =	ssyncadd.s32 $0xFFFFFFFF  }
0xa5: {  	s26 =	simm.s32 $execute0_lowered;
	[smem:$0x3FD2] =	sst s25  }
0xa6: {  	s5 =	sshll.u32 s26, $0x1;
	_ =	strace $0x80000046;
	[dreg:$0x1] =	wrdreg $0xFFFFFFFF  }
0xa7: {  	s28 =	simm.s32 $_size_execute0_lowered;
	s3 =	sadd.s32 s3, s5;
	[dreg:$0x0] =	wrdreg $0x0  }
0xa8: {  	s5 =	sshll.u32 s28, $0x1;
	[dreg:$0x2] =	wrdreg s3  }
0xa9: {  	[dreg:$0x3] =	wrdreg s5  }
0xaa: {  	[dreg:$0x4] =	wrdreg $0xC0  }
0xab: {  	_ =	task [dreg:s7], $0x5FFFF  }
0xac: {  	[dreg:$0x1] =	wrdreg $0xFFFFFFFF  }
0xad: {  	[dreg:$0x0] =	wrdreg $0x60  }
0xae: {  	[dreg:$0x2] =	wrdreg s24  }
0xaf: {  	[dreg:$0x3] =	wrdreg s2  }
0xb0: {  	[dreg:$0x4] =	wrdreg $0x9  }
0xb1: {  	_ =	task.clear_ibuf [dreg:s7], $0x5FFFF;
	_ =	strace $0x90000046  }
0xb2: {  	s29 =	simm.s32 $0x9;
	_ =	strace $0x80000048  }
0xb3: {  	_ =	swait.ge [sflag:s29], $0x1  }
0xb4: {  	[sflag:s29] =	ssyncadd.s32 $0xFFFFFFFF  }
0xb5: {  	_ =	strace $0x90000048  }
0xb6: {  	_ =	sfence  }
0xb7: {  	s30 =	sld [smem:$0x0];
	_ =	sdelay $0x2  }
0xb8: {  	s31 =	sshll.u32 s1, $0xD;
	s1 =	sshrl.u32 s1, $0x2  }
0xb9: {  	s3 =	sand.u32 $0x4000, s31;
	s1 =	sadd.s32 s1, s30  }
0xba: {  	s0 =	sor.u32 s3, s0;
	s1 =	sshll.u32 s1, $0x11  }
0xbb: {  	s0 =	sor.u32 s1, s0  }
0xbc: {  	s0 =	sadd.s32 $0x8F2B, s0  }
0xbd: {  	[sflag:s0] =	ssyncadd.remote.s32 $0x1  }
0xbe: {  	_ =	sfence.sel $0xFFFF  }
0xbf: {  	[dreg:$0x0] =	wrdreg $0xFFFFFFFF;
	(pc) =	sbr.abs _section_cstart, $3  }
0xc0: {  	[dreg:$0x1] =	wrdreg $0xFFFFFFFF  }
0xc1: {  	_ =	task.clear_ibuf [dreg:s7], $0x2FFFF;
	_ =	strace $0x9FFFFFFF  }
0xc2: {  	(tm) =	ssettm $0x7FFFFFFF  }
0xc3: {  	_ =	shalt  }
tec
execute0_lowered:
.L_overlay_start_1:
0x0: {  	(tag) =	ssettag $0x1  }
0x1: {  	s0 =	rddreg [dreg:$0x0];
	s1 =	srdreg.scid  }
0x2: {  	s2 =	stileid.u32;
	s5 =	rddreg [dreg:$0x1]  }
0x3: {  	s9 =	simm.s32 $0x6;
	s11 =	simm.s32 $0x28;
	s12 =	simm.s32 $0x4E20  }
0x4: {  	s13 =	simm.s32 $0xB220;
	s18 =	simm.s32 $0x6220;
	s20 =	simm.s32 $0xC620  }
0x5: {  	s29 =	simm.s32 $0xDA20;
	s15 =	simm.s32 $0x8A20;
	s17 =	simm.s32 $0xEE20  }
0x6: {  	s25 =	simm.s32 $0x9E20;
	s30 =	simm.s32 $0x10220;
	s14 =	simm.s32 $0x10C20  }
0x7: {  	s16 =	simm.s32 $0x1;
	s19 =	simm.s32 $0x2;
	s21 =	simm.s32 $0x3  }
0x8: {  	s22 =	simm.s32 $0x4;
	s1 =	sand.u32 $0x1, s1;
	s3 =	sshll.u32 s2, $0x1  }
0x9: {  	s2 =	simm.s32 $0x0;
	s4 =	sadd.s32 $0x800, s0;
	s3 =	sor.u32 s1, s3  }
0xa: {  	[smem:$0x7FF] =	sst s2;
	s1 =	ssub.s32 $0x2, s1;
	s6 =	smul.u32 $0x4E2, s3  }
0xb: {  	_ =	strace $0x80000047;
	s3 =	sadd.s32 $0x62400, s0;
	s7 =	sshrl.u32 s1, $0x1  }
.Ltmp0:
0xc: {  	s1 =	ssub.s32 s1, s7;
	s5 =	sadd.s32 s5, s6;
	(pc) =	sbr.rel .LBB2_1-.Ltmp0, $4  }
0xd: {  	s0 =	sadd.s32 s6, s0;
	s31 =	smax.u32 s1, $0x1;
	[dreg:$0x3] =	wrdreg s5  }
0xe: {  	s23 =	simm.s32 $0x5;
	s26 =	sadd.s32 $0xC4000, s0;
	[dreg:$0x6] =	wrdreg s31  }
0xf: {  	v0 =	vlaneseq.u32;
	s28 =	simm.s32 $0x0;
	s0 =	sadd.s32 $0xCDE00, s0;
	[dreg:$0x4] =	wrdreg s26  }
0x10: {  	v0 =	vmul.u32 $0x40, v0;
	s1 =	simm.s32 $0xA820;
	[dreg:$0x5] =	wrdreg s0;
	s26 =	simm.s32 $0x7620  }
.LBB2_24:
0x11: {  	s0 =	rddreg [dreg:$0x5];
	s5 =	simm.s32 $0x11620  }
0x12: {  	[hbm4b:s0+s2] =	stream.linear.scatter [tilespmem:s5], [sflag:$0x6], $0x2710, $0x38;
	[tilespmem:$0x13D30] =	vst v63  }
0x13: {  	_ =	swait.ge [sflag:s9], $0x2710  }
0x14: {  	s28 =	sadd.s32 $0x1, s28;
	s31 =	rddreg [dreg:$0x6]  }
0x15: {  	p0 =	sne.s32 s28, s31  }
.Ltmp1:
0x16: {  	_ = 	snop;
	(pc) =	sbr.rel @!p0 .LBB2_25-.Ltmp1, $3  }
0x17: {  	_ =	sdelay $0x1  }
0x18: {  	[sflag:s9] =	ssyncset.done $0x0  }
0x19: {  	[sflag:s9] =	ssyncadd.s32 $0xFFFFD8F0  }
.LBB2_1:
0x1a: {  	s0 =	rddreg [dreg:$0x3]  }
0x1b: {  	[tilespmem:s2], [sflag:$0x6] =	stream.linear.gather [hbm4b:s0+s2], $0x2710, $0x38;
	[tilespmem:$0x13D30] =	vst v63  }
0x1c: {  	_ =	swait.ge [sflag:s9], $0x2710  }
0x1d: {  	[sflag:s9] =	ssyncset.done $0x0  }
0x1e: {  	s5 =	simm.s32 $0x2710;
	s10 =	rddreg [dreg:$0x4];
	[sflag:s9] =	ssyncadd.s32 $0xFFFFD8F0  }
0x1f: {  	[tilespmem:s5], [sflag:$0x6] =	stream.linear.gather [hbm4b:s10+s2], $0x2710, $0x38;
	[tilespmem:$0x13D30] =	vst v63  }
0x20: {  	_ =	swait.ge [sflag:s9], $0x2710  }
0x21: {  	[sflag:s9] =	ssyncset.done $0x0  }
0x22: {  	[sflag:s9] =	ssyncadd.s32 $0xFFFFD8F0  }
0x23: {  	[tilespmem:s12], [sflag:$0x1] =	stream.indirect.gather [hbm4b:s3+s11], $0x40, s2, s11, $0xb8;
	[tilespmem:$0x13D30] =	vst v63  }
0x24: {  	_ = 	snop  }
0x25: {  	[tilespmem:s13], [sflag:$0x1] =	stream.indirect.gather [hbm4b:s4+s11], $0x40, s5, s11, $0xb8;
	[tilespmem:$0x13D30] =	vst v63  }
0x26: {  	s24 =	simm.s32 $0x5820  }
0x27: {  	[tilespmem:s24], [sflag:$0x1] =	stream.indirect.gather [hbm4b:s3+s11], $0x40, s11, s11, $0xb8;
	[tilespmem:$0x13D30] =	vst v63  }
0x28: {  	s6 =	simm.s32 $0xBC20;
	s5 =	simm.s32 $0x2738  }
0x29: {  	[tilespmem:s6], [sflag:$0x1] =	stream.indirect.gather [hbm4b:s4+s11], $0x40, s5, s11, $0xb8;
	[tilespmem:$0x13D30] =	vst v63  }
0x2a: {  	s7 =	simm.s32 $0x50  }
0x2b: {  	[tilespmem:s18], [sflag:$0x2] =	stream.indirect.gather [hbm4b:s3+s11], $0x40, s7, s11, $0xb8;
	[tilespmem:$0x13D30] =	vst v63  }
0x2c: {  	s8 =	simm.s32 $0x2760  }
0x2d: {  	[tilespmem:s20], [sflag:$0x2] =	stream.indirect.gather [hbm4b:s4+s11], $0x40, s8, s11, $0xb8;
	[tilespmem:$0x13D30] =	vst v63  }
0x2e: {  	s10 =	simm.s32 $0x78;
	s24 =	simm.s32 $0x6C20  }
0x2f: {  	[tilespmem:s24], [sflag:$0x2] =	stream.indirect.gather [hbm4b:s3+s11], $0x40, s10, s11, $0xb8;
	[tilespmem:$0x13D30] =	vst v63  }
0x30: {  	s5 =	simm.s32 $0x2788;
	s6 =	simm.s32 $0xD020  }
0x31: {  	[tilespmem:s6], [sflag:$0x2] =	stream.indirect.gather [hbm4b:s4+s11], $0x40, s5, s11, $0xb8;
	[tilespmem:$0x13D30] =	vst v63  }
0x32: {  	s7 =	simm.s32 $0xA0  }
0x33: {  	[tilespmem:s26], [sflag:$0x3] =	stream.indirect.gather [hbm4b:s3+s11], $0x40, s7, s11, $0xb8;
	[tilespmem:$0x13D30] =	vst v63  }
0x34: {  	s8 =	simm.s32 $0x27B0  }
0x35: {  	[tilespmem:s29], [sflag:$0x3] =	stream.indirect.gather [hbm4b:s4+s11], $0x40, s8, s11, $0xb8;
	[tilespmem:$0x13D30] =	vst v63  }
0x36: {  	s10 =	simm.s32 $0xC8;
	s24 =	simm.s32 $0x8020  }
0x37: {  	[tilespmem:s24], [sflag:$0x3] =	stream.indirect.gather [hbm4b:s3+s11], $0x40, s10, s11, $0xb8;
	[tilespmem:$0x13D30] =	vst v63  }
0x38: {  	s5 =	simm.s32 $0x27D8;
	s6 =	simm.s32 $0xE420  }
0x39: {  	[tilespmem:s6], [sflag:$0x3] =	stream.indirect.gather [hbm4b:s4+s11], $0x40, s5, s11, $0xb8;
	[tilespmem:$0x13D30] =	vst v63  }
0x3a: {  	s7 =	simm.s32 $0xF0  }
0x3b: {  	[tilespmem:s15], [sflag:$0x4] =	stream.indirect.gather [hbm4b:s3+s11], $0x40, s7, s11, $0xb8;
	[tilespmem:$0x13D30] =	vst v63  }
0x3c: {  	s8 =	simm.s32 $0x2800  }
0x3d: {  	[tilespmem:s17], [sflag:$0x4] =	stream.indirect.gather [hbm4b:s4+s11], $0x40, s8, s11, $0xb8;
	[tilespmem:$0x13D30] =	vst v63  }
0x3e: {  	s10 =	simm.s32 $0x118;
	s24 =	simm.s32 $0x9420  }
0x3f: {  	[tilespmem:s24], [sflag:$0x4] =	stream.indirect.gather [hbm4b:s3+s11], $0x40, s10, s11, $0xb8;
	[tilespmem:$0x13D30] =	vst v63  }
0x40: {  	s5 =	simm.s32 $0x2828;
	s6 =	simm.s32 $0xF820  }
0x41: {  	[tilespmem:s6], [sflag:$0x4] =	stream.indirect.gather [hbm4b:s4+s11], $0x40, s5, s11, $0xb8;
	[tilespmem:$0x13D30] =	vst v63  }
0x42: {  	s7 =	simm.s32 $0x140  }
0x43: {  	[tilespmem:s25], [sflag:$0x5] =	stream.indirect.gather [hbm4b:s3+s11], $0x40, s7, s11, $0xb8;
	[tilespmem:$0x13D30] =	vst v63  }
0x44: {  	s8 =	simm.s32 $0x2850  }
0x45: {  	[tilespmem:s30], [sflag:$0x5] =	stream.indirect.gather [hbm4b:s4+s11], $0x40, s8, s11, $0xb8;
	[tilespmem:$0x13D30] =	vst v63  }
0x46: {  	s10 =	simm.s32 $0x168  }
0x47: {  	[tilespmem:s1], [sflag:$0x5] =	stream.indirect.gather [hbm4b:s3+s11], $0x40, s10, s11, $0xb8;
	[tilespmem:$0x13D30] =	vst v63  }
0x48: {  	s31 =	simm.s32 $0x0;
	s24 =	simm.s32 $0x2878  }
0x49: {  	[tilespmem:s14], [sflag:$0x5] =	stream.indirect.gather [hbm4b:s4+s11], $0x40, s24, s11, $0xb8;
	[tilespmem:$0x13D30] =	vst v63  }
.LBB2_2:
0x4a: {  	_ =	swait.ge [sflag:s16], $0xA00  }
0x4b: {  	[sflag:s16] =	ssyncset.done $0x0  }
0x4c: {  	[sflag:s16] =	ssyncadd.s32 $0xFFFFF600  }
0x4d: {  	_ =	swait.ge [sflag:s16], $0xA00  }
0x4e: {  	[sflag:s16] =	ssyncset.done $0x0  }
0x4f: {  	[sflag:s16] =	ssyncadd.s32 $0xFFFFF600  }
0x50: {  	_ =	swait.ge [sflag:s16], $0xA00  }
0x51: {  	s0 =	smul.u32 $0x640, s31;
	[sflag:s16] =	ssyncset.done $0x0  }
0x52: {  	[sflag:s16] =	ssyncadd.s32 $0xFFFFF600  }
0x53: {  	s0 =	sshra.s32 s0, $0x2;
	_ =	swait.ge [sflag:s16], $0xA00  }
0x54: {  	s5 =	sadd.s32 $0x11620, s0;
	[sflag:s16] =	ssyncset.done $0x0  }
0x55: {  	s24 =	simm.s32 $0x0;
	s10 =	simm.s32 $0x0;
	v1 =	vmov s5;
	[sflag:s16] =	ssyncadd.s32 $0xFFFFF600  }
.LBB2_3:
0x56: {  	s5 =	sshll.u32 s10, $0x4  }
0x57: {  	v2 =	vmov s5  }
0x58: {  	v2 =	vshll.u32 v2, $0x6  }
0x59: {  	v3 =	vor.u32 v0, v2  }
0x5a: {  	v2 =	vadd.s32 s24, v3;
	_ =	sdelay $0x1  }
0x5b: {  	v5 =	vor.u32 $0x2, v2  }
0x5c: {  	v4 =	vor.u32 $0x3, v2;
	_ =	sdelay $0x1  }
0x5d: {  	v6 =	vor.u32 $0x4, v2;
	v7 =	vld.idx.msk [tilespmem:v2+s12+$0x0], $0xffff  }
0x5e: {  	v16 =	vld.idx.msk [tilespmem:v2+s13+$0x0], $0xffff  }
0x5f: {  	v8 =	vld.idx.msk [tilespmem:v5+s12+$0x0], $0xffff  }
0x60: {  	v9 =	vor.u32 $0x1, v2;
	v11 =	vld.idx.msk [tilespmem:v4+s13+$0x0], $0xffff  }
0x61: {  	v13 =	vor.u32 $0x5, v2;
	v12 =	vld.idx.msk [tilespmem:v4+s12+$0x0], $0xffff  }
0x62: {  	v4 =	vld.idx.msk [tilespmem:v6+s13+$0x0], $0xffff  }
0x63: {  	v6 =	vld.idx.msk [tilespmem:v6+s12+$0x0], $0xffff  }
0x64: {  	v5 =	vld.idx.msk [tilespmem:v5+s13+$0x0], $0xffff  }
0x65: {  	v30 =	vimm.f32 $0.0e+00;
	v20 =	vor.u32 $0x6, v2;
	v21 =	vld.idx.msk [tilespmem:v9+s12+$0x0], $0xffff  }
0x66: {  	v22 =	vor.u32 $0x7, v2;
	v14 =	vld.idx.msk [tilespmem:v13+s12+$0x0], $0xffff;
	v10 =	vshll.u32 v7, $0x10;
	v7 =	vand.u32 $0xFFFF0000, v7  }
0x67: {  	v31 =	vld.idx.msk [tilespmem:v13+s13+$0x0], $0xffff;
	v18 =	vand.u32 $0xFFFF0000, v16;
	v2 =	vshll.u32 v8, $0x10;
	v8 =	vand.u32 $0xFFFF0000, v8  }
0x68: {  	v17 =	vand.u32 $0xFFFF0000, v4;
	v13 =	vshll.u32 v6, $0x10;
	v19 =	vand.u32 $0xFFFF0000, v6  }
0x69: {  	v35 =	vld.idx.msk [tilespmem:v9+s13+$0x0], $0xffff;
	v15 =	vand.u32 $0xFFFF0000, v5;
	v6 =	vshll.u32 v12, $0x10;
	v9 =	vshll.u32 v5, $0x10  }
0x6a: {  	v5 =	vshll.u32 v11, $0x10;
	v12 =	vand.u32 $0xFFFF0000, v12;
	v11 =	vand.u32 $0xFFFF0000, v11  }
0x6b: {  	v24 =	vshll.u32 v21, $0x10;
	v32 =	vmul.f32 v18, v7;
	v33 =	vshll.u32 v14, $0x10  }
0x6c: {  	s6 =	simm.s32 $0x8;
	v34 =	vshll.u32 v31, $0x10;
	v18 =	vld.idx.msk [tilespmem:v22+s13+$0x0], $0xffff;
	v25 =	vand.u32 $0xFFFF0000, v21;
	v5 =	vmul.f32 v5, v6  }
0x6d: {  	v23 =	vld.idx.msk [tilespmem:v20+s12+$0x0], $0xffff;
	v6 =	vmul.f32 v11, v12;
	v12 =	vand.u32 $0xFFFF0000, v14;
	v14 =	vadd.s32 s6, v3  }
0x6e: {  	v26 =	vand.u32 $0xFFFF0000, v35;
	v35 =	vshll.u32 v35, $0x10;
	v21 =	vor.u32 $0x2, v14  }
0x6f: {  	v27 =	vld.idx.msk [tilespmem:v20+s13+$0x0], $0xffff;
	v20 =	vand.u32 $0xFFFF0000, v31;
	v31 =	vimm.f32 $0.0e+00;
	v28 =	vor.u32 $0x3, v14  }
0x70: {  	v22 =	vld.idx.msk [tilespmem:v22+s12+$0x0], $0xffff;
	s6 =	simm.s32 $0x10;
	v11 =	vor.u32 $0x1, v14;
	v29 =	vor.u32 $0x4, v14;
	v7 =	vor.u32 $0x5, v14  }
.LBB2_4:
0x71: {  	p0 =	sne.s32 s6, $0x38;
	v30 =	vadd.f32 v32, v30;
	v32 =	vmul.f32 v34, v33;
	v33 =	vshll.u32 v18, $0x10;
	s7 =	smov.u32 s6;
	s6 =	sadd.s32 $0x8, s6  }
0x72: {  	v36 =	vor.u32 $0x6, v14;
	v16 =	vshll.u32 v16, $0x10;
	v37 =	vshll.u32 v23, $0x10;
	v34 =	vld.idx.msk [tilespmem:v14+s12+$0x0], $0xffff  }
0x73: {  	v39 =	vmul.f32 v17, v19;
	v10 =	vmul.f32 v16, v10;
	v16 =	vand.u32 $0xFFFF0000, v18;
	v38 =	vld.idx.msk [tilespmem:v21+s12+$0x0], $0xffff  }
0x74: {  	v17 =	vmul.f32 v35, v24;
	v4 =	vshll.u32 v4, $0x10;
	v18 =	vand.u32 $0xFFFF0000, v27;
	v40 =	vld.idx.msk [tilespmem:v28+s13+$0x0], $0xffff  }
0x75: {  	v41 =	vor.u32 $0x7, v14;
	v19 =	vadd.f32 v10, v31;
	v24 =	vld.idx.msk [tilespmem:v28+s12+$0x0], $0xffff;
	v28 =	vmul.f32 v4, v13  }
0x76: {  	v13 =	vmul.f32 v15, v8;
	v8 =	vand.u32 $0xFFFF0000, v23;
	v15 =	vand.u32 $0xFFFF0000, v22;
	v4 =	vld.idx.msk [tilespmem:v29+s13+$0x0], $0xffff  }
0x77: {  	v25 =	vmul.f32 v26, v25;
	v26 =	vshll.u32 v27, $0x10;
	v27 =	vmul.f32 v18, v8;
	v23 =	vld.idx.msk [tilespmem:v29+s12+$0x0], $0xffff  }
0x78: {  	v8 =	vmul.f32 v9, v2;
	v10 =	vshll.u32 v34, $0x10;
	v29 =	vand.u32 $0xFFFF0000, v34;
	v21 =	vld.idx.msk [tilespmem:v21+s13+$0x0], $0xffff  }
0x79: {  	v26 =	vmul.f32 v26, v37;
	v9 =	vadd.f32 v17, v19;
	v2 =	vshll.u32 v38, $0x10;
	v35 =	vld.idx.msk [tilespmem:v11+s13+$0x0], $0xffff  }
0x7a: {  	v19 =	vadd.f32 v25, v30;
	v17 =	vshll.u32 v22, $0x10;
	v22 =	vmul.f32 v16, v15;
	v18 =	vld.idx.msk [tilespmem:v41+s13+$0x0], $0xffff  }
0x7b: {  	v12 =	vmul.f32 v20, v12;
	v20 =	vmul.f32 v33, v17;
	v9 =	vadd.f32 v8, v9;
	v16 =	vld.idx.msk [tilespmem:v14+s13+$0x0], $0xffff  }
0x7c: {  	v8 =	vand.u32 $0xFFFF0000, v38;
	v17 =	vand.u32 $0xFFFF0000, v4;
	v14 =	vadd.f32 v13, v19;
	v11 =	vld.idx.msk [tilespmem:v11+s12+$0x0], $0xffff  }
0x7d: {  	v5 =	vadd.f32 v5, v9;
	v13 =	vshll.u32 v23, $0x10;
	v19 =	vand.u32 $0xFFFF0000, v23;
	v23 =	vld.idx.msk [tilespmem:v7+s12+$0x0], $0xffff  }
0x7e: {  	v25 =	vshll.u32 v24, $0x10;
	v15 =	vand.u32 $0xFFFF0000, v21;
	v6 =	vadd.f32 v6, v14;
	v37 =	vld.idx.msk [tilespmem:v7+s13+$0x0], $0xffff  }
0x7f: {  	v9 =	vshll.u32 v21, $0x10;
	v14 =	vadd.f32 v28, v5;
	v7 =	vshll.u32 v40, $0x10  }
0x80: {  	v21 =	vand.u32 $0xFFFF0000, v24;
	v28 =	vand.u32 $0xFFFF0000, v40;
	v30 =	vadd.f32 v39, v6  }
0x81: {  	v5 =	vmul.f32 v7, v25;
	v7 =	vadd.f32 v32, v14;
	v31 =	vand.u32 $0xFFFF0000, v16  }
0x82: {  	v6 =	vmul.f32 v28, v21;
	v24 =	vshll.u32 v11, $0x10;
	v14 =	vadd.f32 v12, v30  }
0x83: {  	v32 =	vmul.f32 v31, v29;
	v7 =	vadd.f32 v26, v7;
	v33 =	vshll.u32 v23, $0x10  }
.Ltmp2:
0x84: {  	v12 =	vand.u32 $0xFFFF0000, v23;
	v34 =	vshll.u32 v37, $0x10;
	v30 =	vadd.f32 v27, v14;
	v23 =	vld.idx.msk [tilespmem:v36+s12+$0x0], $0xffff;
	(pc) =	sbr.rel @p0 .LBB2_4-.Ltmp2, $4  }
0x85: {  	v25 =	vand.u32 $0xFFFF0000, v11;
	v26 =	vand.u32 $0xFFFF0000, v35;
	v14 =	vadd.s32 s7, v3  }
0x86: {  	v31 =	vadd.f32 v20, v7;
	v11 =	vor.u32 $0x1, v14;
	v21 =	vor.u32 $0x2, v14;
	v27 =	vld.idx.msk [tilespmem:v36+s13+$0x0], $0xffff  }
0x87: {  	v28 =	vor.u32 $0x3, v14;
	v29 =	vor.u32 $0x4, v14;
	v30 =	vadd.f32 v22, v30  }
0x88: {  	v35 =	vshll.u32 v35, $0x10;
	v20 =	vand.u32 $0xFFFF0000, v37;
	v7 =	vor.u32 $0x5, v14;
	v22 =	vld.idx.msk [tilespmem:v41+s12+$0x0], $0xffff  }
0x89: {  	v3 =	vadd.f32 v32, v30  }
0x8a: {  	v44 =	vmul.f32 v34, v33;
	v45 =	vshll.u32 v18, $0x10;
	v16 =	vshll.u32 v16, $0x10  }
0x8b: {  	v33 =	vor.u32 $0x6, v14;
	v46 =	vshll.u32 v23, $0x10;
	v17 =	vmul.f32 v17, v19  }
0x8c: {  	v48 =	vand.u32 $0xFFFF0000, v18;
	v49 =	vmul.f32 v35, v24;
	v4 =	vshll.u32 v4, $0x10  }
0x8d: {  	v47 =	vld.idx.msk [tilespmem:v14+s12+$0x0], $0xffff;
	v36 =	vor.u32 $0x7, v14;
	v52 =	vmul.f32 v26, v25;
	v10 =	vmul.f32 v16, v10  }
0x8e: {  	v50 =	vld.idx.msk [tilespmem:v21+s12+$0x0], $0xffff;
	v8 =	vmul.f32 v15, v8;
	v53 =	vand.u32 $0xFFFF0000, v23;
	v2 =	vmul.f32 v9, v2  }
0x8f: {  	v25 =	vld.idx.msk [tilespmem:v29+s13+$0x0], $0xffff;
	v12 =	vmul.f32 v20, v12;
	v4 =	vmul.f32 v4, v13;
	v10 =	vadd.f32 v10, v31  }
0x90: {  	v56 =	vld.idx.msk [tilespmem:v29+s12+$0x0], $0xffff;
	v51 =	vand.u32 $0xFFFF0000, v27;
	v55 =	vshll.u32 v27, $0x10;
	v3 =	vadd.f32 v52, v3  }
0x91: {  	v60 =	vld.idx.msk [tilespmem:v21+s13+$0x0], $0xffff;
	v15 =	vmul.f32 v51, v53;
	v63 =	vmul.f32 v55, v46;
	v58 =	vadd.f32 v49, v10  }
0x92: {  	v62 =	vld.idx.msk [tilespmem:v28+s12+$0x0], $0xffff;
	v54 =	vand.u32 $0xFFFF0000, v22;
	v3 =	vadd.f32 v8, v3;
	v26 =	vshll.u32 v22, $0x10  }
0x93: {  	v28 =	vld.idx.msk [tilespmem:v28+s13+$0x0], $0xffff;
	v57 =	vshll.u32 v47, $0x10;
	v59 =	vand.u32 $0xFFFF0000, v47;
	v2 =	vadd.f32 v2, v58  }
0x94: {  	v29 =	vld.idx.msk [tilespmem:v14+s13+$0x0], $0xffff;
	v61 =	vshll.u32 v50, $0x10;
	v18 =	vmul.f32 v48, v54;
	v31 =	vmul.f32 v45, v26  }
0x95: {  	v40 =	vld.idx.msk [tilespmem:v11+s13+$0x0], $0xffff;
	v32 =	vand.u32 $0xFFFF0000, v50;
	v3 =	vadd.f32 v6, v3;
	v2 =	vadd.f32 v5, v2  }
0x96: {  	v35 =	vand.u32 $0xFFFF0000, v25;
	v37 =	vshll.u32 v56, $0x10;
	v13 =	vand.u32 $0xFFFF0000, v56  }
0x97: {  	v38 =	vand.u32 $0xFFFF0000, v60;
	v3 =	vadd.f32 v17, v3;
	v2 =	vadd.f32 v4, v2  }
0x98: {  	v34 =	vld.idx.msk [tilespmem:v11+s12+$0x0], $0xffff;
	v39 =	vshll.u32 v62, $0x10;
	v16 =	vshll.u32 v60, $0x10;
	v41 =	vshll.u32 v28, $0x10  }
0x99: {  	v8 =	vand.u32 $0xFFFF0000, v62;
	v3 =	vadd.f32 v12, v3;
	v2 =	vadd.f32 v44, v2  }
0x9a: {  	v9 =	vand.u32 $0xFFFF0000, v28;
	v42 =	vand.u32 $0xFFFF0000, v29;
	v46 =	vand.u32 $0xFFFF0000, v40  }
0x9b: {  	v43 =	vld.idx.msk [tilespmem:v7+s12+$0x0], $0xffff;
	v6 =	vshll.u32 v29, $0x10;
	v3 =	vadd.f32 v15, v3;
	v2 =	vadd.f32 v63, v2  }
0x9c: {  	v11 =	vshll.u32 v40, $0x10;
	v10 =	vmul.f32 v42, v59;
	v6 =	vmul.f32 v6, v57  }
0x9d: {  	v5 =	vand.u32 $0xFFFF0000, v34;
	v3 =	vadd.f32 v18, v3;
	v2 =	vadd.f32 v31, v2  }
0x9e: {  	v45 =	vld.idx.msk [tilespmem:v7+s13+$0x0], $0xffff;
	v8 =	vmul.f32 v9, v8;
	v5 =	vmul.f32 v46, v5;
	v44 =	vshll.u32 v34, $0x10  }
0x9f: {  	v47 =	vld.idx.msk [tilespmem:v33+s12+$0x0], $0xffff;
	v11 =	vmul.f32 v11, v44;
	v3 =	vadd.f32 v10, v3;
	v2 =	vadd.f32 v6, v2  }
0xa0: {  	v48 =	vld.idx.msk [tilespmem:v36+s13+$0x0], $0xffff;
	v49 =	vshll.u32 v43, $0x10;
	v50 =	vmul.f32 v38, v32;
	v16 =	vmul.f32 v16, v61  }
0xa1: {  	v51 =	vld.idx.msk [tilespmem:v33+s13+$0x0], $0xffff;
	v57 =	vshll.u32 v25, $0x10;
	v3 =	vadd.f32 v5, v3;
	v2 =	vadd.f32 v11, v2  }
0xa2: {  	v53 =	vand.u32 $0xFFFF0000, v43;
	v56 =	vmul.f32 v35, v13;
	v13 =	vmul.f32 v57, v37  }
0xa3: {  	v54 =	vld.idx.msk [tilespmem:v36+s12+$0x0], $0xffff;
	v4 =	vmul.f32 v41, v39;
	v3 =	vadd.f32 v50, v3;
	v2 =	vadd.f32 v16, v2  }
0xa4: {  	v52 =	vshll.u32 v45, $0x10;
	v7 =	vand.u32 $0xFFFF0000, v45;
	v55 =	vshll.u32 v47, $0x10  }
0xa5: {  	v58 =	vand.u32 $0xFFFF0000, v48;
	v3 =	vadd.f32 v8, v3;
	v2 =	vadd.f32 v4, v2  }
0xa6: {  	v59 =	vand.u32 $0xFFFF0000, v51;
	v61 =	vshll.u32 v51, $0x10;
	v7 =	vmul.f32 v7, v53  }
0xa7: {  	v5 =	vmul.f32 v52, v49;
	v3 =	vadd.f32 v56, v3;
	v2 =	vadd.f32 v13, v2  }
0xa8: {  	v60 =	vand.u32 $0xFFFF0000, v54;
	v9 =	vmul.f32 v61, v55;
	v10 =	vand.u32 $0xFFFF0000, v47  }
0xa9: {  	v8 =	vmul.f32 v59, v10;
	v3 =	vadd.f32 v7, v3;
	v2 =	vadd.f32 v5, v2  }
0xaa: {  	v62 =	vshll.u32 v48, $0x10;
	v63 =	vshll.u32 v54, $0x10;
	v4 =	vmul.f32 v58, v60  }
0xab: {  	s10 =	sadd.s32 $0x1, s10;
	v3 =	vadd.f32 v8, v3;
	v5 =	vmul.f32 v62, v63;
	v2 =	vadd.f32 v9, v2  }
0xac: {  	p0 =	sne.s32 s10, $0x5  }
.Ltmp3:
0xad: {  	v3 =	vadd.f32 v4, v3;
	v2 =	vadd.f32 v5, v2;
	(pc) =	sbr.rel @p0 .LBB2_3-.Ltmp3, $3  }
0xae: {  	_ = 	snop  }
0xaf: {  	v2 =	vadd.f32 v3, v2;
	_ =	sdelay $0x1  }
0xb0: {  	[tilespmem:v1+s5+$0x0 ss:$0x1] =	vst.idx.msk $0xffff, v2  }
0xb1: {  	p0 =	seq.s32 s31, $0x18  }
0xb2: {  	s24 =	smul.u32 @!p0 $0x190, s31;
	_ =	sdelay $0x1  }
0xb3: {  	s6 =	simm.s32 @!p0 $0x28;
	s7 =	simm.s32 @!p0 $0x4E20;
	s5 =	sadd.s32 @!p0 $0x190, s24  }
0xb4: {  	[tilespmem:s7], [sflag:$0x1] =	stream.indirect.gather @!p0 [hbm4b:s3+s6], $0x40, s5, s6, $0xb8;
	[tilespmem:$0x13D30] =	vst v63  }
0xb5: {  	s5 =	sadd.s32 @!p0 $0x28A0, s24;
	s7 =	simm.s32 @!p0 $0xB220  }
0xb6: {  	[tilespmem:s7], [sflag:$0x1] =	stream.indirect.gather @!p0 [hbm4b:s4+s6], $0x40, s5, s6, $0xb8;
	[tilespmem:$0x13D30] =	vst v63  }
0xb7: {  	s5 =	sadd.s32 @!p0 $0x1B8, s24;
	s7 =	simm.s32 @!p0 $0x5820  }
0xb8: {  	[tilespmem:s7], [sflag:$0x1] =	stream.indirect.gather @!p0 [hbm4b:s3+s6], $0x40, s5, s6, $0xb8;
	[tilespmem:$0x13D30] =	vst v63  }
0xb9: {  	s5 =	sadd.s32 @!p0 $0x28C8, s24;
	s7 =	simm.s32 @!p0 $0xBC20  }
0xba: {  	[tilespmem:s7], [sflag:$0x1] =	stream.indirect.gather @!p0 [hbm4b:s4+s6], $0x40, s5, s6, $0xb8;
	[tilespmem:$0x13D30] =	vst v63  }
0xbb: {  	_ =	swait.ge [sflag:s19], $0xA00  }
0xbc: {  	[sflag:s19] =	ssyncset.done $0x0  }
0xbd: {  	[sflag:s19] =	ssyncadd.s32 $0xFFFFF600  }
0xbe: {  	_ =	swait.ge [sflag:s19], $0xA00  }
0xbf: {  	[sflag:s19] =	ssyncset.done $0x0  }
0xc0: {  	[sflag:s19] =	ssyncadd.s32 $0xFFFFF600  }
0xc1: {  	_ =	swait.ge [sflag:s19], $0xA00  }
0xc2: {  	[sflag:s19] =	ssyncset.done $0x0  }
0xc3: {  	[sflag:s19] =	ssyncadd.s32 $0xFFFFF600  }
0xc4: {  	_ =	swait.ge [sflag:s19], $0xA00  }
0xc5: {  	s8 =	sadd.s32 $0x11670, s0;
	[sflag:s19] =	ssyncset.done $0x0  }
0xc6: {  	s10 =	simm.s32 $0x0;
	v1 =	vmov s8;
	s5 =	simm.s32 $0x0;
	[sflag:s19] =	ssyncadd.s32 $0xFFFFF600  }
.LBB2_7:
0xc7: {  	s6 =	sshll.u32 s5, $0x4  }
0xc8: {  	v2 =	vmov s6  }
0xc9: {  	v2 =	vshll.u32 v2, $0x6  }
0xca: {  	v3 =	vor.u32 v0, v2  }
0xcb: {  	v2 =	vadd.s32 s10, v3;
	_ =	sdelay $0x1  }
0xcc: {  	v5 =	vor.u32 $0x2, v2  }
0xcd: {  	v4 =	vor.u32 $0x3, v2;
	_ =	sdelay $0x1  }
0xce: {  	v6 =	vor.u32 $0x4, v2;
	v7 =	vld.idx.msk [tilespmem:v2+s18+$0x0], $0xffff  }
0xcf: {  	v16 =	vld.idx.msk [tilespmem:v2+s20+$0x0], $0xffff  }
0xd0: {  	v8 =	vld.idx.msk [tilespmem:v5+s18+$0x0], $0xffff  }
0xd1: {  	v9 =	vor.u32 $0x1, v2;
	v11 =	vld.idx.msk [tilespmem:v4+s20+$0x0], $0xffff  }
0xd2: {  	v13 =	vor.u32 $0x5, v2;
	v12 =	vld.idx.msk [tilespmem:v4+s18+$0x0], $0xffff  }
0xd3: {  	v4 =	vld.idx.msk [tilespmem:v6+s20+$0x0], $0xffff  }
0xd4: {  	v6 =	vld.idx.msk [tilespmem:v6+s18+$0x0], $0xffff  }
0xd5: {  	v5 =	vld.idx.msk [tilespmem:v5+s20+$0x0], $0xffff  }
0xd6: {  	v30 =	vimm.f32 $0.0e+00;
	v20 =	vor.u32 $0x6, v2;
	v21 =	vld.idx.msk [tilespmem:v9+s18+$0x0], $0xffff  }
0xd7: {  	v22 =	vor.u32 $0x7, v2;
	v14 =	vld.idx.msk [tilespmem:v13+s18+$0x0], $0xffff;
	v10 =	vshll.u32 v7, $0x10;
	v7 =	vand.u32 $0xFFFF0000, v7  }
0xd8: {  	v31 =	vld.idx.msk [tilespmem:v13+s20+$0x0], $0xffff;
	v18 =	vand.u32 $0xFFFF0000, v16;
	v2 =	vshll.u32 v8, $0x10;
	v8 =	vand.u32 $0xFFFF0000, v8  }
0xd9: {  	v17 =	vand.u32 $0xFFFF0000, v4;
	v13 =	vshll.u32 v6, $0x10;
	v19 =	vand.u32 $0xFFFF0000, v6  }
0xda: {  	v35 =	vld.idx.msk [tilespmem:v9+s20+$0x0], $0xffff;
	v15 =	vand.u32 $0xFFFF0000, v5;
	v6 =	vshll.u32 v12, $0x10;
	v9 =	vshll.u32 v5, $0x10  }
0xdb: {  	v5 =	vshll.u32 v11, $0x10;
	v12 =	vand.u32 $0xFFFF0000, v12;
	v11 =	vand.u32 $0xFFFF0000, v11  }
0xdc: {  	v24 =	vshll.u32 v21, $0x10;
	v32 =	vmul.f32 v18, v7;
	v33 =	vshll.u32 v14, $0x10  }
0xdd: {  	s7 =	simm.s32 $0x8;
	v34 =	vshll.u32 v31, $0x10;
	v18 =	vld.idx.msk [tilespmem:v22+s20+$0x0], $0xffff;
	v25 =	vand.u32 $0xFFFF0000, v21;
	v5 =	vmul.f32 v5, v6  }
0xde: {  	v23 =	vld.idx.msk [tilespmem:v20+s18+$0x0], $0xffff;
	v6 =	vmul.f32 v11, v12;
	v12 =	vand.u32 $0xFFFF0000, v14;
	v14 =	vadd.s32 s7, v3  }
0xdf: {  	v26 =	vand.u32 $0xFFFF0000, v35;
	v35 =	vshll.u32 v35, $0x10;
	v21 =	vor.u32 $0x2, v14  }
0xe0: {  	v27 =	vld.idx.msk [tilespmem:v20+s20+$0x0], $0xffff;
	v20 =	vand.u32 $0xFFFF0000, v31;
	v31 =	vimm.f32 $0.0e+00;
	v28 =	vor.u32 $0x3, v14  }
0xe1: {  	v22 =	vld.idx.msk [tilespmem:v22+s18+$0x0], $0xffff;
	s7 =	simm.s32 $0x10;
	v11 =	vor.u32 $0x1, v14;
	v29 =	vor.u32 $0x4, v14;
	v7 =	vor.u32 $0x5, v14  }
.LBB2_8:
0xe2: {  	p1 =	sne.s32 s7, $0x38;
	v30 =	vadd.f32 v32, v30;
	v32 =	vmul.f32 v34, v33;
	v33 =	vshll.u32 v18, $0x10;
	s8 =	smov.u32 s7;
	s7 =	sadd.s32 $0x8, s7  }
0xe3: {  	v36 =	vor.u32 $0x6, v14;
	v16 =	vshll.u32 v16, $0x10;
	v37 =	vshll.u32 v23, $0x10;
	v34 =	vld.idx.msk [tilespmem:v14+s18+$0x0], $0xffff  }
0xe4: {  	v39 =	vmul.f32 v17, v19;
	v10 =	vmul.f32 v16, v10;
	v16 =	vand.u32 $0xFFFF0000, v18;
	v38 =	vld.idx.msk [tilespmem:v21+s18+$0x0], $0xffff  }
0xe5: {  	v17 =	vmul.f32 v35, v24;
	v4 =	vshll.u32 v4, $0x10;
	v18 =	vand.u32 $0xFFFF0000, v27;
	v40 =	vld.idx.msk [tilespmem:v28+s20+$0x0], $0xffff  }
0xe6: {  	v41 =	vor.u32 $0x7, v14;
	v19 =	vadd.f32 v10, v31;
	v24 =	vld.idx.msk [tilespmem:v28+s18+$0x0], $0xffff;
	v28 =	vmul.f32 v4, v13  }
0xe7: {  	v13 =	vmul.f32 v15, v8;
	v8 =	vand.u32 $0xFFFF0000, v23;
	v15 =	vand.u32 $0xFFFF0000, v22;
	v4 =	vld.idx.msk [tilespmem:v29+s20+$0x0], $0xffff  }
0xe8: {  	v25 =	vmul.f32 v26, v25;
	v26 =	vshll.u32 v27, $0x10;
	v27 =	vmul.f32 v18, v8;
	v23 =	vld.idx.msk [tilespmem:v29+s18+$0x0], $0xffff  }
0xe9: {  	v8 =	vmul.f32 v9, v2;
	v10 =	vshll.u32 v34, $0x10;
	v29 =	vand.u32 $0xFFFF0000, v34;
	v21 =	vld.idx.msk [tilespmem:v21+s20+$0x0], $0xffff  }
0xea: {  	v26 =	vmul.f32 v26, v37;
	v9 =	vadd.f32 v17, v19;
	v2 =	vshll.u32 v38, $0x10;
	v35 =	vld.idx.msk [tilespmem:v11+s20+$0x0], $0xffff  }
0xeb: {  	v19 =	vadd.f32 v25, v30;
	v17 =	vshll.u32 v22, $0x10;
	v22 =	vmul.f32 v16, v15;
	v18 =	vld.idx.msk [tilespmem:v41+s20+$0x0], $0xffff  }
0xec: {  	v12 =	vmul.f32 v20, v12;
	v20 =	vmul.f32 v33, v17;
	v9 =	vadd.f32 v8, v9;
	v16 =	vld.idx.msk [tilespmem:v14+s20+$0x0], $0xffff  }
0xed: {  	v8 =	vand.u32 $0xFFFF0000, v38;
	v17 =	vand.u32 $0xFFFF0000, v4;
	v14 =	vadd.f32 v13, v19;
	v11 =	vld.idx.msk [tilespmem:v11+s18+$0x0], $0xffff  }
0xee: {  	v5 =	vadd.f32 v5, v9;
	v13 =	vshll.u32 v23, $0x10;
	v19 =	vand.u32 $0xFFFF0000, v23;
	v23 =	vld.idx.msk [tilespmem:v7+s18+$0x0], $0xffff  }
0xef: {  	v25 =	vshll.u32 v24, $0x10;
	v15 =	vand.u32 $0xFFFF0000, v21;
	v6 =	vadd.f32 v6, v14;
	v37 =	vld.idx.msk [tilespmem:v7+s20+$0x0], $0xffff  }
0xf0: {  	v9 =	vshll.u32 v21, $0x10;
	v14 =	vadd.f32 v28, v5;
	v7 =	vshll.u32 v40, $0x10  }
0xf1: {  	v21 =	vand.u32 $0xFFFF0000, v24;
	v28 =	vand.u32 $0xFFFF0000, v40;
	v30 =	vadd.f32 v39, v6  }
0xf2: {  	v5 =	vmul.f32 v7, v25;
	v7 =	vadd.f32 v32, v14;
	v31 =	vand.u32 $0xFFFF0000, v16  }
0xf3: {  	v6 =	vmul.f32 v28, v21;
	v24 =	vshll.u32 v11, $0x10;
	v14 =	vadd.f32 v12, v30  }
0xf4: {  	v32 =	vmul.f32 v31, v29;
	v7 =	vadd.f32 v26, v7;
	v33 =	vshll.u32 v23, $0x10  }
.Ltmp4:
0xf5: {  	v12 =	vand.u32 $0xFFFF0000, v23;
	v34 =	vshll.u32 v37, $0x10;
	v30 =	vadd.f32 v27, v14;
	v23 =	vld.idx.msk [tilespmem:v36+s18+$0x0], $0xffff;
	(pc) =	sbr.rel @p1 .LBB2_8-.Ltmp4, $4  }
0xf6: {  	v25 =	vand.u32 $0xFFFF0000, v11;
	v26 =	vand.u32 $0xFFFF0000, v35;
	v14 =	vadd.s32 s8, v3  }
0xf7: {  	v31 =	vadd.f32 v20, v7;
	v11 =	vor.u32 $0x1, v14;
	v21 =	vor.u32 $0x2, v14;
	v27 =	vld.idx.msk [tilespmem:v36+s20+$0x0], $0xffff  }
0xf8: {  	v28 =	vor.u32 $0x3, v14;
	v29 =	vor.u32 $0x4, v14;
	v30 =	vadd.f32 v22, v30  }
0xf9: {  	v35 =	vshll.u32 v35, $0x10;
	v20 =	vand.u32 $0xFFFF0000, v37;
	v7 =	vor.u32 $0x5, v14;
	v22 =	vld.idx.msk [tilespmem:v41+s18+$0x0], $0xffff  }
0xfa: {  	v3 =	vadd.f32 v32, v30  }
0xfb: {  	v44 =	vmul.f32 v34, v33;
	v45 =	vshll.u32 v18, $0x10;
	v16 =	vshll.u32 v16, $0x10  }
0xfc: {  	v33 =	vor.u32 $0x6, v14;
	v46 =	vshll.u32 v23, $0x10;
	v17 =	vmul.f32 v17, v19  }
0xfd: {  	v48 =	vand.u32 $0xFFFF0000, v18;
	v49 =	vmul.f32 v35, v24;
	v4 =	vshll.u32 v4, $0x10  }
0xfe: {  	v47 =	vld.idx.msk [tilespmem:v14+s18+$0x0], $0xffff;
	v36 =	vor.u32 $0x7, v14;
	v52 =	vmul.f32 v26, v25;
	v10 =	vmul.f32 v16, v10  }
0xff: {  	v50 =	vld.idx.msk [tilespmem:v21+s18+$0x0], $0xffff;
	v8 =	vmul.f32 v15, v8;
	v53 =	vand.u32 $0xFFFF0000, v23;
	v2 =	vmul.f32 v9, v2  }
0x100: {  	v25 =	vld.idx.msk [tilespmem:v29+s20+$0x0], $0xffff;
	v12 =	vmul.f32 v20, v12;
	v4 =	vmul.f32 v4, v13;
	v10 =	vadd.f32 v10, v31  }
0x101: {  	v56 =	vld.idx.msk [tilespmem:v29+s18+$0x0], $0xffff;
	v51 =	vand.u32 $0xFFFF0000, v27;
	v55 =	vshll.u32 v27, $0x10;
	v3 =	vadd.f32 v52, v3  }
0x102: {  	v60 =	vld.idx.msk [tilespmem:v21+s20+$0x0], $0xffff;
	v15 =	vmul.f32 v51, v53;
	v63 =	vmul.f32 v55, v46;
	v58 =	vadd.f32 v49, v10  }
0x103: {  	v62 =	vld.idx.msk [tilespmem:v28+s18+$0x0], $0xffff;
	v54 =	vand.u32 $0xFFFF0000, v22;
	v3 =	vadd.f32 v8, v3;
	v26 =	vshll.u32 v22, $0x10  }
0x104: {  	v28 =	vld.idx.msk [tilespmem:v28+s20+$0x0], $0xffff;
	v57 =	vshll.u32 v47, $0x10;
	v59 =	vand.u32 $0xFFFF0000, v47;
	v2 =	vadd.f32 v2, v58  }
0x105: {  	v29 =	vld.idx.msk [tilespmem:v14+s20+$0x0], $0xffff;
	v61 =	vshll.u32 v50, $0x10;
	v18 =	vmul.f32 v48, v54;
	v31 =	vmul.f32 v45, v26  }
0x106: {  	v40 =	vld.idx.msk [tilespmem:v11+s20+$0x0], $0xffff;
	v32 =	vand.u32 $0xFFFF0000, v50;
	v3 =	vadd.f32 v6, v3;
	v2 =	vadd.f32 v5, v2  }
0x107: {  	v35 =	vand.u32 $0xFFFF0000, v25;
	v37 =	vshll.u32 v56, $0x10;
	v13 =	vand.u32 $0xFFFF0000, v56  }
0x108: {  	v38 =	vand.u32 $0xFFFF0000, v60;
	v3 =	vadd.f32 v17, v3;
	v2 =	vadd.f32 v4, v2  }
0x109: {  	v34 =	vld.idx.msk [tilespmem:v11+s18+$0x0], $0xffff;
	v39 =	vshll.u32 v62, $0x10;
	v16 =	vshll.u32 v60, $0x10;
	v41 =	vshll.u32 v28, $0x10  }
0x10a: {  	v8 =	vand.u32 $0xFFFF0000, v62;
	v3 =	vadd.f32 v12, v3;
	v2 =	vadd.f32 v44, v2  }
0x10b: {  	v9 =	vand.u32 $0xFFFF0000, v28;
	v42 =	vand.u32 $0xFFFF0000, v29;
	v46 =	vand.u32 $0xFFFF0000, v40  }
0x10c: {  	v43 =	vld.idx.msk [tilespmem:v7+s18+$0x0], $0xffff;
	v6 =	vshll.u32 v29, $0x10;
	v3 =	vadd.f32 v15, v3;
	v2 =	vadd.f32 v63, v2  }
0x10d: {  	v11 =	vshll.u32 v40, $0x10;
	v10 =	vmul.f32 v42, v59;
	v6 =	vmul.f32 v6, v57  }
0x10e: {  	v5 =	vand.u32 $0xFFFF0000, v34;
	v3 =	vadd.f32 v18, v3;
	v2 =	vadd.f32 v31, v2  }
0x10f: {  	v45 =	vld.idx.msk [tilespmem:v7+s20+$0x0], $0xffff;
	v8 =	vmul.f32 v9, v8;
	v5 =	vmul.f32 v46, v5;
	v44 =	vshll.u32 v34, $0x10  }
0x110: {  	v47 =	vld.idx.msk [tilespmem:v33+s18+$0x0], $0xffff;
	v11 =	vmul.f32 v11, v44;
	v3 =	vadd.f32 v10, v3;
	v2 =	vadd.f32 v6, v2  }
0x111: {  	v48 =	vld.idx.msk [tilespmem:v36+s20+$0x0], $0xffff;
	v49 =	vshll.u32 v43, $0x10;
	v50 =	vmul.f32 v38, v32;
	v16 =	vmul.f32 v16, v61  }
0x112: {  	v51 =	vld.idx.msk [tilespmem:v33+s20+$0x0], $0xffff;
	v57 =	vshll.u32 v25, $0x10;
	v3 =	vadd.f32 v5, v3;
	v2 =	vadd.f32 v11, v2  }
0x113: {  	v53 =	vand.u32 $0xFFFF0000, v43;
	v56 =	vmul.f32 v35, v13;
	v13 =	vmul.f32 v57, v37  }
0x114: {  	v54 =	vld.idx.msk [tilespmem:v36+s18+$0x0], $0xffff;
	v4 =	vmul.f32 v41, v39;
	v3 =	vadd.f32 v50, v3;
	v2 =	vadd.f32 v16, v2  }
0x115: {  	v52 =	vshll.u32 v45, $0x10;
	v7 =	vand.u32 $0xFFFF0000, v45;
	v55 =	vshll.u32 v47, $0x10  }
0x116: {  	v58 =	vand.u32 $0xFFFF0000, v48;
	v3 =	vadd.f32 v8, v3;
	v2 =	vadd.f32 v4, v2  }
0x117: {  	v59 =	vand.u32 $0xFFFF0000, v51;
	v61 =	vshll.u32 v51, $0x10;
	v7 =	vmul.f32 v7, v53  }
0x118: {  	v5 =	vmul.f32 v52, v49;
	v3 =	vadd.f32 v56, v3;
	v2 =	vadd.f32 v13, v2  }
0x119: {  	v60 =	vand.u32 $0xFFFF0000, v54;
	v9 =	vmul.f32 v61, v55;
	v10 =	vand.u32 $0xFFFF0000, v47  }
0x11a: {  	v8 =	vmul.f32 v59, v10;
	v3 =	vadd.f32 v7, v3;
	v2 =	vadd.f32 v5, v2  }
0x11b: {  	v62 =	vshll.u32 v48, $0x10;
	v63 =	vshll.u32 v54, $0x10;
	v4 =	vmul.f32 v58, v60  }
0x11c: {  	s5 =	sadd.s32 $0x1, s5;
	v3 =	vadd.f32 v8, v3;
	v5 =	vmul.f32 v62, v63;
	v2 =	vadd.f32 v9, v2  }
0x11d: {  	p1 =	sne.s32 s5, $0x5  }
.Ltmp5:
0x11e: {  	v3 =	vadd.f32 v4, v3;
	v2 =	vadd.f32 v5, v2;
	(pc) =	sbr.rel @p1 .LBB2_7-.Ltmp5, $3  }
0x11f: {  	_ = 	snop  }
0x120: {  	v2 =	vadd.f32 v3, v2;
	_ =	sdelay $0x1  }
0x121: {  	[tilespmem:v1+s6+$0x0 ss:$0x1] =	vst.idx.msk $0xffff, v2  }
0x122: {  	s5 =	sadd.s32 @!p0 $0x1E0, s24;
	s6 =	simm.s32 @!p0 $0x28;
	s7 =	simm.s32 @!p0 $0x6220  }
0x123: {  	[tilespmem:s7], [sflag:$0x2] =	stream.indirect.gather @!p0 [hbm4b:s3+s6], $0x40, s5, s6, $0xb8;
	[tilespmem:$0x13D30] =	vst v63  }
0x124: {  	s5 =	sadd.s32 @!p0 $0x28F0, s24;
	s7 =	simm.s32 @!p0 $0xC620  }
0x125: {  	[tilespmem:s7], [sflag:$0x2] =	stream.indirect.gather @!p0 [hbm4b:s4+s6], $0x40, s5, s6, $0xb8;
	[tilespmem:$0x13D30] =	vst v63  }
0x126: {  	s5 =	sadd.s32 @!p0 $0x208, s24;
	s7 =	simm.s32 @!p0 $0x6C20  }
0x127: {  	[tilespmem:s7], [sflag:$0x2] =	stream.indirect.gather @!p0 [hbm4b:s3+s6], $0x40, s5, s6, $0xb8;
	[tilespmem:$0x13D30] =	vst v63  }
0x128: {  	s5 =	sadd.s32 @!p0 $0x2918, s24;
	s7 =	simm.s32 @!p0 $0xD020  }
0x129: {  	[tilespmem:s7], [sflag:$0x2] =	stream.indirect.gather @!p0 [hbm4b:s4+s6], $0x40, s5, s6, $0xb8;
	[tilespmem:$0x13D30] =	vst v63  }
0x12a: {  	_ =	swait.ge [sflag:s21], $0xA00  }
0x12b: {  	[sflag:s21] =	ssyncset.done $0x0  }
0x12c: {  	[sflag:s21] =	ssyncadd.s32 $0xFFFFF600  }
0x12d: {  	_ =	swait.ge [sflag:s21], $0xA00  }
0x12e: {  	[sflag:s21] =	ssyncset.done $0x0  }
0x12f: {  	[sflag:s21] =	ssyncadd.s32 $0xFFFFF600  }
0x130: {  	_ =	swait.ge [sflag:s21], $0xA00  }
0x131: {  	[sflag:s21] =	ssyncset.done $0x0  }
0x132: {  	[sflag:s21] =	ssyncadd.s32 $0xFFFFF600  }
0x133: {  	_ =	swait.ge [sflag:s21], $0xA00  }
0x134: {  	s8 =	sadd.s32 $0x116C0, s0;
	[sflag:s21] =	ssyncset.done $0x0  }
0x135: {  	s10 =	simm.s32 $0x0;
	v1 =	vmov s8;
	s5 =	simm.s32 $0x0;
	[sflag:s21] =	ssyncadd.s32 $0xFFFFF600  }
.LBB2_11:
0x136: {  	s6 =	sshll.u32 s5, $0x4  }
0x137: {  	v2 =	vmov s6  }
0x138: {  	v2 =	vshll.u32 v2, $0x6  }
0x139: {  	v3 =	vor.u32 v0, v2  }
0x13a: {  	v2 =	vadd.s32 s10, v3;
	_ =	sdelay $0x1  }
0x13b: {  	v5 =	vor.u32 $0x2, v2  }
0x13c: {  	v4 =	vor.u32 $0x3, v2;
	_ =	sdelay $0x1  }
0x13d: {  	v6 =	vor.u32 $0x4, v2;
	v7 =	vld.idx.msk [tilespmem:v2+s26+$0x0], $0xffff  }
0x13e: {  	v16 =	vld.idx.msk [tilespmem:v2+s29+$0x0], $0xffff  }
0x13f: {  	v8 =	vld.idx.msk [tilespmem:v5+s26+$0x0], $0xffff  }
0x140: {  	v9 =	vor.u32 $0x1, v2;
	v11 =	vld.idx.msk [tilespmem:v4+s29+$0x0], $0xffff  }
0x141: {  	v13 =	vor.u32 $0x5, v2;
	v12 =	vld.idx.msk [tilespmem:v4+s26+$0x0], $0xffff  }
0x142: {  	v4 =	vld.idx.msk [tilespmem:v6+s29+$0x0], $0xffff  }
0x143: {  	v6 =	vld.idx.msk [tilespmem:v6+s26+$0x0], $0xffff  }
0x144: {  	v5 =	vld.idx.msk [tilespmem:v5+s29+$0x0], $0xffff  }
0x145: {  	v30 =	vimm.f32 $0.0e+00;
	v20 =	vor.u32 $0x6, v2;
	v21 =	vld.idx.msk [tilespmem:v9+s26+$0x0], $0xffff  }
0x146: {  	v22 =	vor.u32 $0x7, v2;
	v14 =	vld.idx.msk [tilespmem:v13+s26+$0x0], $0xffff;
	v10 =	vshll.u32 v7, $0x10;
	v7 =	vand.u32 $0xFFFF0000, v7  }
0x147: {  	v31 =	vld.idx.msk [tilespmem:v13+s29+$0x0], $0xffff;
	v18 =	vand.u32 $0xFFFF0000, v16;
	v2 =	vshll.u32 v8, $0x10;
	v8 =	vand.u32 $0xFFFF0000, v8  }
0x148: {  	v17 =	vand.u32 $0xFFFF0000, v4;
	v13 =	vshll.u32 v6, $0x10;
	v19 =	vand.u32 $0xFFFF0000, v6  }
0x149: {  	v35 =	vld.idx.msk [tilespmem:v9+s29+$0x0], $0xffff;
	v15 =	vand.u32 $0xFFFF0000, v5;
	v6 =	vshll.u32 v12, $0x10;
	v9 =	vshll.u32 v5, $0x10  }
0x14a: {  	v5 =	vshll.u32 v11, $0x10;
	v12 =	vand.u32 $0xFFFF0000, v12;
	v11 =	vand.u32 $0xFFFF0000, v11  }
0x14b: {  	v24 =	vshll.u32 v21, $0x10;
	v32 =	vmul.f32 v18, v7;
	v33 =	vshll.u32 v14, $0x10  }
0x14c: {  	s7 =	simm.s32 $0x8;
	v34 =	vshll.u32 v31, $0x10;
	v18 =	vld.idx.msk [tilespmem:v22+s29+$0x0], $0xffff;
	v25 =	vand.u32 $0xFFFF0000, v21;
	v5 =	vmul.f32 v5, v6  }
0x14d: {  	v23 =	vld.idx.msk [tilespmem:v20+s26+$0x0], $0xffff;
	v6 =	vmul.f32 v11, v12;
	v12 =	vand.u32 $0xFFFF0000, v14;
	v14 =	vadd.s32 s7, v3  }
0x14e: {  	v26 =	vand.u32 $0xFFFF0000, v35;
	v35 =	vshll.u32 v35, $0x10;
	v21 =	vor.u32 $0x2, v14  }
0x14f: {  	v27 =	vld.idx.msk [tilespmem:v20+s29+$0x0], $0xffff;
	v20 =	vand.u32 $0xFFFF0000, v31;
	v31 =	vimm.f32 $0.0e+00;
	v28 =	vor.u32 $0x3, v14  }
0x150: {  	v22 =	vld.idx.msk [tilespmem:v22+s26+$0x0], $0xffff;
	s7 =	simm.s32 $0x10;
	v11 =	vor.u32 $0x1, v14;
	v29 =	vor.u32 $0x4, v14;
	v7 =	vor.u32 $0x5, v14  }
.LBB2_12:
0x151: {  	p1 =	sne.s32 s7, $0x38;
	v30 =	vadd.f32 v32, v30;
	v32 =	vmul.f32 v34, v33;
	v33 =	vshll.u32 v18, $0x10;
	s8 =	smov.u32 s7;
	s7 =	sadd.s32 $0x8, s7  }
0x152: {  	v36 =	vor.u32 $0x6, v14;
	v16 =	vshll.u32 v16, $0x10;
	v37 =	vshll.u32 v23, $0x10;
	v34 =	vld.idx.msk [tilespmem:v14+s26+$0x0], $0xffff  }
0x153: {  	v39 =	vmul.f32 v17, v19;
	v10 =	vmul.f32 v16, v10;
	v16 =	vand.u32 $0xFFFF0000, v18;
	v38 =	vld.idx.msk [tilespmem:v21+s26+$0x0], $0xffff  }
0x154: {  	v17 =	vmul.f32 v35, v24;
	v4 =	vshll.u32 v4, $0x10;
	v18 =	vand.u32 $0xFFFF0000, v27;
	v40 =	vld.idx.msk [tilespmem:v28+s29+$0x0], $0xffff  }
0x155: {  	v41 =	vor.u32 $0x7, v14;
	v19 =	vadd.f32 v10, v31;
	v24 =	vld.idx.msk [tilespmem:v28+s26+$0x0], $0xffff;
	v28 =	vmul.f32 v4, v13  }
0x156: {  	v13 =	vmul.f32 v15, v8;
	v8 =	vand.u32 $0xFFFF0000, v23;
	v15 =	vand.u32 $0xFFFF0000, v22;
	v4 =	vld.idx.msk [tilespmem:v29+s29+$0x0], $0xffff  }
0x157: {  	v25 =	vmul.f32 v26, v25;
	v26 =	vshll.u32 v27, $0x10;
	v27 =	vmul.f32 v18, v8;
	v23 =	vld.idx.msk [tilespmem:v29+s26+$0x0], $0xffff  }
0x158: {  	v8 =	vmul.f32 v9, v2;
	v10 =	vshll.u32 v34, $0x10;
	v29 =	vand.u32 $0xFFFF0000, v34;
	v21 =	vld.idx.msk [tilespmem:v21+s29+$0x0], $0xffff  }
0x159: {  	v26 =	vmul.f32 v26, v37;
	v9 =	vadd.f32 v17, v19;
	v2 =	vshll.u32 v38, $0x10;
	v35 =	vld.idx.msk [tilespmem:v11+s29+$0x0], $0xffff  }
0x15a: {  	v19 =	vadd.f32 v25, v30;
	v17 =	vshll.u32 v22, $0x10;
	v22 =	vmul.f32 v16, v15;
	v18 =	vld.idx.msk [tilespmem:v41+s29+$0x0], $0xffff  }
0x15b: {  	v12 =	vmul.f32 v20, v12;
	v20 =	vmul.f32 v33, v17;
	v9 =	vadd.f32 v8, v9;
	v16 =	vld.idx.msk [tilespmem:v14+s29+$0x0], $0xffff  }
0x15c: {  	v8 =	vand.u32 $0xFFFF0000, v38;
	v17 =	vand.u32 $0xFFFF0000, v4;
	v14 =	vadd.f32 v13, v19;
	v11 =	vld.idx.msk [tilespmem:v11+s26+$0x0], $0xffff  }
0x15d: {  	v5 =	vadd.f32 v5, v9;
	v13 =	vshll.u32 v23, $0x10;
	v19 =	vand.u32 $0xFFFF0000, v23;
	v23 =	vld.idx.msk [tilespmem:v7+s26+$0x0], $0xffff  }
0x15e: {  	v25 =	vshll.u32 v24, $0x10;
	v15 =	vand.u32 $0xFFFF0000, v21;
	v6 =	vadd.f32 v6, v14;
	v37 =	vld.idx.msk [tilespmem:v7+s29+$0x0], $0xffff  }
0x15f: {  	v9 =	vshll.u32 v21, $0x10;
	v14 =	vadd.f32 v28, v5;
	v7 =	vshll.u32 v40, $0x10  }
0x160: {  	v21 =	vand.u32 $0xFFFF0000, v24;
	v28 =	vand.u32 $0xFFFF0000, v40;
	v30 =	vadd.f32 v39, v6  }
0x161: {  	v5 =	vmul.f32 v7, v25;
	v7 =	vadd.f32 v32, v14;
	v31 =	vand.u32 $0xFFFF0000, v16  }
0x162: {  	v6 =	vmul.f32 v28, v21;
	v24 =	vshll.u32 v11, $0x10;
	v14 =	vadd.f32 v12, v30  }
0x163: {  	v32 =	vmul.f32 v31, v29;
	v7 =	vadd.f32 v26, v7;
	v33 =	vshll.u32 v23, $0x10  }
.Ltmp6:
0x164: {  	v12 =	vand.u32 $0xFFFF0000, v23;
	v34 =	vshll.u32 v37, $0x10;
	v30 =	vadd.f32 v27, v14;
	v23 =	vld.idx.msk [tilespmem:v36+s26+$0x0], $0xffff;
	(pc) =	sbr.rel @p1 .LBB2_12-.Ltmp6, $4  }
0x165: {  	v25 =	vand.u32 $0xFFFF0000, v11;
	v26 =	vand.u32 $0xFFFF0000, v35;
	v14 =	vadd.s32 s8, v3  }
0x166: {  	v31 =	vadd.f32 v20, v7;
	v11 =	vor.u32 $0x1, v14;
	v21 =	vor.u32 $0x2, v14;
	v27 =	vld.idx.msk [tilespmem:v36+s29+$0x0], $0xffff  }
0x167: {  	v28 =	vor.u32 $0x3, v14;
	v29 =	vor.u32 $0x4, v14;
	v30 =	vadd.f32 v22, v30  }
0x168: {  	v35 =	vshll.u32 v35, $0x10;
	v20 =	vand.u32 $0xFFFF0000, v37;
	v7 =	vor.u32 $0x5, v14;
	v22 =	vld.idx.msk [tilespmem:v41+s26+$0x0], $0xffff  }
0x169: {  	v3 =	vadd.f32 v32, v30  }
0x16a: {  	v44 =	vmul.f32 v34, v33;
	v45 =	vshll.u32 v18, $0x10;
	v16 =	vshll.u32 v16, $0x10  }
0x16b: {  	v33 =	vor.u32 $0x6, v14;
	v46 =	vshll.u32 v23, $0x10;
	v17 =	vmul.f32 v17, v19  }
0x16c: {  	v48 =	vand.u32 $0xFFFF0000, v18;
	v49 =	vmul.f32 v35, v24;
	v4 =	vshll.u32 v4, $0x10  }
0x16d: {  	v47 =	vld.idx.msk [tilespmem:v14+s26+$0x0], $0xffff;
	v36 =	vor.u32 $0x7, v14;
	v52 =	vmul.f32 v26, v25;
	v10 =	vmul.f32 v16, v10  }
0x16e: {  	v50 =	vld.idx.msk [tilespmem:v21+s26+$0x0], $0xffff;
	v8 =	vmul.f32 v15, v8;
	v53 =	vand.u32 $0xFFFF0000, v23;
	v2 =	vmul.f32 v9, v2  }
0x16f: {  	v25 =	vld.idx.msk [tilespmem:v29+s29+$0x0], $0xffff;
	v12 =	vmul.f32 v20, v12;
	v4 =	vmul.f32 v4, v13;
	v10 =	vadd.f32 v10, v31  }
0x170: {  	v56 =	vld.idx.msk [tilespmem:v29+s26+$0x0], $0xffff;
	v51 =	vand.u32 $0xFFFF0000, v27;
	v55 =	vshll.u32 v27, $0x10;
	v3 =	vadd.f32 v52, v3  }
0x171: {  	v60 =	vld.idx.msk [tilespmem:v21+s29+$0x0], $0xffff;
	v15 =	vmul.f32 v51, v53;
	v63 =	vmul.f32 v55, v46;
	v58 =	vadd.f32 v49, v10  }
0x172: {  	v62 =	vld.idx.msk [tilespmem:v28+s26+$0x0], $0xffff;
	v54 =	vand.u32 $0xFFFF0000, v22;
	v3 =	vadd.f32 v8, v3;
	v26 =	vshll.u32 v22, $0x10  }
0x173: {  	v28 =	vld.idx.msk [tilespmem:v28+s29+$0x0], $0xffff;
	v57 =	vshll.u32 v47, $0x10;
	v59 =	vand.u32 $0xFFFF0000, v47;
	v2 =	vadd.f32 v2, v58  }
0x174: {  	v29 =	vld.idx.msk [tilespmem:v14+s29+$0x0], $0xffff;
	v61 =	vshll.u32 v50, $0x10;
	v18 =	vmul.f32 v48, v54;
	v31 =	vmul.f32 v45, v26  }
0x175: {  	v40 =	vld.idx.msk [tilespmem:v11+s29+$0x0], $0xffff;
	v32 =	vand.u32 $0xFFFF0000, v50;
	v3 =	vadd.f32 v6, v3;
	v2 =	vadd.f32 v5, v2  }
0x176: {  	v35 =	vand.u32 $0xFFFF0000, v25;
	v37 =	vshll.u32 v56, $0x10;
	v13 =	vand.u32 $0xFFFF0000, v56  }
0x177: {  	v38 =	vand.u32 $0xFFFF0000, v60;
	v3 =	vadd.f32 v17, v3;
	v2 =	vadd.f32 v4, v2  }
0x178: {  	v34 =	vld.idx.msk [tilespmem:v11+s26+$0x0], $0xffff;
	v39 =	vshll.u32 v62, $0x10;
	v16 =	vshll.u32 v60, $0x10;
	v41 =	vshll.u32 v28, $0x10  }
0x179: {  	v8 =	vand.u32 $0xFFFF0000, v62;
	v3 =	vadd.f32 v12, v3;
	v2 =	vadd.f32 v44, v2  }
0x17a: {  	v9 =	vand.u32 $0xFFFF0000, v28;
	v42 =	vand.u32 $0xFFFF0000, v29;
	v46 =	vand.u32 $0xFFFF0000, v40  }
0x17b: {  	v43 =	vld.idx.msk [tilespmem:v7+s26+$0x0], $0xffff;
	v6 =	vshll.u32 v29, $0x10;
	v3 =	vadd.f32 v15, v3;
	v2 =	vadd.f32 v63, v2  }
0x17c: {  	v11 =	vshll.u32 v40, $0x10;
	v10 =	vmul.f32 v42, v59;
	v6 =	vmul.f32 v6, v57  }
0x17d: {  	v5 =	vand.u32 $0xFFFF0000, v34;
	v3 =	vadd.f32 v18, v3;
	v2 =	vadd.f32 v31, v2  }
0x17e: {  	v45 =	vld.idx.msk [tilespmem:v7+s29+$0x0], $0xffff;
	v8 =	vmul.f32 v9, v8;
	v5 =	vmul.f32 v46, v5;
	v44 =	vshll.u32 v34, $0x10  }
0x17f: {  	v47 =	vld.idx.msk [tilespmem:v33+s26+$0x0], $0xffff;
	v11 =	vmul.f32 v11, v44;
	v3 =	vadd.f32 v10, v3;
	v2 =	vadd.f32 v6, v2  }
0x180: {  	v48 =	vld.idx.msk [tilespmem:v36+s29+$0x0], $0xffff;
	v49 =	vshll.u32 v43, $0x10;
	v50 =	vmul.f32 v38, v32;
	v16 =	vmul.f32 v16, v61  }
0x181: {  	v51 =	vld.idx.msk [tilespmem:v33+s29+$0x0], $0xffff;
	v57 =	vshll.u32 v25, $0x10;
	v3 =	vadd.f32 v5, v3;
	v2 =	vadd.f32 v11, v2  }
0x182: {  	v53 =	vand.u32 $0xFFFF0000, v43;
	v56 =	vmul.f32 v35, v13;
	v13 =	vmul.f32 v57, v37  }
0x183: {  	v54 =	vld.idx.msk [tilespmem:v36+s26+$0x0], $0xffff;
	v4 =	vmul.f32 v41, v39;
	v3 =	vadd.f32 v50, v3;
	v2 =	vadd.f32 v16, v2  }
0x184: {  	v52 =	vshll.u32 v45, $0x10;
	v7 =	vand.u32 $0xFFFF0000, v45;
	v55 =	vshll.u32 v47, $0x10  }
0x185: {  	v58 =	vand.u32 $0xFFFF0000, v48;
	v3 =	vadd.f32 v8, v3;
	v2 =	vadd.f32 v4, v2  }
0x186: {  	v59 =	vand.u32 $0xFFFF0000, v51;
	v61 =	vshll.u32 v51, $0x10;
	v7 =	vmul.f32 v7, v53  }
0x187: {  	v5 =	vmul.f32 v52, v49;
	v3 =	vadd.f32 v56, v3;
	v2 =	vadd.f32 v13, v2  }
0x188: {  	v60 =	vand.u32 $0xFFFF0000, v54;
	v9 =	vmul.f32 v61, v55;
	v10 =	vand.u32 $0xFFFF0000, v47  }
0x189: {  	v8 =	vmul.f32 v59, v10;
	v3 =	vadd.f32 v7, v3;
	v2 =	vadd.f32 v5, v2  }
0x18a: {  	v62 =	vshll.u32 v48, $0x10;
	v63 =	vshll.u32 v54, $0x10;
	v4 =	vmul.f32 v58, v60  }
0x18b: {  	s5 =	sadd.s32 $0x1, s5;
	v3 =	vadd.f32 v8, v3;
	v5 =	vmul.f32 v62, v63;
	v2 =	vadd.f32 v9, v2  }
0x18c: {  	p1 =	sne.s32 s5, $0x5  }
.Ltmp7:
0x18d: {  	v3 =	vadd.f32 v4, v3;
	v2 =	vadd.f32 v5, v2;
	(pc) =	sbr.rel @p1 .LBB2_11-.Ltmp7, $3  }
0x18e: {  	_ = 	snop  }
0x18f: {  	v2 =	vadd.f32 v3, v2;
	_ =	sdelay $0x1  }
0x190: {  	[tilespmem:v1+s6+$0x0 ss:$0x1] =	vst.idx.msk $0xffff, v2  }
0x191: {  	s5 =	sadd.s32 @!p0 $0x230, s24;
	s6 =	simm.s32 @!p0 $0x28;
	s7 =	simm.s32 @!p0 $0x7620  }
0x192: {  	[tilespmem:s7], [sflag:$0x3] =	stream.indirect.gather @!p0 [hbm4b:s3+s6], $0x40, s5, s6, $0xb8;
	[tilespmem:$0x13D30] =	vst v63  }
0x193: {  	s5 =	sadd.s32 @!p0 $0x2940, s24;
	s7 =	simm.s32 @!p0 $0xDA20  }
0x194: {  	[tilespmem:s7], [sflag:$0x3] =	stream.indirect.gather @!p0 [hbm4b:s4+s6], $0x40, s5, s6, $0xb8;
	[tilespmem:$0x13D30] =	vst v63  }
0x195: {  	s5 =	sadd.s32 @!p0 $0x258, s24;
	s7 =	simm.s32 @!p0 $0x8020  }
0x196: {  	[tilespmem:s7], [sflag:$0x3] =	stream.indirect.gather @!p0 [hbm4b:s3+s6], $0x40, s5, s6, $0xb8;
	[tilespmem:$0x13D30] =	vst v63  }
0x197: {  	s5 =	sadd.s32 @!p0 $0x2968, s24;
	s7 =	simm.s32 @!p0 $0xE420  }
0x198: {  	[tilespmem:s7], [sflag:$0x3] =	stream.indirect.gather @!p0 [hbm4b:s4+s6], $0x40, s5, s6, $0xb8;
	[tilespmem:$0x13D30] =	vst v63  }
0x199: {  	_ =	swait.ge [sflag:s22], $0xA00  }
0x19a: {  	[sflag:s22] =	ssyncset.done $0x0  }
0x19b: {  	[sflag:s22] =	ssyncadd.s32 $0xFFFFF600  }
0x19c: {  	_ =	swait.ge [sflag:s22], $0xA00  }
0x19d: {  	[sflag:s22] =	ssyncset.done $0x0  }
0x19e: {  	[sflag:s22] =	ssyncadd.s32 $0xFFFFF600  }
0x19f: {  	_ =	swait.ge [sflag:s22], $0xA00  }
0x1a0: {  	[sflag:s22] =	ssyncset.done $0x0  }
0x1a1: {  	[sflag:s22] =	ssyncadd.s32 $0xFFFFF600  }
0x1a2: {  	_ =	swait.ge [sflag:s22], $0xA00  }
0x1a3: {  	s8 =	sadd.s32 $0x11710, s0;
	[sflag:s22] =	ssyncset.done $0x0  }
0x1a4: {  	s10 =	simm.s32 $0x0;
	v1 =	vmov s8;
	s5 =	simm.s32 $0x0;
	[sflag:s22] =	ssyncadd.s32 $0xFFFFF600  }
.LBB2_15:
0x1a5: {  	s6 =	sshll.u32 s5, $0x4  }
0x1a6: {  	v2 =	vmov s6  }
0x1a7: {  	v2 =	vshll.u32 v2, $0x6  }
0x1a8: {  	v3 =	vor.u32 v0, v2  }
0x1a9: {  	v2 =	vadd.s32 s10, v3;
	_ =	sdelay $0x1  }
0x1aa: {  	v5 =	vor.u32 $0x2, v2  }
0x1ab: {  	v4 =	vor.u32 $0x3, v2;
	_ =	sdelay $0x1  }
0x1ac: {  	v6 =	vor.u32 $0x4, v2;
	v7 =	vld.idx.msk [tilespmem:v2+s15+$0x0], $0xffff  }
0x1ad: {  	v16 =	vld.idx.msk [tilespmem:v2+s17+$0x0], $0xffff  }
0x1ae: {  	v8 =	vld.idx.msk [tilespmem:v5+s15+$0x0], $0xffff  }
0x1af: {  	v9 =	vor.u32 $0x1, v2;
	v11 =	vld.idx.msk [tilespmem:v4+s17+$0x0], $0xffff  }
0x1b0: {  	v13 =	vor.u32 $0x5, v2;
	v12 =	vld.idx.msk [tilespmem:v4+s15+$0x0], $0xffff  }
0x1b1: {  	v4 =	vld.idx.msk [tilespmem:v6+s17+$0x0], $0xffff  }
0x1b2: {  	v6 =	vld.idx.msk [tilespmem:v6+s15+$0x0], $0xffff  }
0x1b3: {  	v5 =	vld.idx.msk [tilespmem:v5+s17+$0x0], $0xffff  }
0x1b4: {  	v30 =	vimm.f32 $0.0e+00;
	v20 =	vor.u32 $0x6, v2;
	v21 =	vld.idx.msk [tilespmem:v9+s15+$0x0], $0xffff  }
0x1b5: {  	v22 =	vor.u32 $0x7, v2;
	v14 =	vld.idx.msk [tilespmem:v13+s15+$0x0], $0xffff;
	v10 =	vshll.u32 v7, $0x10;
	v7 =	vand.u32 $0xFFFF0000, v7  }
0x1b6: {  	v31 =	vld.idx.msk [tilespmem:v13+s17+$0x0], $0xffff;
	v18 =	vand.u32 $0xFFFF0000, v16;
	v2 =	vshll.u32 v8, $0x10;
	v8 =	vand.u32 $0xFFFF0000, v8  }
0x1b7: {  	v17 =	vand.u32 $0xFFFF0000, v4;
	v13 =	vshll.u32 v6, $0x10;
	v19 =	vand.u32 $0xFFFF0000, v6  }
0x1b8: {  	v35 =	vld.idx.msk [tilespmem:v9+s17+$0x0], $0xffff;
	v15 =	vand.u32 $0xFFFF0000, v5;
	v6 =	vshll.u32 v12, $0x10;
	v9 =	vshll.u32 v5, $0x10  }
0x1b9: {  	v5 =	vshll.u32 v11, $0x10;
	v12 =	vand.u32 $0xFFFF0000, v12;
	v11 =	vand.u32 $0xFFFF0000, v11  }
0x1ba: {  	v24 =	vshll.u32 v21, $0x10;
	v32 =	vmul.f32 v18, v7;
	v33 =	vshll.u32 v14, $0x10  }
0x1bb: {  	s7 =	simm.s32 $0x8;
	v34 =	vshll.u32 v31, $0x10;
	v18 =	vld.idx.msk [tilespmem:v22+s17+$0x0], $0xffff;
	v25 =	vand.u32 $0xFFFF0000, v21;
	v5 =	vmul.f32 v5, v6  }
0x1bc: {  	v23 =	vld.idx.msk [tilespmem:v20+s15+$0x0], $0xffff;
	v6 =	vmul.f32 v11, v12;
	v12 =	vand.u32 $0xFFFF0000, v14;
	v14 =	vadd.s32 s7, v3  }
0x1bd: {  	v26 =	vand.u32 $0xFFFF0000, v35;
	v35 =	vshll.u32 v35, $0x10;
	v21 =	vor.u32 $0x2, v14  }
0x1be: {  	v27 =	vld.idx.msk [tilespmem:v20+s17+$0x0], $0xffff;
	v20 =	vand.u32 $0xFFFF0000, v31;
	v31 =	vimm.f32 $0.0e+00;
	v28 =	vor.u32 $0x3, v14  }
0x1bf: {  	v22 =	vld.idx.msk [tilespmem:v22+s15+$0x0], $0xffff;
	s7 =	simm.s32 $0x10;
	v11 =	vor.u32 $0x1, v14;
	v29 =	vor.u32 $0x4, v14;
	v7 =	vor.u32 $0x5, v14  }
.LBB2_16:
0x1c0: {  	p1 =	sne.s32 s7, $0x38;
	v30 =	vadd.f32 v32, v30;
	v32 =	vmul.f32 v34, v33;
	v33 =	vshll.u32 v18, $0x10;
	s8 =	smov.u32 s7;
	s7 =	sadd.s32 $0x8, s7  }
0x1c1: {  	v36 =	vor.u32 $0x6, v14;
	v16 =	vshll.u32 v16, $0x10;
	v37 =	vshll.u32 v23, $0x10;
	v34 =	vld.idx.msk [tilespmem:v14+s15+$0x0], $0xffff  }
0x1c2: {  	v39 =	vmul.f32 v17, v19;
	v10 =	vmul.f32 v16, v10;
	v16 =	vand.u32 $0xFFFF0000, v18;
	v38 =	vld.idx.msk [tilespmem:v21+s15+$0x0], $0xffff  }
0x1c3: {  	v17 =	vmul.f32 v35, v24;
	v4 =	vshll.u32 v4, $0x10;
	v18 =	vand.u32 $0xFFFF0000, v27;
	v40 =	vld.idx.msk [tilespmem:v28+s17+$0x0], $0xffff  }
0x1c4: {  	v41 =	vor.u32 $0x7, v14;
	v19 =	vadd.f32 v10, v31;
	v24 =	vld.idx.msk [tilespmem:v28+s15+$0x0], $0xffff;
	v28 =	vmul.f32 v4, v13  }
0x1c5: {  	v13 =	vmul.f32 v15, v8;
	v8 =	vand.u32 $0xFFFF0000, v23;
	v15 =	vand.u32 $0xFFFF0000, v22;
	v4 =	vld.idx.msk [tilespmem:v29+s17+$0x0], $0xffff  }
0x1c6: {  	v25 =	vmul.f32 v26, v25;
	v26 =	vshll.u32 v27, $0x10;
	v27 =	vmul.f32 v18, v8;
	v23 =	vld.idx.msk [tilespmem:v29+s15+$0x0], $0xffff  }
0x1c7: {  	v8 =	vmul.f32 v9, v2;
	v10 =	vshll.u32 v34, $0x10;
	v29 =	vand.u32 $0xFFFF0000, v34;
	v21 =	vld.idx.msk [tilespmem:v21+s17+$0x0], $0xffff  }
0x1c8: {  	v26 =	vmul.f32 v26, v37;
	v9 =	vadd.f32 v17, v19;
	v2 =	vshll.u32 v38, $0x10;
	v35 =	vld.idx.msk [tilespmem:v11+s17+$0x0], $0xffff  }
0x1c9: {  	v19 =	vadd.f32 v25, v30;
	v17 =	vshll.u32 v22, $0x10;
	v22 =	vmul.f32 v16, v15;
	v18 =	vld.idx.msk [tilespmem:v41+s17+$0x0], $0xffff  }
0x1ca: {  	v12 =	vmul.f32 v20, v12;
	v20 =	vmul.f32 v33, v17;
	v9 =	vadd.f32 v8, v9;
	v16 =	vld.idx.msk [tilespmem:v14+s17+$0x0], $0xffff  }
0x1cb: {  	v8 =	vand.u32 $0xFFFF0000, v38;
	v17 =	vand.u32 $0xFFFF0000, v4;
	v14 =	vadd.f32 v13, v19;
	v11 =	vld.idx.msk [tilespmem:v11+s15+$0x0], $0xffff  }
0x1cc: {  	v5 =	vadd.f32 v5, v9;
	v13 =	vshll.u32 v23, $0x10;
	v19 =	vand.u32 $0xFFFF0000, v23;
	v23 =	vld.idx.msk [tilespmem:v7+s15+$0x0], $0xffff  }
0x1cd: {  	v25 =	vshll.u32 v24, $0x10;
	v15 =	vand.u32 $0xFFFF0000, v21;
	v6 =	vadd.f32 v6, v14;
	v37 =	vld.idx.msk [tilespmem:v7+s17+$0x0], $0xffff  }
0x1ce: {  	v9 =	vshll.u32 v21, $0x10;
	v14 =	vadd.f32 v28, v5;
	v7 =	vshll.u32 v40, $0x10  }
0x1cf: {  	v21 =	vand.u32 $0xFFFF0000, v24;
	v28 =	vand.u32 $0xFFFF0000, v40;
	v30 =	vadd.f32 v39, v6  }
0x1d0: {  	v5 =	vmul.f32 v7, v25;
	v7 =	vadd.f32 v32, v14;
	v31 =	vand.u32 $0xFFFF0000, v16  }
0x1d1: {  	v6 =	vmul.f32 v28, v21;
	v24 =	vshll.u32 v11, $0x10;
	v14 =	vadd.f32 v12, v30  }
0x1d2: {  	v32 =	vmul.f32 v31, v29;
	v7 =	vadd.f32 v26, v7;
	v33 =	vshll.u32 v23, $0x10  }
.Ltmp8:
0x1d3: {  	v12 =	vand.u32 $0xFFFF0000, v23;
	v34 =	vshll.u32 v37, $0x10;
	v30 =	vadd.f32 v27, v14;
	v23 =	vld.idx.msk [tilespmem:v36+s15+$0x0], $0xffff;
	(pc) =	sbr.rel @p1 .LBB2_16-.Ltmp8, $4  }
0x1d4: {  	v25 =	vand.u32 $0xFFFF0000, v11;
	v26 =	vand.u32 $0xFFFF0000, v35;
	v14 =	vadd.s32 s8, v3  }
0x1d5: {  	v31 =	vadd.f32 v20, v7;
	v11 =	vor.u32 $0x1, v14;
	v21 =	vor.u32 $0x2, v14;
	v27 =	vld.idx.msk [tilespmem:v36+s17+$0x0], $0xffff  }
0x1d6: {  	v28 =	vor.u32 $0x3, v14;
	v29 =	vor.u32 $0x4, v14;
	v30 =	vadd.f32 v22, v30  }
0x1d7: {  	v35 =	vshll.u32 v35, $0x10;
	v20 =	vand.u32 $0xFFFF0000, v37;
	v7 =	vor.u32 $0x5, v14;
	v22 =	vld.idx.msk [tilespmem:v41+s15+$0x0], $0xffff  }
0x1d8: {  	v3 =	vadd.f32 v32, v30  }
0x1d9: {  	v44 =	vmul.f32 v34, v33;
	v45 =	vshll.u32 v18, $0x10;
	v16 =	vshll.u32 v16, $0x10  }
0x1da: {  	v33 =	vor.u32 $0x6, v14;
	v46 =	vshll.u32 v23, $0x10;
	v17 =	vmul.f32 v17, v19  }
0x1db: {  	v48 =	vand.u32 $0xFFFF0000, v18;
	v49 =	vmul.f32 v35, v24;
	v4 =	vshll.u32 v4, $0x10  }
0x1dc: {  	v47 =	vld.idx.msk [tilespmem:v14+s15+$0x0], $0xffff;
	v36 =	vor.u32 $0x7, v14;
	v52 =	vmul.f32 v26, v25;
	v10 =	vmul.f32 v16, v10  }
0x1dd: {  	v50 =	vld.idx.msk [tilespmem:v21+s15+$0x0], $0xffff;
	v8 =	vmul.f32 v15, v8;
	v53 =	vand.u32 $0xFFFF0000, v23;
	v2 =	vmul.f32 v9, v2  }
0x1de: {  	v25 =	vld.idx.msk [tilespmem:v29+s17+$0x0], $0xffff;
	v12 =	vmul.f32 v20, v12;
	v4 =	vmul.f32 v4, v13;
	v10 =	vadd.f32 v10, v31  }
0x1df: {  	v56 =	vld.idx.msk [tilespmem:v29+s15+$0x0], $0xffff;
	v51 =	vand.u32 $0xFFFF0000, v27;
	v55 =	vshll.u32 v27, $0x10;
	v3 =	vadd.f32 v52, v3  }
0x1e0: {  	v60 =	vld.idx.msk [tilespmem:v21+s17+$0x0], $0xffff;
	v15 =	vmul.f32 v51, v53;
	v63 =	vmul.f32 v55, v46;
	v58 =	vadd.f32 v49, v10  }
0x1e1: {  	v62 =	vld.idx.msk [tilespmem:v28+s15+$0x0], $0xffff;
	v54 =	vand.u32 $0xFFFF0000, v22;
	v3 =	vadd.f32 v8, v3;
	v26 =	vshll.u32 v22, $0x10  }
0x1e2: {  	v28 =	vld.idx.msk [tilespmem:v28+s17+$0x0], $0xffff;
	v57 =	vshll.u32 v47, $0x10;
	v59 =	vand.u32 $0xFFFF0000, v47;
	v2 =	vadd.f32 v2, v58  }
0x1e3: {  	v29 =	vld.idx.msk [tilespmem:v14+s17+$0x0], $0xffff;
	v61 =	vshll.u32 v50, $0x10;
	v18 =	vmul.f32 v48, v54;
	v31 =	vmul.f32 v45, v26  }
0x1e4: {  	v40 =	vld.idx.msk [tilespmem:v11+s17+$0x0], $0xffff;
	v32 =	vand.u32 $0xFFFF0000, v50;
	v3 =	vadd.f32 v6, v3;
	v2 =	vadd.f32 v5, v2  }
0x1e5: {  	v35 =	vand.u32 $0xFFFF0000, v25;
	v37 =	vshll.u32 v56, $0x10;
	v13 =	vand.u32 $0xFFFF0000, v56  }
0x1e6: {  	v38 =	vand.u32 $0xFFFF0000, v60;
	v3 =	vadd.f32 v17, v3;
	v2 =	vadd.f32 v4, v2  }
0x1e7: {  	v34 =	vld.idx.msk [tilespmem:v11+s15+$0x0], $0xffff;
	v39 =	vshll.u32 v62, $0x10;
	v16 =	vshll.u32 v60, $0x10;
	v41 =	vshll.u32 v28, $0x10  }
0x1e8: {  	v8 =	vand.u32 $0xFFFF0000, v62;
	v3 =	vadd.f32 v12, v3;
	v2 =	vadd.f32 v44, v2  }
0x1e9: {  	v9 =	vand.u32 $0xFFFF0000, v28;
	v42 =	vand.u32 $0xFFFF0000, v29;
	v46 =	vand.u32 $0xFFFF0000, v40  }
0x1ea: {  	v43 =	vld.idx.msk [tilespmem:v7+s15+$0x0], $0xffff;
	v6 =	vshll.u32 v29, $0x10;
	v3 =	vadd.f32 v15, v3;
	v2 =	vadd.f32 v63, v2  }
0x1eb: {  	v11 =	vshll.u32 v40, $0x10;
	v10 =	vmul.f32 v42, v59;
	v6 =	vmul.f32 v6, v57  }
0x1ec: {  	v5 =	vand.u32 $0xFFFF0000, v34;
	v3 =	vadd.f32 v18, v3;
	v2 =	vadd.f32 v31, v2  }
0x1ed: {  	v45 =	vld.idx.msk [tilespmem:v7+s17+$0x0], $0xffff;
	v8 =	vmul.f32 v9, v8;
	v5 =	vmul.f32 v46, v5;
	v44 =	vshll.u32 v34, $0x10  }
0x1ee: {  	v47 =	vld.idx.msk [tilespmem:v33+s15+$0x0], $0xffff;
	v11 =	vmul.f32 v11, v44;
	v3 =	vadd.f32 v10, v3;
	v2 =	vadd.f32 v6, v2  }
0x1ef: {  	v48 =	vld.idx.msk [tilespmem:v36+s17+$0x0], $0xffff;
	v49 =	vshll.u32 v43, $0x10;
	v50 =	vmul.f32 v38, v32;
	v16 =	vmul.f32 v16, v61  }
0x1f0: {  	v51 =	vld.idx.msk [tilespmem:v33+s17+$0x0], $0xffff;
	v57 =	vshll.u32 v25, $0x10;
	v3 =	vadd.f32 v5, v3;
	v2 =	vadd.f32 v11, v2  }
0x1f1: {  	v53 =	vand.u32 $0xFFFF0000, v43;
	v56 =	vmul.f32 v35, v13;
	v13 =	vmul.f32 v57, v37  }
0x1f2: {  	v54 =	vld.idx.msk [tilespmem:v36+s15+$0x0], $0xffff;
	v4 =	vmul.f32 v41, v39;
	v3 =	vadd.f32 v50, v3;
	v2 =	vadd.f32 v16, v2  }
0x1f3: {  	v52 =	vshll.u32 v45, $0x10;
	v7 =	vand.u32 $0xFFFF0000, v45;
	v55 =	vshll.u32 v47, $0x10  }
0x1f4: {  	v58 =	vand.u32 $0xFFFF0000, v48;
	v3 =	vadd.f32 v8, v3;
	v2 =	vadd.f32 v4, v2  }
0x1f5: {  	v59 =	vand.u32 $0xFFFF0000, v51;
	v61 =	vshll.u32 v51, $0x10;
	v7 =	vmul.f32 v7, v53  }
0x1f6: {  	v5 =	vmul.f32 v52, v49;
	v3 =	vadd.f32 v56, v3;
	v2 =	vadd.f32 v13, v2  }
0x1f7: {  	v60 =	vand.u32 $0xFFFF0000, v54;
	v9 =	vmul.f32 v61, v55;
	v10 =	vand.u32 $0xFFFF0000, v47  }
0x1f8: {  	v8 =	vmul.f32 v59, v10;
	v3 =	vadd.f32 v7, v3;
	v2 =	vadd.f32 v5, v2  }
0x1f9: {  	v62 =	vshll.u32 v48, $0x10;
	v63 =	vshll.u32 v54, $0x10;
	v4 =	vmul.f32 v58, v60  }
0x1fa: {  	s5 =	sadd.s32 $0x1, s5;
	v3 =	vadd.f32 v8, v3;
	v5 =	vmul.f32 v62, v63;
	v2 =	vadd.f32 v9, v2  }
0x1fb: {  	p1 =	sne.s32 s5, $0x5  }
.Ltmp9:
0x1fc: {  	v3 =	vadd.f32 v4, v3;
	v2 =	vadd.f32 v5, v2;
	(pc) =	sbr.rel @p1 .LBB2_15-.Ltmp9, $3  }
0x1fd: {  	_ = 	snop  }
0x1fe: {  	v2 =	vadd.f32 v3, v2;
	_ =	sdelay $0x1  }
0x1ff: {  	[tilespmem:v1+s6+$0x0 ss:$0x1] =	vst.idx.msk $0xffff, v2  }
0x200: {  	s5 =	sadd.s32 @!p0 $0x280, s24;
	s6 =	simm.s32 @!p0 $0x28;
	s7 =	simm.s32 @!p0 $0x8A20  }
0x201: {  	[tilespmem:s7], [sflag:$0x4] =	stream.indirect.gather @!p0 [hbm4b:s3+s6], $0x40, s5, s6, $0xb8;
	[tilespmem:$0x13D30] =	vst v63  }
0x202: {  	s5 =	sadd.s32 @!p0 $0x2990, s24;
	s7 =	simm.s32 @!p0 $0xEE20  }
0x203: {  	[tilespmem:s7], [sflag:$0x4] =	stream.indirect.gather @!p0 [hbm4b:s4+s6], $0x40, s5, s6, $0xb8;
	[tilespmem:$0x13D30] =	vst v63  }
0x204: {  	s5 =	sadd.s32 @!p0 $0x2A8, s24;
	s7 =	simm.s32 @!p0 $0x9420  }
0x205: {  	[tilespmem:s7], [sflag:$0x4] =	stream.indirect.gather @!p0 [hbm4b:s3+s6], $0x40, s5, s6, $0xb8;
	[tilespmem:$0x13D30] =	vst v63  }
0x206: {  	s5 =	sadd.s32 @!p0 $0x29B8, s24;
	s7 =	simm.s32 @!p0 $0xF820  }
0x207: {  	[tilespmem:s7], [sflag:$0x4] =	stream.indirect.gather @!p0 [hbm4b:s4+s6], $0x40, s5, s6, $0xb8;
	[tilespmem:$0x13D30] =	vst v63  }
0x208: {  	_ =	swait.ge [sflag:s23], $0xA00  }
0x209: {  	[sflag:s23] =	ssyncset.done $0x0  }
0x20a: {  	[sflag:s23] =	ssyncadd.s32 $0xFFFFF600  }
0x20b: {  	_ =	swait.ge [sflag:s23], $0xA00  }
0x20c: {  	[sflag:s23] =	ssyncset.done $0x0  }
0x20d: {  	[sflag:s23] =	ssyncadd.s32 $0xFFFFF600  }
0x20e: {  	_ =	swait.ge [sflag:s23], $0xA00  }
0x20f: {  	[sflag:s23] =	ssyncset.done $0x0  }
0x210: {  	[sflag:s23] =	ssyncadd.s32 $0xFFFFF600  }
0x211: {  	_ =	swait.ge [sflag:s23], $0xA00  }
0x212: {  	s24 =	sadd.s32 $0x11760, s0;
	[sflag:s23] =	ssyncset.done $0x0  }
0x213: {  	s0 =	simm.s32 $0x0;
	v1 =	vmov s24;
	s5 =	simm.s32 $0x0;
	[sflag:s23] =	ssyncadd.s32 $0xFFFFF600  }
.LBB2_19:
0x214: {  	s6 =	sshll.u32 s5, $0x4  }
0x215: {  	v2 =	vmov s6  }
0x216: {  	v2 =	vshll.u32 v2, $0x6  }
0x217: {  	v3 =	vor.u32 v0, v2  }
0x218: {  	v2 =	vadd.s32 s0, v3;
	_ =	sdelay $0x1  }
0x219: {  	v5 =	vor.u32 $0x2, v2  }
0x21a: {  	v4 =	vor.u32 $0x3, v2;
	_ =	sdelay $0x1  }
0x21b: {  	v6 =	vor.u32 $0x4, v2;
	v7 =	vld.idx.msk [tilespmem:v2+s25+$0x0], $0xffff  }
0x21c: {  	v16 =	vld.idx.msk [tilespmem:v2+s30+$0x0], $0xffff  }
0x21d: {  	v8 =	vld.idx.msk [tilespmem:v5+s25+$0x0], $0xffff  }
0x21e: {  	v9 =	vor.u32 $0x1, v2;
	v11 =	vld.idx.msk [tilespmem:v4+s30+$0x0], $0xffff  }
0x21f: {  	v13 =	vor.u32 $0x5, v2;
	v12 =	vld.idx.msk [tilespmem:v4+s25+$0x0], $0xffff  }
0x220: {  	v4 =	vld.idx.msk [tilespmem:v6+s30+$0x0], $0xffff  }
0x221: {  	v6 =	vld.idx.msk [tilespmem:v6+s25+$0x0], $0xffff  }
0x222: {  	v5 =	vld.idx.msk [tilespmem:v5+s30+$0x0], $0xffff  }
0x223: {  	v30 =	vimm.f32 $0.0e+00;
	v20 =	vor.u32 $0x6, v2;
	v21 =	vld.idx.msk [tilespmem:v9+s25+$0x0], $0xffff  }
0x224: {  	v22 =	vor.u32 $0x7, v2;
	v14 =	vld.idx.msk [tilespmem:v13+s25+$0x0], $0xffff;
	v10 =	vshll.u32 v7, $0x10;
	v7 =	vand.u32 $0xFFFF0000, v7  }
0x225: {  	v31 =	vld.idx.msk [tilespmem:v13+s30+$0x0], $0xffff;
	v18 =	vand.u32 $0xFFFF0000, v16;
	v2 =	vshll.u32 v8, $0x10;
	v8 =	vand.u32 $0xFFFF0000, v8  }
0x226: {  	v17 =	vand.u32 $0xFFFF0000, v4;
	v13 =	vshll.u32 v6, $0x10;
	v19 =	vand.u32 $0xFFFF0000, v6  }
0x227: {  	v35 =	vld.idx.msk [tilespmem:v9+s30+$0x0], $0xffff;
	v15 =	vand.u32 $0xFFFF0000, v5;
	v6 =	vshll.u32 v12, $0x10;
	v9 =	vshll.u32 v5, $0x10  }
0x228: {  	v5 =	vshll.u32 v11, $0x10;
	v12 =	vand.u32 $0xFFFF0000, v12;
	v11 =	vand.u32 $0xFFFF0000, v11  }
0x229: {  	v24 =	vshll.u32 v21, $0x10;
	v32 =	vmul.f32 v18, v7;
	v33 =	vshll.u32 v14, $0x10  }
0x22a: {  	s7 =	simm.s32 $0x8;
	v34 =	vshll.u32 v31, $0x10;
	v18 =	vld.idx.msk [tilespmem:v22+s30+$0x0], $0xffff;
	v25 =	vand.u32 $0xFFFF0000, v21;
	v5 =	vmul.f32 v5, v6  }
0x22b: {  	v23 =	vld.idx.msk [tilespmem:v20+s25+$0x0], $0xffff;
	v6 =	vmul.f32 v11, v12;
	v12 =	vand.u32 $0xFFFF0000, v14;
	v14 =	vadd.s32 s7, v3  }
0x22c: {  	v26 =	vand.u32 $0xFFFF0000, v35;
	v35 =	vshll.u32 v35, $0x10;
	v21 =	vor.u32 $0x2, v14  }
0x22d: {  	v27 =	vld.idx.msk [tilespmem:v20+s30+$0x0], $0xffff;
	v20 =	vand.u32 $0xFFFF0000, v31;
	v31 =	vimm.f32 $0.0e+00;
	v28 =	vor.u32 $0x3, v14  }
0x22e: {  	v22 =	vld.idx.msk [tilespmem:v22+s25+$0x0], $0xffff;
	s7 =	simm.s32 $0x10;
	v11 =	vor.u32 $0x1, v14;
	v29 =	vor.u32 $0x4, v14;
	v7 =	vor.u32 $0x5, v14  }
.LBB2_20:
0x22f: {  	p1 =	sne.s32 s7, $0x38;
	v30 =	vadd.f32 v32, v30;
	v32 =	vmul.f32 v34, v33;
	v33 =	vshll.u32 v18, $0x10;
	s8 =	smov.u32 s7;
	s7 =	sadd.s32 $0x8, s7  }
0x230: {  	v36 =	vor.u32 $0x6, v14;
	v16 =	vshll.u32 v16, $0x10;
	v37 =	vshll.u32 v23, $0x10;
	v34 =	vld.idx.msk [tilespmem:v14+s25+$0x0], $0xffff  }
0x231: {  	v39 =	vmul.f32 v17, v19;
	v10 =	vmul.f32 v16, v10;
	v16 =	vand.u32 $0xFFFF0000, v18;
	v38 =	vld.idx.msk [tilespmem:v21+s25+$0x0], $0xffff  }
0x232: {  	v17 =	vmul.f32 v35, v24;
	v4 =	vshll.u32 v4, $0x10;
	v18 =	vand.u32 $0xFFFF0000, v27;
	v40 =	vld.idx.msk [tilespmem:v28+s30+$0x0], $0xffff  }
0x233: {  	v41 =	vor.u32 $0x7, v14;
	v19 =	vadd.f32 v10, v31;
	v24 =	vld.idx.msk [tilespmem:v28+s25+$0x0], $0xffff;
	v28 =	vmul.f32 v4, v13  }
0x234: {  	v13 =	vmul.f32 v15, v8;
	v8 =	vand.u32 $0xFFFF0000, v23;
	v15 =	vand.u32 $0xFFFF0000, v22;
	v4 =	vld.idx.msk [tilespmem:v29+s30+$0x0], $0xffff  }
0x235: {  	v25 =	vmul.f32 v26, v25;
	v26 =	vshll.u32 v27, $0x10;
	v27 =	vmul.f32 v18, v8;
	v23 =	vld.idx.msk [tilespmem:v29+s25+$0x0], $0xffff  }
0x236: {  	v8 =	vmul.f32 v9, v2;
	v10 =	vshll.u32 v34, $0x10;
	v29 =	vand.u32 $0xFFFF0000, v34;
	v21 =	vld.idx.msk [tilespmem:v21+s30+$0x0], $0xffff  }
0x237: {  	v26 =	vmul.f32 v26, v37;
	v9 =	vadd.f32 v17, v19;
	v2 =	vshll.u32 v38, $0x10;
	v35 =	vld.idx.msk [tilespmem:v11+s30+$0x0], $0xffff  }
0x238: {  	v19 =	vadd.f32 v25, v30;
	v17 =	vshll.u32 v22, $0x10;
	v22 =	vmul.f32 v16, v15;
	v18 =	vld.idx.msk [tilespmem:v41+s30+$0x0], $0xffff  }
0x239: {  	v12 =	vmul.f32 v20, v12;
	v20 =	vmul.f32 v33, v17;
	v9 =	vadd.f32 v8, v9;
	v16 =	vld.idx.msk [tilespmem:v14+s30+$0x0], $0xffff  }
0x23a: {  	v8 =	vand.u32 $0xFFFF0000, v38;
	v17 =	vand.u32 $0xFFFF0000, v4;
	v14 =	vadd.f32 v13, v19;
	v11 =	vld.idx.msk [tilespmem:v11+s25+$0x0], $0xffff  }
0x23b: {  	v5 =	vadd.f32 v5, v9;
	v13 =	vshll.u32 v23, $0x10;
	v19 =	vand.u32 $0xFFFF0000, v23;
	v23 =	vld.idx.msk [tilespmem:v7+s25+$0x0], $0xffff  }
0x23c: {  	v25 =	vshll.u32 v24, $0x10;
	v15 =	vand.u32 $0xFFFF0000, v21;
	v6 =	vadd.f32 v6, v14;
	v37 =	vld.idx.msk [tilespmem:v7+s30+$0x0], $0xffff  }
0x23d: {  	v9 =	vshll.u32 v21, $0x10;
	v14 =	vadd.f32 v28, v5;
	v7 =	vshll.u32 v40, $0x10  }
0x23e: {  	v21 =	vand.u32 $0xFFFF0000, v24;
	v28 =	vand.u32 $0xFFFF0000, v40;
	v30 =	vadd.f32 v39, v6  }
0x23f: {  	v5 =	vmul.f32 v7, v25;
	v7 =	vadd.f32 v32, v14;
	v31 =	vand.u32 $0xFFFF0000, v16  }
0x240: {  	v6 =	vmul.f32 v28, v21;
	v24 =	vshll.u32 v11, $0x10;
	v14 =	vadd.f32 v12, v30  }
0x241: {  	v32 =	vmul.f32 v31, v29;
	v7 =	vadd.f32 v26, v7;
	v33 =	vshll.u32 v23, $0x10  }
.Ltmp10:
0x242: {  	v12 =	vand.u32 $0xFFFF0000, v23;
	v34 =	vshll.u32 v37, $0x10;
	v30 =	vadd.f32 v27, v14;
	v23 =	vld.idx.msk [tilespmem:v36+s25+$0x0], $0xffff;
	(pc) =	sbr.rel @p1 .LBB2_20-.Ltmp10, $4  }
0x243: {  	v25 =	vand.u32 $0xFFFF0000, v11;
	v26 =	vand.u32 $0xFFFF0000, v35;
	v14 =	vadd.s32 s8, v3  }
0x244: {  	v31 =	vadd.f32 v20, v7;
	v11 =	vor.u32 $0x1, v14;
	v21 =	vor.u32 $0x2, v14;
	v27 =	vld.idx.msk [tilespmem:v36+s30+$0x0], $0xffff  }
0x245: {  	v28 =	vor.u32 $0x3, v14;
	v29 =	vor.u32 $0x4, v14;
	v30 =	vadd.f32 v22, v30  }
0x246: {  	v35 =	vshll.u32 v35, $0x10;
	v20 =	vand.u32 $0xFFFF0000, v37;
	v7 =	vor.u32 $0x5, v14;
	v22 =	vld.idx.msk [tilespmem:v41+s25+$0x0], $0xffff  }
0x247: {  	v3 =	vadd.f32 v32, v30  }
0x248: {  	v44 =	vmul.f32 v34, v33;
	v45 =	vshll.u32 v18, $0x10;
	v16 =	vshll.u32 v16, $0x10  }
0x249: {  	v33 =	vor.u32 $0x6, v14;
	v46 =	vshll.u32 v23, $0x10;
	v17 =	vmul.f32 v17, v19  }
0x24a: {  	v48 =	vand.u32 $0xFFFF0000, v18;
	v49 =	vmul.f32 v35, v24;
	v4 =	vshll.u32 v4, $0x10  }
0x24b: {  	v47 =	vld.idx.msk [tilespmem:v14+s25+$0x0], $0xffff;
	v36 =	vor.u32 $0x7, v14;
	v52 =	vmul.f32 v26, v25;
	v10 =	vmul.f32 v16, v10  }
0x24c: {  	v50 =	vld.idx.msk [tilespmem:v21+s25+$0x0], $0xffff;
	v8 =	vmul.f32 v15, v8;
	v53 =	vand.u32 $0xFFFF0000, v23;
	v2 =	vmul.f32 v9, v2  }
0x24d: {  	v25 =	vld.idx.msk [tilespmem:v29+s30+$0x0], $0xffff;
	v12 =	vmul.f32 v20, v12;
	v4 =	vmul.f32 v4, v13;
	v10 =	vadd.f32 v10, v31  }
0x24e: {  	v56 =	vld.idx.msk [tilespmem:v29+s25+$0x0], $0xffff;
	v51 =	vand.u32 $0xFFFF0000, v27;
	v55 =	vshll.u32 v27, $0x10;
	v3 =	vadd.f32 v52, v3  }
0x24f: {  	v60 =	vld.idx.msk [tilespmem:v21+s30+$0x0], $0xffff;
	v15 =	vmul.f32 v51, v53;
	v63 =	vmul.f32 v55, v46;
	v58 =	vadd.f32 v49, v10  }
0x250: {  	v62 =	vld.idx.msk [tilespmem:v28+s25+$0x0], $0xffff;
	v54 =	vand.u32 $0xFFFF0000, v22;
	v3 =	vadd.f32 v8, v3;
	v26 =	vshll.u32 v22, $0x10  }
0x251: {  	v28 =	vld.idx.msk [tilespmem:v28+s30+$0x0], $0xffff;
	v57 =	vshll.u32 v47, $0x10;
	v59 =	vand.u32 $0xFFFF0000, v47;
	v2 =	vadd.f32 v2, v58  }
0x252: {  	v29 =	vld.idx.msk [tilespmem:v14+s30+$0x0], $0xffff;
	v61 =	vshll.u32 v50, $0x10;
	v18 =	vmul.f32 v48, v54;
	v31 =	vmul.f32 v45, v26  }
0x253: {  	v40 =	vld.idx.msk [tilespmem:v11+s30+$0x0], $0xffff;
	v32 =	vand.u32 $0xFFFF0000, v50;
	v3 =	vadd.f32 v6, v3;
	v2 =	vadd.f32 v5, v2  }
0x254: {  	v35 =	vand.u32 $0xFFFF0000, v25;
	v37 =	vshll.u32 v56, $0x10;
	v13 =	vand.u32 $0xFFFF0000, v56  }
0x255: {  	v38 =	vand.u32 $0xFFFF0000, v60;
	v3 =	vadd.f32 v17, v3;
	v2 =	vadd.f32 v4, v2  }
0x256: {  	v34 =	vld.idx.msk [tilespmem:v11+s25+$0x0], $0xffff;
	v39 =	vshll.u32 v62, $0x10;
	v16 =	vshll.u32 v60, $0x10;
	v41 =	vshll.u32 v28, $0x10  }
0x257: {  	v8 =	vand.u32 $0xFFFF0000, v62;
	v3 =	vadd.f32 v12, v3;
	v2 =	vadd.f32 v44, v2  }
0x258: {  	v9 =	vand.u32 $0xFFFF0000, v28;
	v42 =	vand.u32 $0xFFFF0000, v29;
	v46 =	vand.u32 $0xFFFF0000, v40  }
0x259: {  	v43 =	vld.idx.msk [tilespmem:v7+s25+$0x0], $0xffff;
	v6 =	vshll.u32 v29, $0x10;
	v3 =	vadd.f32 v15, v3;
	v2 =	vadd.f32 v63, v2  }
0x25a: {  	v11 =	vshll.u32 v40, $0x10;
	v10 =	vmul.f32 v42, v59;
	v6 =	vmul.f32 v6, v57  }
0x25b: {  	v5 =	vand.u32 $0xFFFF0000, v34;
	v3 =	vadd.f32 v18, v3;
	v2 =	vadd.f32 v31, v2  }
0x25c: {  	v45 =	vld.idx.msk [tilespmem:v7+s30+$0x0], $0xffff;
	v8 =	vmul.f32 v9, v8;
	v5 =	vmul.f32 v46, v5;
	v44 =	vshll.u32 v34, $0x10  }
0x25d: {  	v47 =	vld.idx.msk [tilespmem:v33+s25+$0x0], $0xffff;
	v11 =	vmul.f32 v11, v44;
	v3 =	vadd.f32 v10, v3;
	v2 =	vadd.f32 v6, v2  }
0x25e: {  	v48 =	vld.idx.msk [tilespmem:v36+s30+$0x0], $0xffff;
	v49 =	vshll.u32 v43, $0x10;
	v50 =	vmul.f32 v38, v32;
	v16 =	vmul.f32 v16, v61  }
0x25f: {  	v51 =	vld.idx.msk [tilespmem:v33+s30+$0x0], $0xffff;
	v57 =	vshll.u32 v25, $0x10;
	v3 =	vadd.f32 v5, v3;
	v2 =	vadd.f32 v11, v2  }
0x260: {  	v53 =	vand.u32 $0xFFFF0000, v43;
	v56 =	vmul.f32 v35, v13;
	v13 =	vmul.f32 v57, v37  }
0x261: {  	v54 =	vld.idx.msk [tilespmem:v36+s25+$0x0], $0xffff;
	v4 =	vmul.f32 v41, v39;
	v3 =	vadd.f32 v50, v3;
	v2 =	vadd.f32 v16, v2  }
0x262: {  	v52 =	vshll.u32 v45, $0x10;
	v7 =	vand.u32 $0xFFFF0000, v45;
	v55 =	vshll.u32 v47, $0x10  }
0x263: {  	v58 =	vand.u32 $0xFFFF0000, v48;
	v3 =	vadd.f32 v8, v3;
	v2 =	vadd.f32 v4, v2  }
0x264: {  	v59 =	vand.u32 $0xFFFF0000, v51;
	v61 =	vshll.u32 v51, $0x10;
	v7 =	vmul.f32 v7, v53  }
0x265: {  	v5 =	vmul.f32 v52, v49;
	v3 =	vadd.f32 v56, v3;
	v2 =	vadd.f32 v13, v2  }
0x266: {  	v60 =	vand.u32 $0xFFFF0000, v54;
	v9 =	vmul.f32 v61, v55;
	v10 =	vand.u32 $0xFFFF0000, v47  }
0x267: {  	v8 =	vmul.f32 v59, v10;
	v3 =	vadd.f32 v7, v3;
	v2 =	vadd.f32 v5, v2  }
0x268: {  	v62 =	vshll.u32 v48, $0x10;
	v63 =	vshll.u32 v54, $0x10;
	v4 =	vmul.f32 v58, v60  }
0x269: {  	s5 =	sadd.s32 $0x1, s5;
	v3 =	vadd.f32 v8, v3;
	v5 =	vmul.f32 v62, v63;
	v2 =	vadd.f32 v9, v2  }
0x26a: {  	p1 =	sne.s32 s5, $0x5  }
.Ltmp11:
0x26b: {  	v3 =	vadd.f32 v4, v3;
	v2 =	vadd.f32 v5, v2;
	(pc) =	sbr.rel @p1 .LBB2_19-.Ltmp11, $3  }
0x26c: {  	_ = 	snop  }
0x26d: {  	v2 =	vadd.f32 v3, v2;
	_ =	sdelay $0x1  }
0x26e: {  	[tilespmem:v1+s6+$0x0 ss:$0x1] =	vst.idx.msk $0xffff, v2  }
.Ltmp12:
0x26f: {  	(pc) =	sbr.rel @p0 .LBB2_24-.Ltmp12, $1  }
0x270: {  	_ =	sdelay $0x3  }
0x271: {  	s0 =	smul.u32 $0x190, s31;
	_ =	sdelay $0x1  }
0x272: {  	s5 =	sadd.s32 $0x2D0, s0  }
0x273: {  	[tilespmem:s25], [sflag:$0x5] =	stream.indirect.gather [hbm4b:s3+s11], $0x40, s5, s11, $0xb8;
	[tilespmem:$0x13D30] =	vst v63  }
0x274: {  	s10 =	sadd.s32 $0x29E0, s0  }
0x275: {  	[tilespmem:s30], [sflag:$0x5] =	stream.indirect.gather [hbm4b:s4+s11], $0x40, s10, s11, $0xb8;
	[tilespmem:$0x13D30] =	vst v63  }
.Ltmp13:
0x276: {  	_ = 	snop;
	(pc) =	sbr.rel .LBB2_2-.Ltmp13, $4  }
0x277: {  	s24 =	sadd.s32 $0x2F8, s0  }
0x278: {  	[tilespmem:s1], [sflag:$0x5] =	stream.indirect.gather [hbm4b:s3+s11], $0x40, s24, s11, $0xb8;
	[tilespmem:$0x13D30] =	vst v63  }
0x279: {  	s31 =	sadd.s32 $0x1, s31;
	s0 =	sadd.s32 $0x2A08, s0  }
0x27a: {  	[tilespmem:s14], [sflag:$0x5] =	stream.indirect.gather [hbm4b:s4+s11], $0x40, s0, s11, $0xb8;
	[tilespmem:$0x13D30] =	vst v63  }
.LBB2_25:
0x27b: {  	_ =	sfence.sel $0x180000  }
0x27c: {  	[bflag:$0x0] =	sbarrier.arrive $0xFFFF  }
0x27d: {  	_ =	strace $0x90000047  }
0x27e: {  	s0 =	stileid.u32;
	[bflag:$0x2] =	sbarrier.arrive $0xFFFF  }
0x27f: {  	p0 =	sne.s32 s0, $0x0;
	s0 =	rddreg [dreg:$0x2]  }
0x280: {  	s0 =	sadd.s32 @!p0 $0x100000, s0  }
0x281: {  	[sflag:s0] =	ssyncadd.tile.s32 @!p0 $0x1;
	_ =	shalt  }
.Lfunc_end2:
_tile_overlayer_lowered:
.L_overlay_start_2:
0x282: {  	(tag) =	ssettag $0x2  }
0x283: {  	s0 =	rddreg [dreg:$0x0];
	s2 =	stileid.u32  }
0x284: {  	s1 =	rddreg [dreg:$0x1];
	p0 =	sne.s32 s2, $0x0  }
0x285: {  	s3 =	rddreg [dreg:$0x2];
	[bflag:$0x3] =	sbarrier.arrive $0xFFFF;
	s2 =	simm.s32 @!p0 $0x1C06  }
0x286: {  	[timem:s3], [sflag:s2] =	dma.local @!p0 [hbm:s0], s1  }
0x287: {  	s0 =	simm.s32 @!p0 $0x6  }
0x288: {  	_ =	swait.ge @!p0 [sflag:s0], s1  }
0x289: {  	s1 =	ssub.s32 @!p0 $0x0, s1;
	[sflag:s0] =	ssyncset.done @!p0 $0x0  }
0x28a: {  	[sflag:s0] =	ssyncadd.s32 @!p0 s1  }
0x28b: {  	[bflag:$0x3] =	sbarrier.arrive $0xFFFF  }
0x28c: {  	_ =	shalt  }

</sc_bundles>
